<compile_context>
chip_gen: v7x
topology: tpu7x:2x2x1
jax: 0.10.2.dev20260603
libtpu: 0.0.44.dev20260713+nightly
codegen_flags: <defaults>
</compile_context>

<pallas_src>
import jax
import jax.numpy as jnp
from jax import lax
from jax.experimental import pallas as pl
from jax.experimental.pallas import tpu as pltpu
from jax.experimental.pallas import tpu_sc as plsc

_NC = 2
_NS = 16
_NW = _NC * _NS
_CHUNK = 32
_NBUF = 5


def _make_sc_gather(n_idx, d_model, dtype):
    per_w = n_idx // _NW
    n_chunks = per_w // _CHUNK
    mesh = plsc.VectorSubcoreMesh(core_axis_name="c", subcore_axis_name="s")

    def body(idx_hbm, table_hbm, out_hbm, idx_v, *bufs_and_sems):
        rows = bufs_and_sems[:_NBUF]
        gsems = bufs_and_sems[_NBUF:2 * _NBUF]
        ssems = bufs_and_sems[2 * _NBUF:]
        wid = lax.axis_index("s") * _NC + lax.axis_index("c")
        base = wid * per_w
        pltpu.sync_copy(idx_hbm.at[wid], idx_v)

        def gather(j):
            b = j % _NBUF
            return pltpu.async_copy(table_hbm.at[idx_v.at[j]], rows[b], gsems[b])

        gets = [None] * n_chunks
        puts = [None] * n_chunks
        put_waited = [False] * n_chunks
        for j in range(min(_NBUF, n_chunks)):
            gets[j] = gather(j)
        for j in range(n_chunks):
            b = j % _NBUF
            if j >= 3 and j + 2 < n_chunks:
                puts[j - 3].wait()
                put_waited[j - 3] = True
                gets[j + 2] = gather(j + 2)
            gets[j].wait()
            puts[j] = pltpu.async_copy(
                rows[b], out_hbm.at[pl.ds(base + j * _CHUNK, _CHUNK)], ssems[b])
        for j in range(n_chunks):
            if not put_waited[j]:
                puts[j].wait()

    return pl.kernel(
        body,
        mesh=mesh,
        out_type=jax.ShapeDtypeStruct((n_idx, d_model), dtype),
        scratch_types=[
            pltpu.VMEM((n_chunks, _CHUNK), jnp.int32),
            *[pltpu.VMEM((_CHUNK, d_model), dtype) for _ in range(_NBUF)],
            *[pltpu.SemaphoreType.DMA for _ in range(2 * _NBUF)],
        ],
    )


def kernel(position_ids, pe):
    b, s = position_ids.shape
    _, d = pe.shape
    n = b * s
    per_w = n // _NW
    idx = position_ids.reshape(_NW, per_w // _CHUNK, _CHUNK)
    out = _make_sc_gather(n, d, pe.dtype)(idx, pe)
    return out.reshape(b, s, d)

# --- scband reference (transcript-rebuilt; emitter-appended) ---
"""Pipeline reference for scband-positional-encoding-45707041964792 (READ-ONLY COPY).

The authoritative reference and input builder live on the scoring server;
editing this copy changes nothing except your own understanding.
"""

import math
import jax, jax.numpy as jnp
import numpy as np

D_MODEL = 768
MAX_POSITION = 8192
BATCH = 4
SEQ_LEN = 8192


def _build_pe(max_position, d_model):
    position = np.arange(max_position, dtype=np.float32)[:, None]
    div_term = np.exp(np.arange(0, d_model, 2, dtype=np.float32) * (-math.log(10000.0) / d_model))
    pe = np.zeros((max_position, d_model), dtype=np.float32)
    pe[:, 0::2] = np.sin(position * div_term)
    pe[:, 1::2] = np.cos(position * div_term)
    return jnp.asarray(pe)


def setup_inputs(seed: int = 0) -> dict:
    key = jax.random.key(seed)
    position_ids = jax.random.randint(key, (BATCH, SEQ_LEN), 0, MAX_POSITION, dtype=jnp.int32)
    pe = _build_pe(MAX_POSITION, D_MODEL)
    return {"position_ids": position_ids, "pe": pe}


def reference(position_ids, pe):
    # nn.Embedding lookup: pe[position_ids] -> [B, S, d_model]
    # Dropout p=0.0 (eval) is identity.
    out = jnp.take(pe, position_ids, axis=0)
    return out

if __name__ == "__main__":
    import jax
    _d = setup_inputs()
    print(jax.jit(kernel)(*tuple(_d.values())))

</pallas_src>

<mosaic_0001>
#map = affine_map<(d0, d1) -> (0, 0, 0)>
#map1 = affine_map<(d0, d1) -> (0, 0)>
module attributes {stable_mosaic.version = 14 : i64} {
  func.func @body(%arg0: i32, %arg1: i32, %arg2: memref<32x32x32xi32, #tpu.memory_space<hbm>>, %arg3: memref<8192x768xf32, #tpu.memory_space<hbm>>, %arg4: memref<32768x768xf32, #tpu.memory_space<hbm>>, %arg5: memref<32x32xi32, #tpu.memory_space<vmem>>, %arg6: memref<32x768xf32, #tpu.memory_space<vmem>>, %arg7: memref<32x768xf32, #tpu.memory_space<vmem>>, %arg8: memref<32x768xf32, #tpu.memory_space<vmem>>, %arg9: memref<32x768xf32, #tpu.memory_space<vmem>>, %arg10: memref<32x768xf32, #tpu.memory_space<vmem>>, %arg11: memref<!tpu.dma_semaphore, #tpu.memory_space<semaphore_mem>>, %arg12: memref<!tpu.dma_semaphore, #tpu.memory_space<semaphore_mem>>, %arg13: memref<!tpu.dma_semaphore, #tpu.memory_space<semaphore_mem>>, %arg14: memref<!tpu.dma_semaphore, #tpu.memory_space<semaphore_mem>>, %arg15: memref<!tpu.dma_semaphore, #tpu.memory_space<semaphore_mem>>, %arg16: memref<!tpu.dma_semaphore, #tpu.memory_space<semaphore_mem>>, %arg17: memref<!tpu.dma_semaphore, #tpu.memory_space<semaphore_mem>>, %arg18: memref<!tpu.dma_semaphore, #tpu.memory_space<semaphore_mem>>, %arg19: memref<!tpu.dma_semaphore, #tpu.memory_space<semaphore_mem>>, %arg20: memref<!tpu.dma_semaphore, #tpu.memory_space<semaphore_mem>>) attributes {dimension_semantics = [#tpu.dimension_semantics<core_parallel>, #tpu.dimension_semantics<subcore_parallel>], iteration_bounds = array<i64: 2, 16>, scalar_prefetch = 0 : i64, scratch_operands = 16 : i64, tpu.core_type = #tpu.core_type<sc_vector_subcore>, window_params = [{transform_indices = #map}, {transform_indices = #map1}, {transform_indices = #map1}]} {
    %mul3A = arith.constant 2 : i32
    %mul3A_0 = arith.muli %arg1, %mul3A : i32
    %add3A = arith.addi %mul3A_0, %arg0 : i32
    %mul3A_1 = arith.constant 1024 : i32
    %mul3A_2 = arith.muli %add3A, %mul3A_1 : i32
    "tpu.region"() ({
      %run_scoped3A = tpu.sem_alloc : memref<!tpu.dma_semaphore, #tpu.memory_space<semaphore_mem>>
      %dma_start3A_769 = arith.constant 0 : i32
      %dma_start3A_770 = arith.constant 0 : i32
      %dma_start3A_771 = tpu.memref_slice %arg2[%add3A, %dma_start3A_769, %dma_start3A_770] : memref<32x32x32xi32, #tpu.memory_space<hbm>> -> memref<1x32x32xi32, #tpu.memory_space<hbm>>
      %dma_start3A_772 = tpu.memref_squeeze %dma_start3A_771 : memref<1x32x32xi32, #tpu.memory_space<hbm>> -> memref<32x32xi32, #tpu.memory_space<hbm>>
      %dma_start3A_773 = arith.constant 0 : i32
      %dma_start3A_774 = arith.constant 0 : i32
      %dma_start3A_775 = tpu.memref_slice %arg2[%add3A, %dma_start3A_773, %dma_start3A_774] : memref<32x32x32xi32, #tpu.memory_space<hbm>> -> memref<1x32x32xi32, #tpu.memory_space<hbm>>
      %dma_start3A_776 = tpu.memref_squeeze %dma_start3A_775 : memref<1x32x32xi32, #tpu.memory_space<hbm>> -> memref<32x32xi32, #tpu.memory_space<hbm>>
      tpu.enqueue_dma source(%dma_start3A_776 : memref<32x32xi32, #tpu.memory_space<hbm>>) target(%arg5 : memref<32x32xi32, #tpu.memory_space<vmem>>) target_semaphore(%run_scoped3A : memref<!tpu.dma_semaphore, #tpu.memory_space<semaphore_mem>>)
      %dma_wait3A_777 = arith.constant 0 : i32
      %dma_wait3A_778 = arith.constant 0 : i32
      %dma_wait3A_779 = tpu.memref_slice %arg2[%add3A, %dma_wait3A_777, %dma_wait3A_778] : memref<32x32x32xi32, #tpu.memory_space<hbm>> -> memref<1x32x32xi32, #tpu.memory_space<hbm>>
      %dma_wait3A_780 = tpu.memref_squeeze %dma_wait3A_779 : memref<1x32x32xi32, #tpu.memory_space<hbm>> -> memref<32x32xi32, #tpu.memory_space<hbm>>
      %dma_wait3A_781 = arith.constant 0 : i32
      %dma_wait3A_782 = arith.constant 0 : i32
      %dma_wait3A_783 = tpu.memref_slice %arg2[%add3A, %dma_wait3A_781, %dma_wait3A_782] : memref<32x32x32xi32, #tpu.memory_space<hbm>> -> memref<1x32x32xi32, #tpu.memory_space<hbm>>
      %dma_wait3A_784 = tpu.memref_squeeze %dma_wait3A_783 : memref<1x32x32xi32, #tpu.memory_space<hbm>> -> memref<32x32xi32, #tpu.memory_space<hbm>>
      tpu.wait_dma2 semaphore(%run_scoped3A : memref<!tpu.dma_semaphore, #tpu.memory_space<semaphore_mem>>) src(%dma_wait3A_784 : memref<32x32xi32, #tpu.memory_space<hbm>>) dst(%arg5 : memref<32x32xi32, #tpu.memory_space<vmem>>)
      tpu.yield
    }) : () -> ()
    %dma_start3A = arith.constant 0 : i32
    %dma_start3A_3 = arith.constant 0 : i32
    %dma_start3A_4 = tpu.memref_slice %arg5[%dma_start3A, %dma_start3A_3] : memref<32x32xi32, #tpu.memory_space<vmem>> -> memref<1x32xi32, #tpu.memory_space<vmem>>
    %dma_start3A_5 = tpu.memref_squeeze %dma_start3A_4 : memref<1x32xi32, #tpu.memory_space<vmem>> -> memref<32xi32, #tpu.memory_space<vmem>>
    %dma_start3A_6 = arith.constant 0 : i32
    %dma_start3A_7 = arith.constant 0 : i32
    %dma_start3A_8 = tpu.memref_slice %arg3[%dma_start3A_6, %dma_start3A_7] : memref<8192x768xf32, #tpu.memory_space<hbm>> -> memref<8192x768xf32, #tpu.memory_space<hbm>>
    tpu.enqueue_indirect_dma source(%dma_start3A_8 : memref<8192x768xf32, #tpu.memory_space<hbm>>) target(%arg6 : memref<32x768xf32, #tpu.memory_space<vmem>>) offsets(%dma_start3A_5 : memref<32xi32, #tpu.memory_space<vmem>>) semaphore(%arg11 : memref<!tpu.dma_semaphore, #tpu.memory_space<semaphore_mem>>)
    %dma_start3A_9 = arith.constant 1 : i32
    %dma_start3A_10 = arith.constant 0 : i32
    %dma_start3A_11 = tpu.memref_slice %arg5[%dma_start3A_9, %dma_start3A_10] : memref<32x32xi32, #tpu.memory_space<vmem>> -> memref<1x32xi32, #tpu.memory_space<vmem>>
    %dma_start3A_12 = tpu.memref_squeeze %dma_start3A_11 : memref<1x32xi32, #tpu.memory_space<vmem>> -> memref<32xi32, #tpu.memory_space<vmem>>
    %dma_start3A_13 = arith.constant 0 : i32
    %dma_start3A_14 = arith.constant 0 : i32
    %dma_start3A_15 = tpu.memref_slice %arg3[%dma_start3A_13, %dma_start3A_14] : memref<8192x768xf32, #tpu.memory_space<hbm>> -> memref<8192x768xf32, #tpu.memory_space<hbm>>
    tpu.enqueue_indirect_dma source(%dma_start3A_15 : memref<8192x768xf32, #tpu.memory_space<hbm>>) target(%arg7 : memref<32x768xf32, #tpu.memory_space<vmem>>) offsets(%dma_start3A_12 : memref<32xi32, #tpu.memory_space<vmem>>) semaphore(%arg12 : memref<!tpu.dma_semaphore, #tpu.memory_space<semaphore_mem>>)
    %dma_start3A_16 = arith.constant 2 : i32
    %dma_start3A_17 = arith.constant 0 : i32
    %dma_start3A_18 = tpu.memref_slice %arg5[%dma_start3A_16, %dma_start3A_17] : memref<32x32xi32, #tpu.memory_space<vmem>> -> memref<1x32xi32, #tpu.memory_space<vmem>>
    %dma_start3A_19 = tpu.memref_squeeze %dma_start3A_18 : memref<1x32xi32, #tpu.memory_space<vmem>> -> memref<32xi32, #tpu.memory_space<vmem>>
    %dma_start3A_20 = arith.constant 0 : i32
    %dma_start3A_21 = arith.constant 0 : i32
    %dma_start3A_22 = tpu.memref_slice %arg3[%dma_start3A_20, %dma_start3A_21] : memref<8192x768xf32, #tpu.memory_space<hbm>> -> memref<8192x768xf32, #tpu.memory_space<hbm>>
    tpu.enqueue_indirect_dma source(%dma_start3A_22 : memref<8192x768xf32, #tpu.memory_space<hbm>>) target(%arg8 : memref<32x768xf32, #tpu.memory_space<vmem>>) offsets(%dma_start3A_19 : memref<32xi32, #tpu.memory_space<vmem>>) semaphore(%arg13 : memref<!tpu.dma_semaphore, #tpu.memory_space<semaphore_mem>>)
    %dma_start3A_23 = arith.constant 3 : i32
    %dma_start3A_24 = arith.constant 0 : i32
    %dma_start3A_25 = tpu.memref_slice %arg5[%dma_start3A_23, %dma_start3A_24] : memref<32x32xi32, #tpu.memory_space<vmem>> -> memref<1x32xi32, #tpu.memory_space<vmem>>
    %dma_start3A_26 = tpu.memref_squeeze %dma_start3A_25 : memref<1x32xi32, #tpu.memory_space<vmem>> -> memref<32xi32, #tpu.memory_space<vmem>>
    %dma_start3A_27 = arith.constant 0 : i32
    %dma_start3A_28 = arith.constant 0 : i32
    %dma_start3A_29 = tpu.memref_slice %arg3[%dma_start3A_27, %dma_start3A_28] : memref<8192x768xf32, #tpu.memory_space<hbm>> -> memref<8192x768xf32, #tpu.memory_space<hbm>>
    tpu.enqueue_indirect_dma source(%dma_start3A_29 : memref<8192x768xf32, #tpu.memory_space<hbm>>) target(%arg9 : memref<32x768xf32, #tpu.memory_space<vmem>>) offsets(%dma_start3A_26 : memref<32xi32, #tpu.memory_space<vmem>>) semaphore(%arg14 : memref<!tpu.dma_semaphore, #tpu.memory_space<semaphore_mem>>)
    %dma_start3A_30 = arith.constant 4 : i32
    %dma_start3A_31 = arith.constant 0 : i32
    %dma_start3A_32 = tpu.memref_slice %arg5[%dma_start3A_30, %dma_start3A_31] : memref<32x32xi32, #tpu.memory_space<vmem>> -> memref<1x32xi32, #tpu.memory_space<vmem>>
    %dma_start3A_33 = tpu.memref_squeeze %dma_start3A_32 : memref<1x32xi32, #tpu.memory_space<vmem>> -> memref<32xi32, #tpu.memory_space<vmem>>
    %dma_start3A_34 = arith.constant 0 : i32
    %dma_start3A_35 = arith.constant 0 : i32
    %dma_start3A_36 = tpu.memref_slice %arg3[%dma_start3A_34, %dma_start3A_35] : memref<8192x768xf32, #tpu.memory_space<hbm>> -> memref<8192x768xf32, #tpu.memory_space<hbm>>
    tpu.enqueue_indirect_dma source(%dma_start3A_36 : memref<8192x768xf32, #tpu.memory_space<hbm>>) target(%arg10 : memref<32x768xf32, #tpu.memory_space<vmem>>) offsets(%dma_start3A_33 : memref<32xi32, #tpu.memory_space<vmem>>) semaphore(%arg15 : memref<!tpu.dma_semaphore, #tpu.memory_space<semaphore_mem>>)
    %dma_wait3A = arith.constant 0 : i32
    %dma_wait3A_37 = arith.constant 0 : i32
    %dma_wait3A_38 = tpu.memref_slice %arg5[%dma_wait3A, %dma_wait3A_37] : memref<32x32xi32, #tpu.memory_space<vmem>> -> memref<1x32xi32, #tpu.memory_space<vmem>>
    %dma_wait3A_39 = tpu.memref_squeeze %dma_wait3A_38 : memref<1x32xi32, #tpu.memory_space<vmem>> -> memref<32xi32, #tpu.memory_space<vmem>>
    %dma_wait3A_40 = arith.constant 0 : i32
    %dma_wait3A_41 = arith.constant 0 : i32
    %dma_wait3A_42 = tpu.memref_slice %arg3[%dma_wait3A_40, %dma_wait3A_41] : memref<8192x768xf32, #tpu.memory_space<hbm>> -> memref<8192x768xf32, #tpu.memory_space<hbm>>
    tpu.wait_indirect_dma semaphore(%arg11 : memref<!tpu.dma_semaphore, #tpu.memory_space<semaphore_mem>>) src(%dma_wait3A_42 : memref<8192x768xf32, #tpu.memory_space<hbm>>) dst(%arg6 : memref<32x768xf32, #tpu.memory_space<vmem>>)
    %add3A_43 = arith.constant 0 : i32
    %add3A_44 = arith.addi %mul3A_2, %add3A_43 : i32
    %dma_start3A_45 = arith.constant 0 : i32
    %dma_start3A_46 = tpu.memref_slice %arg4[%add3A_44, %dma_start3A_45] : memref<32768x768xf32, #tpu.memory_space<hbm>> -> memref<32x768xf32, #tpu.memory_space<hbm>>
    %dma_start3A_47 = arith.constant 0 : i32
    %dma_start3A_48 = tpu.memref_slice %arg4[%add3A_44, %dma_start3A_47] : memref<32768x768xf32, #tpu.memory_space<hbm>> -> memref<32x768xf32, #tpu.memory_space<hbm>>
    tpu.enqueue_dma source(%arg6 : memref<32x768xf32, #tpu.memory_space<vmem>>) target(%dma_start3A_48 : memref<32x768xf32, #tpu.memory_space<hbm>>) target_semaphore(%arg16 : memref<!tpu.dma_semaphore, #tpu.memory_space<semaphore_mem>>)
    %dma_wait3A_49 = arith.constant 1 : i32
    %dma_wait3A_50 = arith.constant 0 : i32
    %dma_wait3A_51 = tpu.memref_slice %arg5[%dma_wait3A_49, %dma_wait3A_50] : memref<32x32xi32, #tpu.memory_space<vmem>> -> memref<1x32xi32, #tpu.memory_space<vmem>>
    %dma_wait3A_52 = tpu.memref_squeeze %dma_wait3A_51 : memref<1x32xi32, #tpu.memory_space<vmem>> -> memref<32xi32, #tpu.memory_space<vmem>>
    %dma_wait3A_53 = arith.constant 0 : i32
    %dma_wait3A_54 = arith.constant 0 : i32
    %dma_wait3A_55 = tpu.memref_slice %arg3[%dma_wait3A_53, %dma_wait3A_54] : memref<8192x768xf32, #tpu.memory_space<hbm>> -> memref<8192x768xf32, #tpu.memory_space<hbm>>
    tpu.wait_indirect_dma semaphore(%arg12 : memref<!tpu.dma_semaphore, #tpu.memory_space<semaphore_mem>>) src(%dma_wait3A_55 : memref<8192x768xf32, #tpu.memory_space<hbm>>) dst(%arg7 : memref<32x768xf32, #tpu.memory_space<vmem>>)
    %add3A_56 = arith.constant 32 : i32
    %add3A_57 = arith.addi %mul3A_2, %add3A_56 : i32
    %dma_start3A_58 = arith.constant 0 : i32
    %dma_start3A_59 = tpu.memref_slice %arg4[%add3A_57, %dma_start3A_58] : memref<32768x768xf32, #tpu.memory_space<hbm>> -> memref<32x768xf32, #tpu.memory_space<hbm>>
    %dma_start3A_60 = arith.constant 0 : i32
    %dma_start3A_61 = tpu.memref_slice %arg4[%add3A_57, %dma_start3A_60] : memref<32768x768xf32, #tpu.memory_space<hbm>> -> memref<32x768xf32, #tpu.memory_space<hbm>>
    tpu.enqueue_dma source(%arg7 : memref<32x768xf32, #tpu.memory_space<vmem>>) target(%dma_start3A_61 : memref<32x768xf32, #tpu.memory_space<hbm>>) target_semaphore(%arg17 : memref<!tpu.dma_semaphore, #tpu.memory_space<semaphore_mem>>)
    %dma_wait3A_62 = arith.constant 2 : i32
    %dma_wait3A_63 = arith.constant 0 : i32
    %dma_wait3A_64 = tpu.memref_slice %arg5[%dma_wait3A_62, %dma_wait3A_63] : memref<32x32xi32, #tpu.memory_space<vmem>> -> memref<1x32xi32, #tpu.memory_space<vmem>>
    %dma_wait3A_65 = tpu.memref_squeeze %dma_wait3A_64 : memref<1x32xi32, #tpu.memory_space<vmem>> -> memref<32xi32, #tpu.memory_space<vmem>>
    %dma_wait3A_66 = arith.constant 0 : i32
    %dma_wait3A_67 = arith.constant 0 : i32
    %dma_wait3A_68 = tpu.memref_slice %arg3[%dma_wait3A_66, %dma_wait3A_67] : memref<8192x768xf32, #tpu.memory_space<hbm>> -> memref<8192x768xf32, #tpu.memory_space<hbm>>
    tpu.wait_indirect_dma semaphore(%arg13 : memref<!tpu.dma_semaphore, #tpu.memory_space<semaphore_mem>>) src(%dma_wait3A_68 : memref<8192x768xf32, #tpu.memory_space<hbm>>) dst(%arg8 : memref<32x768xf32, #tpu.memory_space<vmem>>)
    %add3A_69 = arith.constant 64 : i32
    %add3A_70 = arith.addi %mul3A_2, %add3A_69 : i32
    %dma_start3A_71 = arith.constant 0 : i32
    %dma_start3A_72 = tpu.memref_slice %arg4[%add3A_70, %dma_start3A_71] : memref<32768x768xf32, #tpu.memory_space<hbm>> -> memref<32x768xf32, #tpu.memory_space<hbm>>
    %dma_start3A_73 = arith.constant 0 : i32
    %dma_start3A_74 = tpu.memref_slice %arg4[%add3A_70, %dma_start3A_73] : memref<32768x768xf32, #tpu.memory_space<hbm>> -> memref<32x768xf32, #tpu.memory_space<hbm>>
    tpu.enqueue_dma source(%arg8 : memref<32x768xf32, #tpu.memory_space<vmem>>) target(%dma_start3A_74 : memref<32x768xf32, #tpu.memory_space<hbm>>) target_semaphore(%arg18 : memref<!tpu.dma_semaphore, #tpu.memory_space<semaphore_mem>>)
    %dma_wait3A_75 = arith.constant 0 : i32
    %dma_wait3A_76 = tpu.memref_slice %arg4[%add3A_44, %dma_wait3A_75] : memref<32768x768xf32, #tpu.memory_space<hbm>> -> memref<32x768xf32, #tpu.memory_space<hbm>>
    %dma_wait3A_77 = arith.constant 0 : i32
    %dma_wait3A_78 = tpu.memref_slice %arg4[%add3A_44, %dma_wait3A_77] : memref<32768x768xf32, #tpu.memory_space<hbm>> -> memref<32x768xf32, #tpu.memory_space<hbm>>
    tpu.wait_dma2 semaphore(%arg16 : memref<!tpu.dma_semaphore, #tpu.memory_space<semaphore_mem>>) src(%arg6 : memref<32x768xf32, #tpu.memory_space<vmem>>) dst(%dma_wait3A_78 : memref<32x768xf32, #tpu.memory_space<hbm>>)
    %dma_start3A_79 = arith.constant 5 : i32
    %dma_start3A_80 = arith.constant 0 : i32
    %dma_start3A_81 = tpu.memref_slice %arg5[%dma_start3A_79, %dma_start3A_80] : memref<32x32xi32, #tpu.memory_space<vmem>> -> memref<1x32xi32, #tpu.memory_space<vmem>>
    %dma_start3A_82 = tpu.memref_squeeze %dma_start3A_81 : memref<1x32xi32, #tpu.memory_space<vmem>> -> memref<32xi32, #tpu.memory_space<vmem>>
    %dma_start3A_83 = arith.constant 0 : i32
    %dma_start3A_84 = arith.constant 0 : i32
    %dma_start3A_85 = tpu.memref_slice %arg3[%dma_start3A_83, %dma_start3A_84] : memref<8192x768xf32, #tpu.memory_space<hbm>> -> memref<8192x768xf32, #tpu.memory_space<hbm>>
    tpu.enqueue_indirect_dma source(%dma_start3A_85 : memref<8192x768xf32, #tpu.memory_space<hbm>>) target(%arg6 : memref<32x768xf32, #tpu.memory_space<vmem>>) offsets(%dma_start3A_82 : memref<32xi32, #tpu.memory_space<vmem>>) semaphore(%arg11 : memref<!tpu.dma_semaphore, #tpu.memory_space<semaphore_mem>>)
    %dma_wait3A_86 = arith.constant 3 : i32
    %dma_wait3A_87 = arith.constant 0 : i32
    %dma_wait3A_88 = tpu.memref_slice %arg5[%dma_wait3A_86, %dma_wait3A_87] : memref<32x32xi32, #tpu.memory_space<vmem>> -> memref<1x32xi32, #tpu.memory_space<vmem>>
    %dma_wait3A_89 = tpu.memref_squeeze %dma_wait3A_88 : memref<1x32xi32, #tpu.memory_space<vmem>> -> memref<32xi32, #tpu.memory_space<vmem>>
    %dma_wait3A_90 = arith.constant 0 : i32
    %dma_wait3A_91 = arith.constant 0 : i32
    %dma_wait3A_92 = tpu.memref_slice %arg3[%dma_wait3A_90, %dma_wait3A_91] : memref<8192x768xf32, #tpu.memory_space<hbm>> -> memref<8192x768xf32, #tpu.memory_space<hbm>>
    tpu.wait_indirect_dma semaphore(%arg14 : memref<!tpu.dma_semaphore, #tpu.memory_space<semaphore_mem>>) src(%dma_wait3A_92 : memref<8192x768xf32, #tpu.memory_space<hbm>>) dst(%arg9 : memref<32x768xf32, #tpu.memory_space<vmem>>)
    %add3A_93 = arith.constant 96 : i32
    %add3A_94 = arith.addi %mul3A_2, %add3A_93 : i32
    %dma_start3A_95 = arith.constant 0 : i32
    %dma_start3A_96 = tpu.memref_slice %arg4[%add3A_94, %dma_start3A_95] : memref<32768x768xf32, #tpu.memory_space<hbm>> -> memref<32x768xf32, #tpu.memory_space<hbm>>
    %dma_start3A_97 = arith.constant 0 : i32
    %dma_start3A_98 = tpu.memref_slice %arg4[%add3A_94, %dma_start3A_97] : memref<32768x768xf32, #tpu.memory_space<hbm>> -> memref<32x768xf32, #tpu.memory_space<hbm>>
    tpu.enqueue_dma source(%arg9 : memref<32x768xf32, #tpu.memory_space<vmem>>) target(%dma_start3A_98 : memref<32x768xf32, #tpu.memory_space<hbm>>) target_semaphore(%arg19 : memref<!tpu.dma_semaphore, #tpu.memory_space<semaphore_mem>>)
    %dma_wait3A_99 = arith.constant 0 : i32
    %dma_wait3A_100 = tpu.memref_slice %arg4[%add3A_57, %dma_wait3A_99] : memref<32768x768xf32, #tpu.memory_space<hbm>> -> memref<32x768xf32, #tpu.memory_space<hbm>>
    %dma_wait3A_101 = arith.constant 0 : i32
    %dma_wait3A_102 = tpu.memref_slice %arg4[%add3A_57, %dma_wait3A_101] : memref<32768x768xf32, #tpu.memory_space<hbm>> -> memref<32x768xf32, #tpu.memory_space<hbm>>
    tpu.wait_dma2 semaphore(%arg17 : memref<!tpu.dma_semaphore, #tpu.memory_space<semaphore_mem>>) src(%arg7 : memref<32x768xf32, #tpu.memory_space<vmem>>) dst(%dma_wait3A_102 : memref<32x768xf32, #tpu.memory_space<hbm>>)
    %dma_start3A_103 = arith.constant 6 : i32
    %dma_start3A_104 = arith.constant 0 : i32
    %dma_start3A_105 = tpu.memref_slice %arg5[%dma_start3A_103, %dma_start3A_104] : memref<32x32xi32, #tpu.memory_space<vmem>> -> memref<1x32xi32, #tpu.memory_space<vmem>>
    %dma_start3A_106 = tpu.memref_squeeze %dma_start3A_105 : memref<1x32xi32, #tpu.memory_space<vmem>> -> memref<32xi32, #tpu.memory_space<vmem>>
    %dma_start3A_107 = arith.constant 0 : i32
    %dma_start3A_108 = arith.constant 0 : i32
    %dma_start3A_109 = tpu.memref_slice %arg3[%dma_start3A_107, %dma_start3A_108] : memref<8192x768xf32, #tpu.memory_space<hbm>> -> memref<8192x768xf32, #tpu.memory_space<hbm>>
    tpu.enqueue_indirect_dma source(%dma_start3A_109 : memref<8192x768xf32, #tpu.memory_space<hbm>>) target(%arg7 : memref<32x768xf32, #tpu.memory_space<vmem>>) offsets(%dma_start3A_106 : memref<32xi32, #tpu.memory_space<vmem>>) semaphore(%arg12 : memref<!tpu.dma_semaphore, #tpu.memory_space<semaphore_mem>>)
    %dma_wait3A_110 = arith.constant 4 : i32
    %dma_wait3A_111 = arith.constant 0 : i32
    %dma_wait3A_112 = tpu.memref_slice %arg5[%dma_wait3A_110, %dma_wait3A_111] : memref<32x32xi32, #tpu.memory_space<vmem>> -> memref<1x32xi32, #tpu.memory_space<vmem>>
    %dma_wait3A_113 = tpu.memref_squeeze %dma_wait3A_112 : memref<1x32xi32, #tpu.memory_space<vmem>> -> memref<32xi32, #tpu.memory_space<vmem>>
    %dma_wait3A_114 = arith.constant 0 : i32
    %dma_wait3A_115 = arith.constant 0 : i32
    %dma_wait3A_116 = tpu.memref_slice %arg3[%dma_wait3A_114, %dma_wait3A_115] : memref<8192x768xf32, #tpu.memory_space<hbm>> -> memref<8192x768xf32, #tpu.memory_space<hbm>>
    tpu.wait_indirect_dma semaphore(%arg15 : memref<!tpu.dma_semaphore, #tpu.memory_space<semaphore_mem>>) src(%dma_wait3A_116 : memref<8192x768xf32, #tpu.memory_space<hbm>>) dst(%arg10 : memref<32x768xf32, #tpu.memory_space<vmem>>)
    %add3A_117 = arith.constant 128 : i32
    %add3A_118 = arith.addi %mul3A_2, %add3A_117 : i32
    %dma_start3A_119 = arith.constant 0 : i32
    %dma_start3A_120 = tpu.memref_slice %arg4[%add3A_118, %dma_start3A_119] : memref<32768x768xf32, #tpu.memory_space<hbm>> -> memref<32x768xf32, #tpu.memory_space<hbm>>
    %dma_start3A_121 = arith.constant 0 : i32
    %dma_start3A_122 = tpu.memref_slice %arg4[%add3A_118, %dma_start3A_121] : memref<32768x768xf32, #tpu.memory_space<hbm>> -> memref<32x768xf32, #tpu.memory_space<hbm>>
    tpu.enqueue_dma source(%arg10 : memref<32x768xf32, #tpu.memory_space<vmem>>) target(%dma_start3A_122 : memref<32x768xf32, #tpu.memory_space<hbm>>) target_semaphore(%arg20 : memref<!tpu.dma_semaphore, #tpu.memory_space<semaphore_mem>>)
    %dma_wait3A_123 = arith.constant 0 : i32
    %dma_wait3A_124 = tpu.memref_slice %arg4[%add3A_70, %dma_wait3A_123] : memref<32768x768xf32, #tpu.memory_space<hbm>> -> memref<32x768xf32, #tpu.memory_space<hbm>>
    %dma_wait3A_125 = arith.constant 0 : i32
    %dma_wait3A_126 = tpu.memref_slice %arg4[%add3A_70, %dma_wait3A_125] : memref<32768x768xf32, #tpu.memory_space<hbm>> -> memref<32x768xf32, #tpu.memory_space<hbm>>
    tpu.wait_dma2 semaphore(%arg18 : memref<!tpu.dma_semaphore, #tpu.memory_space<semaphore_mem>>) src(%arg8 : memref<32x768xf32, #tpu.memory_space<vmem>>) dst(%dma_wait3A_126 : memref<32x768xf32, #tpu.memory_space<hbm>>)
    %dma_start3A_127 = arith.constant 7 : i32
    %dma_start3A_128 = arith.constant 0 : i32
    %dma_start3A_129 = tpu.memref_slice %arg5[%dma_start3A_127, %dma_start3A_128] : memref<32x32xi32, #tpu.memory_space<vmem>> -> memref<1x32xi32, #tpu.memory_space<vmem>>
    %dma_start3A_130 = tpu.memref_squeeze %dma_start3A_129 : memref<1x32xi32, #tpu.memory_space<vmem>> -> memref<32xi32, #tpu.memory_space<vmem>>
    %dma_start3A_131 = arith.constant 0 : i32
    %dma_start3A_132 = arith.constant 0 : i32
    %dma_start3A_133 = tpu.memref_slice %arg3[%dma_start3A_131, %dma_start3A_132] : memref<8192x768xf32, #tpu.memory_space<hbm>> -> memref<8192x768xf32, #tpu.memory_space<hbm>>
    tpu.enqueue_indirect_dma source(%dma_start3A_133 : memref<8192x768xf32, #tpu.memory_space<hbm>>) target(%arg8 : memref<32x768xf32, #tpu.memory_space<vmem>>) offsets(%dma_start3A_130 : memref<32xi32, #tpu.memory_space<vmem>>) semaphore(%arg13 : memref<!tpu.dma_semaphore, #tpu.memory_space<semaphore_mem>>)
    %dma_wait3A_134 = arith.constant 5 : i32
    %dma_wait3A_135 = arith.constant 0 : i32
    %dma_wait3A_136 = tpu.memref_slice %arg5[%dma_wait3A_134, %dma_wait3A_135] : memref<32x32xi32, #tpu.memory_space<vmem>> -> memref<1x32xi32, #tpu.memory_space<vmem>>
    %dma_wait3A_137 = tpu.memref_squeeze %dma_wait3A_136 : memref<1x32xi32, #tpu.memory_space<vmem>> -> memref<32xi32, #tpu.memory_space<vmem>>
    %dma_wait3A_138 = arith.constant 0 : i32
    %dma_wait3A_139 = arith.constant 0 : i32
    %dma_wait3A_140 = tpu.memref_slice %arg3[%dma_wait3A_138, %dma_wait3A_139] : memref<8192x768xf32, #tpu.memory_space<hbm>> -> memref<8192x768xf32, #tpu.memory_space<hbm>>
    tpu.wait_indirect_dma semaphore(%arg11 : memref<!tpu.dma_semaphore, #tpu.memory_space<semaphore_mem>>) src(%dma_wait3A_140 : memref<8192x768xf32, #tpu.memory_space<hbm>>) dst(%arg6 : memref<32x768xf32, #tpu.memory_space<vmem>>)
    %add3A_141 = arith.constant 160 : i32
    %add3A_142 = arith.addi %mul3A_2, %add3A_141 : i32
    %dma_start3A_143 = arith.constant 0 : i32
    %dma_start3A_144 = tpu.memref_slice %arg4[%add3A_142, %dma_start3A_143] : memref<32768x768xf32, #tpu.memory_space<hbm>> -> memref<32x768xf32, #tpu.memory_space<hbm>>
    %dma_start3A_145 = arith.constant 0 : i32
    %dma_start3A_146 = tpu.memref_slice %arg4[%add3A_142, %dma_start3A_145] : memref<32768x768xf32, #tpu.memory_space<hbm>> -> memref<32x768xf32, #tpu.memory_space<hbm>>
    tpu.enqueue_dma source(%arg6 : memref<32x768xf32, #tpu.memory_space<vmem>>) target(%dma_start3A_146 : memref<32x768xf32, #tpu.memory_space<hbm>>) target_semaphore(%arg16 : memref<!tpu.dma_semaphore, #tpu.memory_space<semaphore_mem>>)
    %dma_wait3A_147 = arith.constant 0 : i32
    %dma_wait3A_148 = tpu.memref_slice %arg4[%add3A_94, %dma_wait3A_147] : memref<32768x768xf32, #tpu.memory_space<hbm>> -> memref<32x768xf32, #tpu.memory_space<hbm>>
    %dma_wait3A_149 = arith.constant 0 : i32
    %dma_wait3A_150 = tpu.memref_slice %arg4[%add3A_94, %dma_wait3A_149] : memref<32768x768xf32, #tpu.memory_space<hbm>> -> memref<32x768xf32, #tpu.memory_space<hbm>>
    tpu.wait_dma2 semaphore(%arg19 : memref<!tpu.dma_semaphore, #tpu.memory_space<semaphore_mem>>) src(%arg9 : memref<32x768xf32, #tpu.memory_space<vmem>>) dst(%dma_wait3A_150 : memref<32x768xf32, #tpu.memory_space<hbm>>)
    %dma_start3A_151 = arith.constant 8 : i32
    %dma_start3A_152 = arith.constant 0 : i32
    %dma_start3A_153 = tpu.memref_slice %arg5[%dma_start3A_151, %dma_start3A_152] : memref<32x32xi32, #tpu.memory_space<vmem>> -> memref<1x32xi32, #tpu.memory_space<vmem>>
    %dma_start3A_154 = tpu.memref_squeeze %dma_start3A_153 : memref<1x32xi32, #tpu.memory_space<vmem>> -> memref<32xi32, #tpu.memory_space<vmem>>
    %dma_start3A_155 = arith.constant 0 : i32
    %dma_start3A_156 = arith.constant 0 : i32
    %dma_start3A_157 = tpu.memref_slice %arg3[%dma_start3A_155, %dma_start3A_156] : memref<8192x768xf32, #tpu.memory_space<hbm>> -> memref<8192x768xf32, #tpu.memory_space<hbm>>
    tpu.enqueue_indirect_dma source(%dma_start3A_157 : memref<8192x768xf32, #tpu.memory_space<hbm>>) target(%arg9 : memref<32x768xf32, #tpu.memory_space<vmem>>) offsets(%dma_start3A_154 : memref<32xi32, #tpu.memory_space<vmem>>) semaphore(%arg14 : memref<!tpu.dma_semaphore, #tpu.memory_space<semaphore_mem>>)
    %dma_wait3A_158 = arith.constant 6 : i32
    %dma_wait3A_159 = arith.constant 0 : i32
    %dma_wait3A_160 = tpu.memref_slice %arg5[%dma_wait3A_158, %dma_wait3A_159] : memref<32x32xi32, #tpu.memory_space<vmem>> -> memref<1x32xi32, #tpu.memory_space<vmem>>
    %dma_wait3A_161 = tpu.memref_squeeze %dma_wait3A_160 : memref<1x32xi32, #tpu.memory_space<vmem>> -> memref<32xi32, #tpu.memory_space<vmem>>
    %dma_wait3A_162 = arith.constant 0 : i32
    %dma_wait3A_163 = arith.constant 0 : i32
    %dma_wait3A_164 = tpu.memref_slice %arg3[%dma_wait3A_162, %dma_wait3A_163] : memref<8192x768xf32, #tpu.memory_space<hbm>> -> memref<8192x768xf32, #tpu.memory_space<hbm>>
    tpu.wait_indirect_dma semaphore(%arg12 : memref<!tpu.dma_semaphore, #tpu.memory_space<semaphore_mem>>) src(%dma_wait3A_164 : memref<8192x768xf32, #tpu.memory_space<hbm>>) dst(%arg7 : memref<32x768xf32, #tpu.memory_space<vmem>>)
    %add3A_165 = arith.constant 192 : i32
    %add3A_166 = arith.addi %mul3A_2, %add3A_165 : i32
    %dma_start3A_167 = arith.constant 0 : i32
    %dma_start3A_168 = tpu.memref_slice %arg4[%add3A_166, %dma_start3A_167] : memref<32768x768xf32, #tpu.memory_space<hbm>> -> memref<32x768xf32, #tpu.memory_space<hbm>>
    %dma_start3A_169 = arith.constant 0 : i32
    %dma_start3A_170 = tpu.memref_slice %arg4[%add3A_166, %dma_start3A_169] : memref<32768x768xf32, #tpu.memory_space<hbm>> -> memref<32x768xf32, #tpu.memory_space<hbm>>
    tpu.enqueue_dma source(%arg7 : memref<32x768xf32, #tpu.memory_space<vmem>>) target(%dma_start3A_170 : memref<32x768xf32, #tpu.memory_space<hbm>>) target_semaphore(%arg17 : memref<!tpu.dma_semaphore, #tpu.memory_space<semaphore_mem>>)
    %dma_wait3A_171 = arith.constant 0 : i32
    %dma_wait3A_172 = tpu.memref_slice %arg4[%add3A_118, %dma_wait3A_171] : memref<32768x768xf32, #tpu.memory_space<hbm>> -> memref<32x768xf32, #tpu.memory_space<hbm>>
    %dma_wait3A_173 = arith.constant 0 : i32
    %dma_wait3A_174 = tpu.memref_slice %arg4[%add3A_118, %dma_wait3A_173] : memref<32768x768xf32, #tpu.memory_space<hbm>> -> memref<32x768xf32, #tpu.memory_space<hbm>>
    tpu.wait_dma2 semaphore(%arg20 : memref<!tpu.dma_semaphore, #tpu.memory_space<semaphore_mem>>) src(%arg10 : memref<32x768xf32, #tpu.memory_space<vmem>>) dst(%dma_wait3A_174 : memref<32x768xf32, #tpu.memory_space<hbm>>)
    %dma_start3A_175 = arith.constant 9 : i32
    %dma_start3A_176 = arith.constant 0 : i32
    %dma_start3A_177 = tpu.memref_slice %arg5[%dma_start3A_175, %dma_start3A_176] : memref<32x32xi32, #tpu.memory_space<vmem>> -> memref<1x32xi32, #tpu.memory_space<vmem>>
    %dma_start3A_178 = tpu.memref_squeeze %dma_start3A_177 : memref<1x32xi32, #tpu.memory_space<vmem>> -> memref<32xi32, #tpu.memory_space<vmem>>
    %dma_start3A_179 = arith.constant 0 : i32
    %dma_start3A_180 = arith.constant 0 : i32
    %dma_start3A_181 = tpu.memref_slice %arg3[%dma_start3A_179, %dma_start3A_180] : memref<8192x768xf32, #tpu.memory_space<hbm>> -> memref<8192x768xf32, #tpu.memory_space<hbm>>
    tpu.enqueue_indirect_dma source(%dma_start3A_181 : memref<8192x768xf32, #tpu.memory_space<hbm>>) target(%arg10 : memref<32x768xf32, #tpu.memory_space<vmem>>) offsets(%dma_start3A_178 : memref<32xi32, #tpu.memory_space<vmem>>) semaphore(%arg15 : memref<!tpu.dma_semaphore, #tpu.memory_space<semaphore_mem>>)
    %dma_wait3A_182 = arith.constant 7 : i32
    %dma_wait3A_183 = arith.constant 0 : i32
    %dma_wait3A_184 = tpu.memref_slice %arg5[%dma_wait3A_182, %dma_wait3A_183] : memref<32x32xi32, #tpu.memory_space<vmem>> -> memref<1x32xi32, #tpu.memory_space<vmem>>
    %dma_wait3A_185 = tpu.memref_squeeze %dma_wait3A_184 : memref<1x32xi32, #tpu.memory_space<vmem>> -> memref<32xi32, #tpu.memory_space<vmem>>
    %dma_wait3A_186 = arith.constant 0 : i32
    %dma_wait3A_187 = arith.constant 0 : i32
    %dma_wait3A_188 = tpu.memref_slice %arg3[%dma_wait3A_186, %dma_wait3A_187] : memref<8192x768xf32, #tpu.memory_space<hbm>> -> memref<8192x768xf32, #tpu.memory_space<hbm>>
    tpu.wait_indirect_dma semaphore(%arg13 : memref<!tpu.dma_semaphore, #tpu.memory_space<semaphore_mem>>) src(%dma_wait3A_188 : memref<8192x768xf32, #tpu.memory_space<hbm>>) dst(%arg8 : memref<32x768xf32, #tpu.memory_space<vmem>>)
    %add3A_189 = arith.constant 224 : i32
    %add3A_190 = arith.addi %mul3A_2, %add3A_189 : i32
    %dma_start3A_191 = arith.constant 0 : i32
    %dma_start3A_192 = tpu.memref_slice %arg4[%add3A_190, %dma_start3A_191] : memref<32768x768xf32, #tpu.memory_space<hbm>> -> memref<32x768xf32, #tpu.memory_space<hbm>>
    %dma_start3A_193 = arith.constant 0 : i32
    %dma_start3A_194 = tpu.memref_slice %arg4[%add3A_190, %dma_start3A_193] : memref<32768x768xf32, #tpu.memory_space<hbm>> -> memref<32x768xf32, #tpu.memory_space<hbm>>
    tpu.enqueue_dma source(%arg8 : memref<32x768xf32, #tpu.memory_space<vmem>>) target(%dma_start3A_194 : memref<32x768xf32, #tpu.memory_space<hbm>>) target_semaphore(%arg18 : memref<!tpu.dma_semaphore, #tpu.memory_space<semaphore_mem>>)
    %dma_wait3A_195 = arith.constant 0 : i32
    %dma_wait3A_196 = tpu.memref_slice %arg4[%add3A_142, %dma_wait3A_195] : memref<32768x768xf32, #tpu.memory_space<hbm>> -> memref<32x768xf32, #tpu.memory_space<hbm>>
    %dma_wait3A_197 = arith.constant 0 : i32
    %dma_wait3A_198 = tpu.memref_slice %arg4[%add3A_142, %dma_wait3A_197] : memref<32768x768xf32, #tpu.memory_space<hbm>> -> memref<32x768xf32, #tpu.memory_space<hbm>>
    tpu.wait_dma2 semaphore(%arg16 : memref<!tpu.dma_semaphore, #tpu.memory_space<semaphore_mem>>) src(%arg6 : memref<32x768xf32, #tpu.memory_space<vmem>>) dst(%dma_wait3A_198 : memref<32x768xf32, #tpu.memory_space<hbm>>)
    %dma_start3A_199 = arith.constant 10 : i32
    %dma_start3A_200 = arith.constant 0 : i32
    %dma_start3A_201 = tpu.memref_slice %arg5[%dma_start3A_199, %dma_start3A_200] : memref<32x32xi32, #tpu.memory_space<vmem>> -> memref<1x32xi32, #tpu.memory_space<vmem>>
    %dma_start3A_202 = tpu.memref_squeeze %dma_start3A_201 : memref<1x32xi32, #tpu.memory_space<vmem>> -> memref<32xi32, #tpu.memory_space<vmem>>
    %dma_start3A_203 = arith.constant 0 : i32
    %dma_start3A_204 = arith.constant 0 : i32
    %dma_start3A_205 = tpu.memref_slice %arg3[%dma_start3A_203, %dma_start3A_204] : memref<8192x768xf32, #tpu.memory_space<hbm>> -> memref<8192x768xf32, #tpu.memory_space<hbm>>
    tpu.enqueue_indirect_dma source(%dma_start3A_205 : memref<8192x768xf32, #tpu.memory_space<hbm>>) target(%arg6 : memref<32x768xf32, #tpu.memory_space<vmem>>) offsets(%dma_start3A_202 : memref<32xi32, #tpu.memory_space<vmem>>) semaphore(%arg11 : memref<!tpu.dma_semaphore, #tpu.memory_space<semaphore_mem>>)
    %dma_wait3A_206 = arith.constant 8 : i32
    %dma_wait3A_207 = arith.constant 0 : i32
    %dma_wait3A_208 = tpu.memref_slice %arg5[%dma_wait3A_206, %dma_wait3A_207] : memref<32x32xi32, #tpu.memory_space<vmem>> -> memref<1x32xi32, #tpu.memory_space<vmem>>
    %dma_wait3A_209 = tpu.memref_squeeze %dma_wait3A_208 : memref<1x32xi32, #tpu.memory_space<vmem>> -> memref<32xi32, #tpu.memory_space<vmem>>
    %dma_wait3A_210 = arith.constant 0 : i32
    %dma_wait3A_211 = arith.constant 0 : i32
    %dma_wait3A_212 = tpu.memref_slice %arg3[%dma_wait3A_210, %dma_wait3A_211] : memref<8192x768xf32, #tpu.memory_space<hbm>> -> memref<8192x768xf32, #tpu.memory_space<hbm>>
    tpu.wait_indirect_dma semaphore(%arg14 : memref<!tpu.dma_semaphore, #tpu.memory_space<semaphore_mem>>) src(%dma_wait3A_212 : memref<8192x768xf32, #tpu.memory_space<hbm>>) dst(%arg9 : memref<32x768xf32, #tpu.memory_space<vmem>>)
    %add3A_213 = arith.constant 256 : i32
    %add3A_214 = arith.addi %mul3A_2, %add3A_213 : i32
    %dma_start3A_215 = arith.constant 0 : i32
    %dma_start3A_216 = tpu.memref_slice %arg4[%add3A_214, %dma_start3A_215] : memref<32768x768xf32, #tpu.memory_space<hbm>> -> memref<32x768xf32, #tpu.memory_space<hbm>>
    %dma_start3A_217 = arith.constant 0 : i32
    %dma_start3A_218 = tpu.memref_slice %arg4[%add3A_214, %dma_start3A_217] : memref<32768x768xf32, #tpu.memory_space<hbm>> -> memref<32x768xf32, #tpu.memory_space<hbm>>
    tpu.enqueue_dma source(%arg9 : memref<32x768xf32, #tpu.memory_space<vmem>>) target(%dma_start3A_218 : memref<32x768xf32, #tpu.memory_space<hbm>>) target_semaphore(%arg19 : memref<!tpu.dma_semaphore, #tpu.memory_space<semaphore_mem>>)
    %dma_wait3A_219 = arith.constant 0 : i32
    %dma_wait3A_220 = tpu.memref_slice %arg4[%add3A_166, %dma_wait3A_219] : memref<32768x768xf32, #tpu.memory_space<hbm>> -> memref<32x768xf32, #tpu.memory_space<hbm>>
    %dma_wait3A_221 = arith.constant 0 : i32
    %dma_wait3A_222 = tpu.memref_slice %arg4[%add3A_166, %dma_wait3A_221] : memref<32768x768xf32, #tpu.memory_space<hbm>> -> memref<32x768xf32, #tpu.memory_space<hbm>>
    tpu.wait_dma2 semaphore(%arg17 : memref<!tpu.dma_semaphore, #tpu.memory_space<semaphore_mem>>) src(%arg7 : memref<32x768xf32, #tpu.memory_space<vmem>>) dst(%dma_wait3A_222 : memref<32x768xf32, #tpu.memory_space<hbm>>)
    %dma_start3A_223 = arith.constant 11 : i32
    %dma_start3A_224 = arith.constant 0 : i32
    %dma_start3A_225 = tpu.memref_slice %arg5[%dma_start3A_223, %dma_start3A_224] : memref<32x32xi32, #tpu.memory_space<vmem>> -> memref<1x32xi32, #tpu.memory_space<vmem>>
    %dma_start3A_226 = tpu.memref_squeeze %dma_start3A_225 : memref<1x32xi32, #tpu.memory_space<vmem>> -> memref<32xi32, #tpu.memory_space<vmem>>
    %dma_start3A_227 = arith.constant 0 : i32
    %dma_start3A_228 = arith.constant 0 : i32
    %dma_start3A_229 = tpu.memref_slice %arg3[%dma_start3A_227, %dma_start3A_228] : memref<8192x768xf32, #tpu.memory_space<hbm>> -> memref<8192x768xf32, #tpu.memory_space<hbm>>
    tpu.enqueue_indirect_dma source(%dma_start3A_229 : memref<8192x768xf32, #tpu.memory_space<hbm>>) target(%arg7 : memref<32x768xf32, #tpu.memory_space<vmem>>) offsets(%dma_start3A_226 : memref<32xi32, #tpu.memory_space<vmem>>) semaphore(%arg12 : memref<!tpu.dma_semaphore, #tpu.memory_space<semaphore_mem>>)
    %dma_wait3A_230 = arith.constant 9 : i32
    %dma_wait3A_231 = arith.constant 0 : i32
    %dma_wait3A_232 = tpu.memref_slice %arg5[%dma_wait3A_230, %dma_wait3A_231] : memref<32x32xi32, #tpu.memory_space<vmem>> -> memref<1x32xi32, #tpu.memory_space<vmem>>
    %dma_wait3A_233 = tpu.memref_squeeze %dma_wait3A_232 : memref<1x32xi32, #tpu.memory_space<vmem>> -> memref<32xi32, #tpu.memory_space<vmem>>
    %dma_wait3A_234 = arith.constant 0 : i32
    %dma_wait3A_235 = arith.constant 0 : i32
    %dma_wait3A_236 = tpu.memref_slice %arg3[%dma_wait3A_234, %dma_wait3A_235] : memref<8192x768xf32, #tpu.memory_space<hbm>> -> memref<8192x768xf32, #tpu.memory_space<hbm>>
    tpu.wait_indirect_dma semaphore(%arg15 : memref<!tpu.dma_semaphore, #tpu.memory_space<semaphore_mem>>) src(%dma_wait3A_236 : memref<8192x768xf32, #tpu.memory_space<hbm>>) dst(%arg10 : memref<32x768xf32, #tpu.memory_space<vmem>>)
    %add3A_237 = arith.constant 288 : i32
    %add3A_238 = arith.addi %mul3A_2, %add3A_237 : i32
    %dma_start3A_239 = arith.constant 0 : i32
    %dma_start3A_240 = tpu.memref_slice %arg4[%add3A_238, %dma_start3A_239] : memref<32768x768xf32, #tpu.memory_space<hbm>> -> memref<32x768xf32, #tpu.memory_space<hbm>>
    %dma_start3A_241 = arith.constant 0 : i32
    %dma_start3A_242 = tpu.memref_slice %arg4[%add3A_238, %dma_start3A_241] : memref<32768x768xf32, #tpu.memory_space<hbm>> -> memref<32x768xf32, #tpu.memory_space<hbm>>
    tpu.enqueue_dma source(%arg10 : memref<32x768xf32, #tpu.memory_space<vmem>>) target(%dma_start3A_242 : memref<32x768xf32, #tpu.memory_space<hbm>>) target_semaphore(%arg20 : memref<!tpu.dma_semaphore, #tpu.memory_space<semaphore_mem>>)
    %dma_wait3A_243 = arith.constant 0 : i32
    %dma_wait3A_244 = tpu.memref_slice %arg4[%add3A_190, %dma_wait3A_243] : memref<32768x768xf32, #tpu.memory_space<hbm>> -> memref<32x768xf32, #tpu.memory_space<hbm>>
    %dma_wait3A_245 = arith.constant 0 : i32
    %dma_wait3A_246 = tpu.memref_slice %arg4[%add3A_190, %dma_wait3A_245] : memref<32768x768xf32, #tpu.memory_space<hbm>> -> memref<32x768xf32, #tpu.memory_space<hbm>>
    tpu.wait_dma2 semaphore(%arg18 : memref<!tpu.dma_semaphore, #tpu.memory_space<semaphore_mem>>) src(%arg8 : memref<32x768xf32, #tpu.memory_space<vmem>>) dst(%dma_wait3A_246 : memref<32x768xf32, #tpu.memory_space<hbm>>)
    %dma_start3A_247 = arith.constant 12 : i32
    %dma_start3A_248 = arith.constant 0 : i32
    %dma_start3A_249 = tpu.memref_slice %arg5[%dma_start3A_247, %dma_start3A_248] : memref<32x32xi32, #tpu.memory_space<vmem>> -> memref<1x32xi32, #tpu.memory_space<vmem>>
    %dma_start3A_250 = tpu.memref_squeeze %dma_start3A_249 : memref<1x32xi32, #tpu.memory_space<vmem>> -> memref<32xi32, #tpu.memory_space<vmem>>
    %dma_start3A_251 = arith.constant 0 : i32
    %dma_start3A_252 = arith.constant 0 : i32
    %dma_start3A_253 = tpu.memref_slice %arg3[%dma_start3A_251, %dma_start3A_252] : memref<8192x768xf32, #tpu.memory_space<hbm>> -> memref<8192x768xf32, #tpu.memory_space<hbm>>
    tpu.enqueue_indirect_dma source(%dma_start3A_253 : memref<8192x768xf32, #tpu.memory_space<hbm>>) target(%arg8 : memref<32x768xf32, #tpu.memory_space<vmem>>) offsets(%dma_start3A_250 : memref<32xi32, #tpu.memory_space<vmem>>) semaphore(%arg13 : memref<!tpu.dma_semaphore, #tpu.memory_space<semaphore_mem>>)
    %dma_wait3A_254 = arith.constant 10 : i32
    %dma_wait3A_255 = arith.constant 0 : i32
    %dma_wait3A_256 = tpu.memref_slice %arg5[%dma_wait3A_254, %dma_wait3A_255] : memref<32x32xi32, #tpu.memory_space<vmem>> -> memref<1x32xi32, #tpu.memory_space<vmem>>
    %dma_wait3A_257 = tpu.memref_squeeze %dma_wait3A_256 : memref<1x32xi32, #tpu.memory_space<vmem>> -> memref<32xi32, #tpu.memory_space<vmem>>
    %dma_wait3A_258 = arith.constant 0 : i32
    %dma_wait3A_259 = arith.constant 0 : i32
    %dma_wait3A_260 = tpu.memref_slice %arg3[%dma_wait3A_258, %dma_wait3A_259] : memref<8192x768xf32, #tpu.memory_space<hbm>> -> memref<8192x768xf32, #tpu.memory_space<hbm>>
    tpu.wait_indirect_dma semaphore(%arg11 : memref<!tpu.dma_semaphore, #tpu.memory_space<semaphore_mem>>) src(%dma_wait3A_260 : memref<8192x768xf32, #tpu.memory_space<hbm>>) dst(%arg6 : memref<32x768xf32, #tpu.memory_space<vmem>>)
    %add3A_261 = arith.constant 320 : i32
    %add3A_262 = arith.addi %mul3A_2, %add3A_261 : i32
    %dma_start3A_263 = arith.constant 0 : i32
    %dma_start3A_264 = tpu.memref_slice %arg4[%add3A_262, %dma_start3A_263] : memref<32768x768xf32, #tpu.memory_space<hbm>> -> memref<32x768xf32, #tpu.memory_space<hbm>>
    %dma_start3A_265 = arith.constant 0 : i32
    %dma_start3A_266 = tpu.memref_slice %arg4[%add3A_262, %dma_start3A_265] : memref<32768x768xf32, #tpu.memory_space<hbm>> -> memref<32x768xf32, #tpu.memory_space<hbm>>
    tpu.enqueue_dma source(%arg6 : memref<32x768xf32, #tpu.memory_space<vmem>>) target(%dma_start3A_266 : memref<32x768xf32, #tpu.memory_space<hbm>>) target_semaphore(%arg16 : memref<!tpu.dma_semaphore, #tpu.memory_space<semaphore_mem>>)
    %dma_wait3A_267 = arith.constant 0 : i32
    %dma_wait3A_268 = tpu.memref_slice %arg4[%add3A_214, %dma_wait3A_267] : memref<32768x768xf32, #tpu.memory_space<hbm>> -> memref<32x768xf32, #tpu.memory_space<hbm>>
    %dma_wait3A_269 = arith.constant 0 : i32
    %dma_wait3A_270 = tpu.memref_slice %arg4[%add3A_214, %dma_wait3A_269] : memref<32768x768xf32, #tpu.memory_space<hbm>> -> memref<32x768xf32, #tpu.memory_space<hbm>>
    tpu.wait_dma2 semaphore(%arg19 : memref<!tpu.dma_semaphore, #tpu.memory_space<semaphore_mem>>) src(%arg9 : memref<32x768xf32, #tpu.memory_space<vmem>>) dst(%dma_wait3A_270 : memref<32x768xf32, #tpu.memory_space<hbm>>)
    %dma_start3A_271 = arith.constant 13 : i32
    %dma_start3A_272 = arith.constant 0 : i32
    %dma_start3A_273 = tpu.memref_slice %arg5[%dma_start3A_271, %dma_start3A_272] : memref<32x32xi32, #tpu.memory_space<vmem>> -> memref<1x32xi32, #tpu.memory_space<vmem>>
    %dma_start3A_274 = tpu.memref_squeeze %dma_start3A_273 : memref<1x32xi32, #tpu.memory_space<vmem>> -> memref<32xi32, #tpu.memory_space<vmem>>
    %dma_start3A_275 = arith.constant 0 : i32
    %dma_start3A_276 = arith.constant 0 : i32
    %dma_start3A_277 = tpu.memref_slice %arg3[%dma_start3A_275, %dma_start3A_276] : memref<8192x768xf32, #tpu.memory_space<hbm>> -> memref<8192x768xf32, #tpu.memory_space<hbm>>
    tpu.enqueue_indirect_dma source(%dma_start3A_277 : memref<8192x768xf32, #tpu.memory_space<hbm>>) target(%arg9 : memref<32x768xf32, #tpu.memory_space<vmem>>) offsets(%dma_start3A_274 : memref<32xi32, #tpu.memory_space<vmem>>) semaphore(%arg14 : memref<!tpu.dma_semaphore, #tpu.memory_space<semaphore_mem>>)
    %dma_wait3A_278 = arith.constant 11 : i32
    %dma_wait3A_279 = arith.constant 0 : i32
    %dma_wait3A_280 = tpu.memref_slice %arg5[%dma_wait3A_278, %dma_wait3A_279] : memref<32x32xi32, #tpu.memory_space<vmem>> -> memref<1x32xi32, #tpu.memory_space<vmem>>
    %dma_wait3A_281 = tpu.memref_squeeze %dma_wait3A_280 : memref<1x32xi32, #tpu.memory_space<vmem>> -> memref<32xi32, #tpu.memory_space<vmem>>
    %dma_wait3A_282 = arith.constant 0 : i32
    %dma_wait3A_283 = arith.constant 0 : i32
    %dma_wait3A_284 = tpu.memref_slice %arg3[%dma_wait3A_282, %dma_wait3A_283] : memref<8192x768xf32, #tpu.memory_space<hbm>> -> memref<8192x768xf32, #tpu.memory_space<hbm>>
    tpu.wait_indirect_dma semaphore(%arg12 : memref<!tpu.dma_semaphore, #tpu.memory_space<semaphore_mem>>) src(%dma_wait3A_284 : memref<8192x768xf32, #tpu.memory_space<hbm>>) dst(%arg7 : memref<32x768xf32, #tpu.memory_space<vmem>>)
    %add3A_285 = arith.constant 352 : i32
    %add3A_286 = arith.addi %mul3A_2, %add3A_285 : i32
    %dma_start3A_287 = arith.constant 0 : i32
    %dma_start3A_288 = tpu.memref_slice %arg4[%add3A_286, %dma_start3A_287] : memref<32768x768xf32, #tpu.memory_space<hbm>> -> memref<32x768xf32, #tpu.memory_space<hbm>>
    %dma_start3A_289 = arith.constant 0 : i32
    %dma_start3A_290 = tpu.memref_slice %arg4[%add3A_286, %dma_start3A_289] : memref<32768x768xf32, #tpu.memory_space<hbm>> -> memref<32x768xf32, #tpu.memory_space<hbm>>
    tpu.enqueue_dma source(%arg7 : memref<32x768xf32, #tpu.memory_space<vmem>>) target(%dma_start3A_290 : memref<32x768xf32, #tpu.memory_space<hbm>>) target_semaphore(%arg17 : memref<!tpu.dma_semaphore, #tpu.memory_space<semaphore_mem>>)
    %dma_wait3A_291 = arith.constant 0 : i32
    %dma_wait3A_292 = tpu.memref_slice %arg4[%add3A_238, %dma_wait3A_291] : memref<32768x768xf32, #tpu.memory_space<hbm>> -> memref<32x768xf32, #tpu.memory_space<hbm>>
    %dma_wait3A_293 = arith.constant 0 : i32
    %dma_wait3A_294 = tpu.memref_slice %arg4[%add3A_238, %dma_wait3A_293] : memref<32768x768xf32, #tpu.memory_space<hbm>> -> memref<32x768xf32, #tpu.memory_space<hbm>>
    tpu.wait_dma2 semaphore(%arg20 : memref<!tpu.dma_semaphore, #tpu.memory_space<semaphore_mem>>) src(%arg10 : memref<32x768xf32, #tpu.memory_space<vmem>>) dst(%dma_wait3A_294 : memref<32x768xf32, #tpu.memory_space<hbm>>)
    %dma_start3A_295 = arith.constant 14 : i32
    %dma_start3A_296 = arith.constant 0 : i32
    %dma_start3A_297 = tpu.memref_slice %arg5[%dma_start3A_295, %dma_start3A_296] : memref<32x32xi32, #tpu.memory_space<vmem>> -> memref<1x32xi32, #tpu.memory_space<vmem>>
    %dma_start3A_298 = tpu.memref_squeeze %dma_start3A_297 : memref<1x32xi32, #tpu.memory_space<vmem>> -> memref<32xi32, #tpu.memory_space<vmem>>
    %dma_start3A_299 = arith.constant 0 : i32
    %dma_start3A_300 = arith.constant 0 : i32
    %dma_start3A_301 = tpu.memref_slice %arg3[%dma_start3A_299, %dma_start3A_300] : memref<8192x768xf32, #tpu.memory_space<hbm>> -> memref<8192x768xf32, #tpu.memory_space<hbm>>
    tpu.enqueue_indirect_dma source(%dma_start3A_301 : memref<8192x768xf32, #tpu.memory_space<hbm>>) target(%arg10 : memref<32x768xf32, #tpu.memory_space<vmem>>) offsets(%dma_start3A_298 : memref<32xi32, #tpu.memory_space<vmem>>) semaphore(%arg15 : memref<!tpu.dma_semaphore, #tpu.memory_space<semaphore_mem>>)
    %dma_wait3A_302 = arith.constant 12 : i32
    %dma_wait3A_303 = arith.constant 0 : i32
    %dma_wait3A_304 = tpu.memref_slice %arg5[%dma_wait3A_302, %dma_wait3A_303] : memref<32x32xi32, #tpu.memory_space<vmem>> -> memref<1x32xi32, #tpu.memory_space<vmem>>
    %dma_wait3A_305 = tpu.memref_squeeze %dma_wait3A_304 : memref<1x32xi32, #tpu.memory_space<vmem>> -> memref<32xi32, #tpu.memory_space<vmem>>
    %dma_wait3A_306 = arith.constant 0 : i32
    %dma_wait3A_307 = arith.constant 0 : i32
    %dma_wait3A_308 = tpu.memref_slice %arg3[%dma_wait3A_306, %dma_wait3A_307] : memref<8192x768xf32, #tpu.memory_space<hbm>> -> memref<8192x768xf32, #tpu.memory_space<hbm>>
    tpu.wait_indirect_dma semaphore(%arg13 : memref<!tpu.dma_semaphore, #tpu.memory_space<semaphore_mem>>) src(%dma_wait3A_308 : memref<8192x768xf32, #tpu.memory_space<hbm>>) dst(%arg8 : memref<32x768xf32, #tpu.memory_space<vmem>>)
    %add3A_309 = arith.constant 384 : i32
    %add3A_310 = arith.addi %mul3A_2, %add3A_309 : i32
    %dma_start3A_311 = arith.constant 0 : i32
    %dma_start3A_312 = tpu.memref_slice %arg4[%add3A_310, %dma_start3A_311] : memref<32768x768xf32, #tpu.memory_space<hbm>> -> memref<32x768xf32, #tpu.memory_space<hbm>>
    %dma_start3A_313 = arith.constant 0 : i32
    %dma_start3A_314 = tpu.memref_slice %arg4[%add3A_310, %dma_start3A_313] : memref<32768x768xf32, #tpu.memory_space<hbm>> -> memref<32x768xf32, #tpu.memory_space<hbm>>
    tpu.enqueue_dma source(%arg8 : memref<32x768xf32, #tpu.memory_space<vmem>>) target(%dma_start3A_314 : memref<32x768xf32, #tpu.memory_space<hbm>>) target_semaphore(%arg18 : memref<!tpu.dma_semaphore, #tpu.memory_space<semaphore_mem>>)
    %dma_wait3A_315 = arith.constant 0 : i32
    %dma_wait3A_316 = tpu.memref_slice %arg4[%add3A_262, %dma_wait3A_315] : memref<32768x768xf32, #tpu.memory_space<hbm>> -> memref<32x768xf32, #tpu.memory_space<hbm>>
    %dma_wait3A_317 = arith.constant 0 : i32
    %dma_wait3A_318 = tpu.memref_slice %arg4[%add3A_262, %dma_wait3A_317] : memref<32768x768xf32, #tpu.memory_space<hbm>> -> memref<32x768xf32, #tpu.memory_space<hbm>>
    tpu.wait_dma2 semaphore(%arg16 : memref<!tpu.dma_semaphore, #tpu.memory_space<semaphore_mem>>) src(%arg6 : memref<32x768xf32, #tpu.memory_space<vmem>>) dst(%dma_wait3A_318 : memref<32x768xf32, #tpu.memory_space<hbm>>)
    %dma_start3A_319 = arith.constant 15 : i32
    %dma_start3A_320 = arith.constant 0 : i32
    %dma_start3A_321 = tpu.memref_slice %arg5[%dma_start3A_319, %dma_start3A_320] : memref<32x32xi32, #tpu.memory_space<vmem>> -> memref<1x32xi32, #tpu.memory_space<vmem>>
    %dma_start3A_322 = tpu.memref_squeeze %dma_start3A_321 : memref<1x32xi32, #tpu.memory_space<vmem>> -> memref<32xi32, #tpu.memory_space<vmem>>
    %dma_start3A_323 = arith.constant 0 : i32
    %dma_start3A_324 = arith.constant 0 : i32
    %dma_start3A_325 = tpu.memref_slice %arg3[%dma_start3A_323, %dma_start3A_324] : memref<8192x768xf32, #tpu.memory_space<hbm>> -> memref<8192x768xf32, #tpu.memory_space<hbm>>
    tpu.enqueue_indirect_dma source(%dma_start3A_325 : memref<8192x768xf32, #tpu.memory_space<hbm>>) target(%arg6 : memref<32x768xf32, #tpu.memory_space<vmem>>) offsets(%dma_start3A_322 : memref<32xi32, #tpu.memory_space<vmem>>) semaphore(%arg11 : memref<!tpu.dma_semaphore, #tpu.memory_space<semaphore_mem>>)
    %dma_wait3A_326 = arith.constant 13 : i32
    %dma_wait3A_327 = arith.constant 0 : i32
    %dma_wait3A_328 = tpu.memref_slice %arg5[%dma_wait3A_326, %dma_wait3A_327] : memref<32x32xi32, #tpu.memory_space<vmem>> -> memref<1x32xi32, #tpu.memory_space<vmem>>
    %dma_wait3A_329 = tpu.memref_squeeze %dma_wait3A_328 : memref<1x32xi32, #tpu.memory_space<vmem>> -> memref<32xi32, #tpu.memory_space<vmem>>
    %dma_wait3A_330 = arith.constant 0 : i32
    %dma_wait3A_331 = arith.constant 0 : i32
    %dma_wait3A_332 = tpu.memref_slice %arg3[%dma_wait3A_330, %dma_wait3A_331] : memref<8192x768xf32, #tpu.memory_space<hbm>> -> memref<8192x768xf32, #tpu.memory_space<hbm>>
    tpu.wait_indirect_dma semaphore(%arg14 : memref<!tpu.dma_semaphore, #tpu.memory_space<semaphore_mem>>) src(%dma_wait3A_332 : memref<8192x768xf32, #tpu.memory_space<hbm>>) dst(%arg9 : memref<32x768xf32, #tpu.memory_space<vmem>>)
    %add3A_333 = arith.constant 416 : i32
    %add3A_334 = arith.addi %mul3A_2, %add3A_333 : i32
    %dma_start3A_335 = arith.constant 0 : i32
    %dma_start3A_336 = tpu.memref_slice %arg4[%add3A_334, %dma_start3A_335] : memref<32768x768xf32, #tpu.memory_space<hbm>> -> memref<32x768xf32, #tpu.memory_space<hbm>>
    %dma_start3A_337 = arith.constant 0 : i32
    %dma_start3A_338 = tpu.memref_slice %arg4[%add3A_334, %dma_start3A_337] : memref<32768x768xf32, #tpu.memory_space<hbm>> -> memref<32x768xf32, #tpu.memory_space<hbm>>
    tpu.enqueue_dma source(%arg9 : memref<32x768xf32, #tpu.memory_space<vmem>>) target(%dma_start3A_338 : memref<32x768xf32, #tpu.memory_space<hbm>>) target_semaphore(%arg19 : memref<!tpu.dma_semaphore, #tpu.memory_space<semaphore_mem>>)
    %dma_wait3A_339 = arith.constant 0 : i32
    %dma_wait3A_340 = tpu.memref_slice %arg4[%add3A_286, %dma_wait3A_339] : memref<32768x768xf32, #tpu.memory_space<hbm>> -> memref<32x768xf32, #tpu.memory_space<hbm>>
    %dma_wait3A_341 = arith.constant 0 : i32
    %dma_wait3A_342 = tpu.memref_slice %arg4[%add3A_286, %dma_wait3A_341] : memref<32768x768xf32, #tpu.memory_space<hbm>> -> memref<32x768xf32, #tpu.memory_space<hbm>>
    tpu.wait_dma2 semaphore(%arg17 : memref<!tpu.dma_semaphore, #tpu.memory_space<semaphore_mem>>) src(%arg7 : memref<32x768xf32, #tpu.memory_space<vmem>>) dst(%dma_wait3A_342 : memref<32x768xf32, #tpu.memory_space<hbm>>)
    %dma_start3A_343 = arith.constant 16 : i32
    %dma_start3A_344 = arith.constant 0 : i32
    %dma_start3A_345 = tpu.memref_slice %arg5[%dma_start3A_343, %dma_start3A_344] : memref<32x32xi32, #tpu.memory_space<vmem>> -> memref<1x32xi32, #tpu.memory_space<vmem>>
    %dma_start3A_346 = tpu.memref_squeeze %dma_start3A_345 : memref<1x32xi32, #tpu.memory_space<vmem>> -> memref<32xi32, #tpu.memory_space<vmem>>
    %dma_start3A_347 = arith.constant 0 : i32
    %dma_start3A_348 = arith.constant 0 : i32
    %dma_start3A_349 = tpu.memref_slice %arg3[%dma_start3A_347, %dma_start3A_348] : memref<8192x768xf32, #tpu.memory_space<hbm>> -> memref<8192x768xf32, #tpu.memory_space<hbm>>
    tpu.enqueue_indirect_dma source(%dma_start3A_349 : memref<8192x768xf32, #tpu.memory_space<hbm>>) target(%arg7 : memref<32x768xf32, #tpu.memory_space<vmem>>) offsets(%dma_start3A_346 : memref<32xi32, #tpu.memory_space<vmem>>) semaphore(%arg12 : memref<!tpu.dma_semaphore, #tpu.memory_space<semaphore_mem>>)
    %dma_wait3A_350 = arith.constant 14 : i32
    %dma_wait3A_351 = arith.constant 0 : i32
    %dma_wait3A_352 = tpu.memref_slice %arg5[%dma_wait3A_350, %dma_wait3A_351] : memref<32x32xi32, #tpu.memory_space<vmem>> -> memref<1x32xi32, #tpu.memory_space<vmem>>
    %dma_wait3A_353 = tpu.memref_squeeze %dma_wait3A_352 : memref<1x32xi32, #tpu.memory_space<vmem>> -> memref<32xi32, #tpu.memory_space<vmem>>
    %dma_wait3A_354 = arith.constant 0 : i32
    %dma_wait3A_355 = arith.constant 0 : i32
    %dma_wait3A_356 = tpu.memref_slice %arg3[%dma_wait3A_354, %dma_wait3A_355] : memref<8192x768xf32, #tpu.memory_space<hbm>> -> memref<8192x768xf32, #tpu.memory_space<hbm>>
    tpu.wait_indirect_dma semaphore(%arg15 : memref<!tpu.dma_semaphore, #tpu.memory_space<semaphore_mem>>) src(%dma_wait3A_356 : memref<8192x768xf32, #tpu.memory_space<hbm>>) dst(%arg10 : memref<32x768xf32, #tpu.memory_space<vmem>>)
    %add3A_357 = arith.constant 448 : i32
    %add3A_358 = arith.addi %mul3A_2, %add3A_357 : i32
    %dma_start3A_359 = arith.constant 0 : i32
    %dma_start3A_360 = tpu.memref_slice %arg4[%add3A_358, %dma_start3A_359] : memref<32768x768xf32, #tpu.memory_space<hbm>> -> memref<32x768xf32, #tpu.memory_space<hbm>>
    %dma_start3A_361 = arith.constant 0 : i32
    %dma_start3A_362 = tpu.memref_slice %arg4[%add3A_358, %dma_start3A_361] : memref<32768x768xf32, #tpu.memory_space<hbm>> -> memref<32x768xf32, #tpu.memory_space<hbm>>
    tpu.enqueue_dma source(%arg10 : memref<32x768xf32, #tpu.memory_space<vmem>>) target(%dma_start3A_362 : memref<32x768xf32, #tpu.memory_space<hbm>>) target_semaphore(%arg20 : memref<!tpu.dma_semaphore, #tpu.memory_space<semaphore_mem>>)
    %dma_wait3A_363 = arith.constant 0 : i32
    %dma_wait3A_364 = tpu.memref_slice %arg4[%add3A_310, %dma_wait3A_363] : memref<32768x768xf32, #tpu.memory_space<hbm>> -> memref<32x768xf32, #tpu.memory_space<hbm>>
    %dma_wait3A_365 = arith.constant 0 : i32
    %dma_wait3A_366 = tpu.memref_slice %arg4[%add3A_310, %dma_wait3A_365] : memref<32768x768xf32, #tpu.memory_space<hbm>> -> memref<32x768xf32, #tpu.memory_space<hbm>>
    tpu.wait_dma2 semaphore(%arg18 : memref<!tpu.dma_semaphore, #tpu.memory_space<semaphore_mem>>) src(%arg8 : memref<32x768xf32, #tpu.memory_space<vmem>>) dst(%dma_wait3A_366 : memref<32x768xf32, #tpu.memory_space<hbm>>)
    %dma_start3A_367 = arith.constant 17 : i32
    %dma_start3A_368 = arith.constant 0 : i32
    %dma_start3A_369 = tpu.memref_slice %arg5[%dma_start3A_367, %dma_start3A_368] : memref<32x32xi32, #tpu.memory_space<vmem>> -> memref<1x32xi32, #tpu.memory_space<vmem>>
    %dma_start3A_370 = tpu.memref_squeeze %dma_start3A_369 : memref<1x32xi32, #tpu.memory_space<vmem>> -> memref<32xi32, #tpu.memory_space<vmem>>
    %dma_start3A_371 = arith.constant 0 : i32
    %dma_start3A_372 = arith.constant 0 : i32
    %dma_start3A_373 = tpu.memref_slice %arg3[%dma_start3A_371, %dma_start3A_372] : memref<8192x768xf32, #tpu.memory_space<hbm>> -> memref<8192x768xf32, #tpu.memory_space<hbm>>
    tpu.enqueue_indirect_dma source(%dma_start3A_373 : memref<8192x768xf32, #tpu.memory_space<hbm>>) target(%arg8 : memref<32x768xf32, #tpu.memory_space<vmem>>) offsets(%dma_start3A_370 : memref<32xi32, #tpu.memory_space<vmem>>) semaphore(%arg13 : memref<!tpu.dma_semaphore, #tpu.memory_space<semaphore_mem>>)
    %dma_wait3A_374 = arith.constant 15 : i32
    %dma_wait3A_375 = arith.constant 0 : i32
    %dma_wait3A_376 = tpu.memref_slice %arg5[%dma_wait3A_374, %dma_wait3A_375] : memref<32x32xi32, #tpu.memory_space<vmem>> -> memref<1x32xi32, #tpu.memory_space<vmem>>
    %dma_wait3A_377 = tpu.memref_squeeze %dma_wait3A_376 : memref<1x32xi32, #tpu.memory_space<vmem>> -> memref<32xi32, #tpu.memory_space<vmem>>
    %dma_wait3A_378 = arith.constant 0 : i32
    %dma_wait3A_379 = arith.constant 0 : i32
    %dma_wait3A_380 = tpu.memref_slice %arg3[%dma_wait3A_378, %dma_wait3A_379] : memref<8192x768xf32, #tpu.memory_space<hbm>> -> memref<8192x768xf32, #tpu.memory_space<hbm>>
    tpu.wait_indirect_dma semaphore(%arg11 : memref<!tpu.dma_semaphore, #tpu.memory_space<semaphore_mem>>) src(%dma_wait3A_380 : memref<8192x768xf32, #tpu.memory_space<hbm>>) dst(%arg6 : memref<32x768xf32, #tpu.memory_space<vmem>>)
    %add3A_381 = arith.constant 480 : i32
    %add3A_382 = arith.addi %mul3A_2, %add3A_381 : i32
    %dma_start3A_383 = arith.constant 0 : i32
    %dma_start3A_384 = tpu.memref_slice %arg4[%add3A_382, %dma_start3A_383] : memref<32768x768xf32, #tpu.memory_space<hbm>> -> memref<32x768xf32, #tpu.memory_space<hbm>>
    %dma_start3A_385 = arith.constant 0 : i32
    %dma_start3A_386 = tpu.memref_slice %arg4[%add3A_382, %dma_start3A_385] : memref<32768x768xf32, #tpu.memory_space<hbm>> -> memref<32x768xf32, #tpu.memory_space<hbm>>
    tpu.enqueue_dma source(%arg6 : memref<32x768xf32, #tpu.memory_space<vmem>>) target(%dma_start3A_386 : memref<32x768xf32, #tpu.memory_space<hbm>>) target_semaphore(%arg16 : memref<!tpu.dma_semaphore, #tpu.memory_space<semaphore_mem>>)
    %dma_wait3A_387 = arith.constant 0 : i32
    %dma_wait3A_388 = tpu.memref_slice %arg4[%add3A_334, %dma_wait3A_387] : memref<32768x768xf32, #tpu.memory_space<hbm>> -> memref<32x768xf32, #tpu.memory_space<hbm>>
    %dma_wait3A_389 = arith.constant 0 : i32
    %dma_wait3A_390 = tpu.memref_slice %arg4[%add3A_334, %dma_wait3A_389] : memref<32768x768xf32, #tpu.memory_space<hbm>> -> memref<32x768xf32, #tpu.memory_space<hbm>>
    tpu.wait_dma2 semaphore(%arg19 : memref<!tpu.dma_semaphore, #tpu.memory_space<semaphore_mem>>) src(%arg9 : memref<32x768xf32, #tpu.memory_space<vmem>>) dst(%dma_wait3A_390 : memref<32x768xf32, #tpu.memory_space<hbm>>)
    %dma_start3A_391 = arith.constant 18 : i32
    %dma_start3A_392 = arith.constant 0 : i32
    %dma_start3A_393 = tpu.memref_slice %arg5[%dma_start3A_391, %dma_start3A_392] : memref<32x32xi32, #tpu.memory_space<vmem>> -> memref<1x32xi32, #tpu.memory_space<vmem>>
    %dma_start3A_394 = tpu.memref_squeeze %dma_start3A_393 : memref<1x32xi32, #tpu.memory_space<vmem>> -> memref<32xi32, #tpu.memory_space<vmem>>
    %dma_start3A_395 = arith.constant 0 : i32
    %dma_start3A_396 = arith.constant 0 : i32
    %dma_start3A_397 = tpu.memref_slice %arg3[%dma_start3A_395, %dma_start3A_396] : memref<8192x768xf32, #tpu.memory_space<hbm>> -> memref<8192x768xf32, #tpu.memory_space<hbm>>
    tpu.enqueue_indirect_dma source(%dma_start3A_397 : memref<8192x768xf32, #tpu.memory_space<hbm>>) target(%arg9 : memref<32x768xf32, #tpu.memory_space<vmem>>) offsets(%dma_start3A_394 : memref<32xi32, #tpu.memory_space<vmem>>) semaphore(%arg14 : memref<!tpu.dma_semaphore, #tpu.memory_space<semaphore_mem>>)
    %dma_wait3A_398 = arith.constant 16 : i32
    %dma_wait3A_399 = arith.constant 0 : i32
    %dma_wait3A_400 = tpu.memref_slice %arg5[%dma_wait3A_398, %dma_wait3A_399] : memref<32x32xi32, #tpu.memory_space<vmem>> -> memref<1x32xi32, #tpu.memory_space<vmem>>
    %dma_wait3A_401 = tpu.memref_squeeze %dma_wait3A_400 : memref<1x32xi32, #tpu.memory_space<vmem>> -> memref<32xi32, #tpu.memory_space<vmem>>
    %dma_wait3A_402 = arith.constant 0 : i32
    %dma_wait3A_403 = arith.constant 0 : i32
    %dma_wait3A_404 = tpu.memref_slice %arg3[%dma_wait3A_402, %dma_wait3A_403] : memref<8192x768xf32, #tpu.memory_space<hbm>> -> memref<8192x768xf32, #tpu.memory_space<hbm>>
    tpu.wait_indirect_dma semaphore(%arg12 : memref<!tpu.dma_semaphore, #tpu.memory_space<semaphore_mem>>) src(%dma_wait3A_404 : memref<8192x768xf32, #tpu.memory_space<hbm>>) dst(%arg7 : memref<32x768xf32, #tpu.memory_space<vmem>>)
    %add3A_405 = arith.constant 512 : i32
    %add3A_406 = arith.addi %mul3A_2, %add3A_405 : i32
    %dma_start3A_407 = arith.constant 0 : i32
    %dma_start3A_408 = tpu.memref_slice %arg4[%add3A_406, %dma_start3A_407] : memref<32768x768xf32, #tpu.memory_space<hbm>> -> memref<32x768xf32, #tpu.memory_space<hbm>>
    %dma_start3A_409 = arith.constant 0 : i32
    %dma_start3A_410 = tpu.memref_slice %arg4[%add3A_406, %dma_start3A_409] : memref<32768x768xf32, #tpu.memory_space<hbm>> -> memref<32x768xf32, #tpu.memory_space<hbm>>
    tpu.enqueue_dma source(%arg7 : memref<32x768xf32, #tpu.memory_space<vmem>>) target(%dma_start3A_410 : memref<32x768xf32, #tpu.memory_space<hbm>>) target_semaphore(%arg17 : memref<!tpu.dma_semaphore, #tpu.memory_space<semaphore_mem>>)
    %dma_wait3A_411 = arith.constant 0 : i32
    %dma_wait3A_412 = tpu.memref_slice %arg4[%add3A_358, %dma_wait3A_411] : memref<32768x768xf32, #tpu.memory_space<hbm>> -> memref<32x768xf32, #tpu.memory_space<hbm>>
    %dma_wait3A_413 = arith.constant 0 : i32
    %dma_wait3A_414 = tpu.memref_slice %arg4[%add3A_358, %dma_wait3A_413] : memref<32768x768xf32, #tpu.memory_space<hbm>> -> memref<32x768xf32, #tpu.memory_space<hbm>>
    tpu.wait_dma2 semaphore(%arg20 : memref<!tpu.dma_semaphore, #tpu.memory_space<semaphore_mem>>) src(%arg10 : memref<32x768xf32, #tpu.memory_space<vmem>>) dst(%dma_wait3A_414 : memref<32x768xf32, #tpu.memory_space<hbm>>)
    %dma_start3A_415 = arith.constant 19 : i32
    %dma_start3A_416 = arith.constant 0 : i32
    %dma_start3A_417 = tpu.memref_slice %arg5[%dma_start3A_415, %dma_start3A_416] : memref<32x32xi32, #tpu.memory_space<vmem>> -> memref<1x32xi32, #tpu.memory_space<vmem>>
    %dma_start3A_418 = tpu.memref_squeeze %dma_start3A_417 : memref<1x32xi32, #tpu.memory_space<vmem>> -> memref<32xi32, #tpu.memory_space<vmem>>
    %dma_start3A_419 = arith.constant 0 : i32
    %dma_start3A_420 = arith.constant 0 : i32
    %dma_start3A_421 = tpu.memref_slice %arg3[%dma_start3A_419, %dma_start3A_420] : memref<8192x768xf32, #tpu.memory_space<hbm>> -> memref<8192x768xf32, #tpu.memory_space<hbm>>
    tpu.enqueue_indirect_dma source(%dma_start3A_421 : memref<8192x768xf32, #tpu.memory_space<hbm>>) target(%arg10 : memref<32x768xf32, #tpu.memory_space<vmem>>) offsets(%dma_start3A_418 : memref<32xi32, #tpu.memory_space<vmem>>) semaphore(%arg15 : memref<!tpu.dma_semaphore, #tpu.memory_space<semaphore_mem>>)
    %dma_wait3A_422 = arith.constant 17 : i32
    %dma_wait3A_423 = arith.constant 0 : i32
    %dma_wait3A_424 = tpu.memref_slice %arg5[%dma_wait3A_422, %dma_wait3A_423] : memref<32x32xi32, #tpu.memory_space<vmem>> -> memref<1x32xi32, #tpu.memory_space<vmem>>
    %dma_wait3A_425 = tpu.memref_squeeze %dma_wait3A_424 : memref<1x32xi32, #tpu.memory_space<vmem>> -> memref<32xi32, #tpu.memory_space<vmem>>
    %dma_wait3A_426 = arith.constant 0 : i32
    %dma_wait3A_427 = arith.constant 0 : i32
    %dma_wait3A_428 = tpu.memref_slice %arg3[%dma_wait3A_426, %dma_wait3A_427] : memref<8192x768xf32, #tpu.memory_space<hbm>> -> memref<8192x768xf32, #tpu.memory_space<hbm>>
    tpu.wait_indirect_dma semaphore(%arg13 : memref<!tpu.dma_semaphore, #tpu.memory_space<semaphore_mem>>) src(%dma_wait3A_428 : memref<8192x768xf32, #tpu.memory_space<hbm>>) dst(%arg8 : memref<32x768xf32, #tpu.memory_space<vmem>>)
    %add3A_429 = arith.constant 544 : i32
    %add3A_430 = arith.addi %mul3A_2, %add3A_429 : i32
    %dma_start3A_431 = arith.constant 0 : i32
    %dma_start3A_432 = tpu.memref_slice %arg4[%add3A_430, %dma_start3A_431] : memref<32768x768xf32, #tpu.memory_space<hbm>> -> memref<32x768xf32, #tpu.memory_space<hbm>>
    %dma_start3A_433 = arith.constant 0 : i32
    %dma_start3A_434 = tpu.memref_slice %arg4[%add3A_430, %dma_start3A_433] : memref<32768x768xf32, #tpu.memory_space<hbm>> -> memref<32x768xf32, #tpu.memory_space<hbm>>
    tpu.enqueue_dma source(%arg8 : memref<32x768xf32, #tpu.memory_space<vmem>>) target(%dma_start3A_434 : memref<32x768xf32, #tpu.memory_space<hbm>>) target_semaphore(%arg18 : memref<!tpu.dma_semaphore, #tpu.memory_space<semaphore_mem>>)
    %dma_wait3A_435 = arith.constant 0 : i32
    %dma_wait3A_436 = tpu.memref_slice %arg4[%add3A_382, %dma_wait3A_435] : memref<32768x768xf32, #tpu.memory_space<hbm>> -> memref<32x768xf32, #tpu.memory_space<hbm>>
    %dma_wait3A_437 = arith.constant 0 : i32
    %dma_wait3A_438 = tpu.memref_slice %arg4[%add3A_382, %dma_wait3A_437] : memref<32768x768xf32, #tpu.memory_space<hbm>> -> memref<32x768xf32, #tpu.memory_space<hbm>>
    tpu.wait_dma2 semaphore(%arg16 : memref<!tpu.dma_semaphore, #tpu.memory_space<semaphore_mem>>) src(%arg6 : memref<32x768xf32, #tpu.memory_space<vmem>>) dst(%dma_wait3A_438 : memref<32x768xf32, #tpu.memory_space<hbm>>)
    %dma_start3A_439 = arith.constant 20 : i32
    %dma_start3A_440 = arith.constant 0 : i32
    %dma_start3A_441 = tpu.memref_slice %arg5[%dma_start3A_439, %dma_start3A_440] : memref<32x32xi32, #tpu.memory_space<vmem>> -> memref<1x32xi32, #tpu.memory_space<vmem>>
    %dma_start3A_442 = tpu.memref_squeeze %dma_start3A_441 : memref<1x32xi32, #tpu.memory_space<vmem>> -> memref<32xi32, #tpu.memory_space<vmem>>
    %dma_start3A_443 = arith.constant 0 : i32
    %dma_start3A_444 = arith.constant 0 : i32
    %dma_start3A_445 = tpu.memref_slice %arg3[%dma_start3A_443, %dma_start3A_444] : memref<8192x768xf32, #tpu.memory_space<hbm>> -> memref<8192x768xf32, #tpu.memory_space<hbm>>
    tpu.enqueue_indirect_dma source(%dma_start3A_445 : memref<8192x768xf32, #tpu.memory_space<hbm>>) target(%arg6 : memref<32x768xf32, #tpu.memory_space<vmem>>) offsets(%dma_start3A_442 : memref<32xi32, #tpu.memory_space<vmem>>) semaphore(%arg11 : memref<!tpu.dma_semaphore, #tpu.memory_space<semaphore_mem>>)
    %dma_wait3A_446 = arith.constant 18 : i32
    %dma_wait3A_447 = arith.constant 0 : i32
    %dma_wait3A_448 = tpu.memref_slice %arg5[%dma_wait3A_446, %dma_wait3A_447] : memref<32x32xi32, #tpu.memory_space<vmem>> -> memref<1x32xi32, #tpu.memory_space<vmem>>
    %dma_wait3A_449 = tpu.memref_squeeze %dma_wait3A_448 : memref<1x32xi32, #tpu.memory_space<vmem>> -> memref<32xi32, #tpu.memory_space<vmem>>
    %dma_wait3A_450 = arith.constant 0 : i32
    %dma_wait3A_451 = arith.constant 0 : i32
    %dma_wait3A_452 = tpu.memref_slice %arg3[%dma_wait3A_450, %dma_wait3A_451] : memref<8192x768xf32, #tpu.memory_space<hbm>> -> memref<8192x768xf32, #tpu.memory_space<hbm>>
    tpu.wait_indirect_dma semaphore(%arg14 : memref<!tpu.dma_semaphore, #tpu.memory_space<semaphore_mem>>) src(%dma_wait3A_452 : memref<8192x768xf32, #tpu.memory_space<hbm>>) dst(%arg9 : memref<32x768xf32, #tpu.memory_space<vmem>>)
    %add3A_453 = arith.constant 576 : i32
    %add3A_454 = arith.addi %mul3A_2, %add3A_453 : i32
    %dma_start3A_455 = arith.constant 0 : i32
    %dma_start3A_456 = tpu.memref_slice %arg4[%add3A_454, %dma_start3A_455] : memref<32768x768xf32, #tpu.memory_space<hbm>> -> memref<32x768xf32, #tpu.memory_space<hbm>>
    %dma_start3A_457 = arith.constant 0 : i32
    %dma_start3A_458 = tpu.memref_slice %arg4[%add3A_454, %dma_start3A_457] : memref<32768x768xf32, #tpu.memory_space<hbm>> -> memref<32x768xf32, #tpu.memory_space<hbm>>
    tpu.enqueue_dma source(%arg9 : memref<32x768xf32, #tpu.memory_space<vmem>>) target(%dma_start3A_458 : memref<32x768xf32, #tpu.memory_space<hbm>>) target_semaphore(%arg19 : memref<!tpu.dma_semaphore, #tpu.memory_space<semaphore_mem>>)
    %dma_wait3A_459 = arith.constant 0 : i32
    %dma_wait3A_460 = tpu.memref_slice %arg4[%add3A_406, %dma_wait3A_459] : memref<32768x768xf32, #tpu.memory_space<hbm>> -> memref<32x768xf32, #tpu.memory_space<hbm>>
    %dma_wait3A_461 = arith.constant 0 : i32
    %dma_wait3A_462 = tpu.memref_slice %arg4[%add3A_406, %dma_wait3A_461] : memref<32768x768xf32, #tpu.memory_space<hbm>> -> memref<32x768xf32, #tpu.memory_space<hbm>>
    tpu.wait_dma2 semaphore(%arg17 : memref<!tpu.dma_semaphore, #tpu.memory_space<semaphore_mem>>) src(%arg7 : memref<32x768xf32, #tpu.memory_space<vmem>>) dst(%dma_wait3A_462 : memref<32x768xf32, #tpu.memory_space<hbm>>)
    %dma_start3A_463 = arith.constant 21 : i32
    %dma_start3A_464 = arith.constant 0 : i32
    %dma_start3A_465 = tpu.memref_slice %arg5[%dma_start3A_463, %dma_start3A_464] : memref<32x32xi32, #tpu.memory_space<vmem>> -> memref<1x32xi32, #tpu.memory_space<vmem>>
    %dma_start3A_466 = tpu.memref_squeeze %dma_start3A_465 : memref<1x32xi32, #tpu.memory_space<vmem>> -> memref<32xi32, #tpu.memory_space<vmem>>
    %dma_start3A_467 = arith.constant 0 : i32
    %dma_start3A_468 = arith.constant 0 : i32
    %dma_start3A_469 = tpu.memref_slice %arg3[%dma_start3A_467, %dma_start3A_468] : memref<8192x768xf32, #tpu.memory_space<hbm>> -> memref<8192x768xf32, #tpu.memory_space<hbm>>
    tpu.enqueue_indirect_dma source(%dma_start3A_469 : memref<8192x768xf32, #tpu.memory_space<hbm>>) target(%arg7 : memref<32x768xf32, #tpu.memory_space<vmem>>) offsets(%dma_start3A_466 : memref<32xi32, #tpu.memory_space<vmem>>) semaphore(%arg12 : memref<!tpu.dma_semaphore, #tpu.memory_space<semaphore_mem>>)
    %dma_wait3A_470 = arith.constant 19 : i32
    %dma_wait3A_471 = arith.constant 0 : i32
    %dma_wait3A_472 = tpu.memref_slice %arg5[%dma_wait3A_470, %dma_wait3A_471] : memref<32x32xi32, #tpu.memory_space<vmem>> -> memref<1x32xi32, #tpu.memory_space<vmem>>
    %dma_wait3A_473 = tpu.memref_squeeze %dma_wait3A_472 : memref<1x32xi32, #tpu.memory_space<vmem>> -> memref<32xi32, #tpu.memory_space<vmem>>
    %dma_wait3A_474 = arith.constant 0 : i32
    %dma_wait3A_475 = arith.constant 0 : i32
    %dma_wait3A_476 = tpu.memref_slice %arg3[%dma_wait3A_474, %dma_wait3A_475] : memref<8192x768xf32, #tpu.memory_space<hbm>> -> memref<8192x768xf32, #tpu.memory_space<hbm>>
    tpu.wait_indirect_dma semaphore(%arg15 : memref<!tpu.dma_semaphore, #tpu.memory_space<semaphore_mem>>) src(%dma_wait3A_476 : memref<8192x768xf32, #tpu.memory_space<hbm>>) dst(%arg10 : memref<32x768xf32, #tpu.memory_space<vmem>>)
    %add3A_477 = arith.constant 608 : i32
    %add3A_478 = arith.addi %mul3A_2, %add3A_477 : i32
    %dma_start3A_479 = arith.constant 0 : i32
    %dma_start3A_480 = tpu.memref_slice %arg4[%add3A_478, %dma_start3A_479] : memref<32768x768xf32, #tpu.memory_space<hbm>> -> memref<32x768xf32, #tpu.memory_space<hbm>>
    %dma_start3A_481 = arith.constant 0 : i32
    %dma_start3A_482 = tpu.memref_slice %arg4[%add3A_478, %dma_start3A_481] : memref<32768x768xf32, #tpu.memory_space<hbm>> -> memref<32x768xf32, #tpu.memory_space<hbm>>
    tpu.enqueue_dma source(%arg10 : memref<32x768xf32, #tpu.memory_space<vmem>>) target(%dma_start3A_482 : memref<32x768xf32, #tpu.memory_space<hbm>>) target_semaphore(%arg20 : memref<!tpu.dma_semaphore, #tpu.memory_space<semaphore_mem>>)
    %dma_wait3A_483 = arith.constant 0 : i32
    %dma_wait3A_484 = tpu.memref_slice %arg4[%add3A_430, %dma_wait3A_483] : memref<32768x768xf32, #tpu.memory_space<hbm>> -> memref<32x768xf32, #tpu.memory_space<hbm>>
    %dma_wait3A_485 = arith.constant 0 : i32
    %dma_wait3A_486 = tpu.memref_slice %arg4[%add3A_430, %dma_wait3A_485] : memref<32768x768xf32, #tpu.memory_space<hbm>> -> memref<32x768xf32, #tpu.memory_space<hbm>>
    tpu.wait_dma2 semaphore(%arg18 : memref<!tpu.dma_semaphore, #tpu.memory_space<semaphore_mem>>) src(%arg8 : memref<32x768xf32, #tpu.memory_space<vmem>>) dst(%dma_wait3A_486 : memref<32x768xf32, #tpu.memory_space<hbm>>)
    %dma_start3A_487 = arith.constant 22 : i32
    %dma_start3A_488 = arith.constant 0 : i32
    %dma_start3A_489 = tpu.memref_slice %arg5[%dma_start3A_487, %dma_start3A_488] : memref<32x32xi32, #tpu.memory_space<vmem>> -> memref<1x32xi32, #tpu.memory_space<vmem>>
    %dma_start3A_490 = tpu.memref_squeeze %dma_start3A_489 : memref<1x32xi32, #tpu.memory_space<vmem>> -> memref<32xi32, #tpu.memory_space<vmem>>
    %dma_start3A_491 = arith.constant 0 : i32
    %dma_start3A_492 = arith.constant 0 : i32
    %dma_start3A_493 = tpu.memref_slice %arg3[%dma_start3A_491, %dma_start3A_492] : memref<8192x768xf32, #tpu.memory_space<hbm>> -> memref<8192x768xf32, #tpu.memory_space<hbm>>
    tpu.enqueue_indirect_dma source(%dma_start3A_493 : memref<8192x768xf32, #tpu.memory_space<hbm>>) target(%arg8 : memref<32x768xf32, #tpu.memory_space<vmem>>) offsets(%dma_start3A_490 : memref<32xi32, #tpu.memory_space<vmem>>) semaphore(%arg13 : memref<!tpu.dma_semaphore, #tpu.memory_space<semaphore_mem>>)
    %dma_wait3A_494 = arith.constant 20 : i32
    %dma_wait3A_495 = arith.constant 0 : i32
    %dma_wait3A_496 = tpu.memref_slice %arg5[%dma_wait3A_494, %dma_wait3A_495] : memref<32x32xi32, #tpu.memory_space<vmem>> -> memref<1x32xi32, #tpu.memory_space<vmem>>
    %dma_wait3A_497 = tpu.memref_squeeze %dma_wait3A_496 : memref<1x32xi32, #tpu.memory_space<vmem>> -> memref<32xi32, #tpu.memory_space<vmem>>
    %dma_wait3A_498 = arith.constant 0 : i32
    %dma_wait3A_499 = arith.constant 0 : i32
    %dma_wait3A_500 = tpu.memref_slice %arg3[%dma_wait3A_498, %dma_wait3A_499] : memref<8192x768xf32, #tpu.memory_space<hbm>> -> memref<8192x768xf32, #tpu.memory_space<hbm>>
    tpu.wait_indirect_dma semaphore(%arg11 : memref<!tpu.dma_semaphore, #tpu.memory_space<semaphore_mem>>) src(%dma_wait3A_500 : memref<8192x768xf32, #tpu.memory_space<hbm>>) dst(%arg6 : memref<32x768xf32, #tpu.memory_space<vmem>>)
    %add3A_501 = arith.constant 640 : i32
    %add3A_502 = arith.addi %mul3A_2, %add3A_501 : i32
    %dma_start3A_503 = arith.constant 0 : i32
    %dma_start3A_504 = tpu.memref_slice %arg4[%add3A_502, %dma_start3A_503] : memref<32768x768xf32, #tpu.memory_space<hbm>> -> memref<32x768xf32, #tpu.memory_space<hbm>>
    %dma_start3A_505 = arith.constant 0 : i32
    %dma_start3A_506 = tpu.memref_slice %arg4[%add3A_502, %dma_start3A_505] : memref<32768x768xf32, #tpu.memory_space<hbm>> -> memref<32x768xf32, #tpu.memory_space<hbm>>
    tpu.enqueue_dma source(%arg6 : memref<32x768xf32, #tpu.memory_space<vmem>>) target(%dma_start3A_506 : memref<32x768xf32, #tpu.memory_space<hbm>>) target_semaphore(%arg16 : memref<!tpu.dma_semaphore, #tpu.memory_space<semaphore_mem>>)
    %dma_wait3A_507 = arith.constant 0 : i32
    %dma_wait3A_508 = tpu.memref_slice %arg4[%add3A_454, %dma_wait3A_507] : memref<32768x768xf32, #tpu.memory_space<hbm>> -> memref<32x768xf32, #tpu.memory_space<hbm>>
    %dma_wait3A_509 = arith.constant 0 : i32
    %dma_wait3A_510 = tpu.memref_slice %arg4[%add3A_454, %dma_wait3A_509] : memref<32768x768xf32, #tpu.memory_space<hbm>> -> memref<32x768xf32, #tpu.memory_space<hbm>>
    tpu.wait_dma2 semaphore(%arg19 : memref<!tpu.dma_semaphore, #tpu.memory_space<semaphore_mem>>) src(%arg9 : memref<32x768xf32, #tpu.memory_space<vmem>>) dst(%dma_wait3A_510 : memref<32x768xf32, #tpu.memory_space<hbm>>)
    %dma_start3A_511 = arith.constant 23 : i32
    %dma_start3A_512 = arith.constant 0 : i32
    %dma_start3A_513 = tpu.memref_slice %arg5[%dma_start3A_511, %dma_start3A_512] : memref<32x32xi32, #tpu.memory_space<vmem>> -> memref<1x32xi32, #tpu.memory_space<vmem>>
    %dma_start3A_514 = tpu.memref_squeeze %dma_start3A_513 : memref<1x32xi32, #tpu.memory_space<vmem>> -> memref<32xi32, #tpu.memory_space<vmem>>
    %dma_start3A_515 = arith.constant 0 : i32
    %dma_start3A_516 = arith.constant 0 : i32
    %dma_start3A_517 = tpu.memref_slice %arg3[%dma_start3A_515, %dma_start3A_516] : memref<8192x768xf32, #tpu.memory_space<hbm>> -> memref<8192x768xf32, #tpu.memory_space<hbm>>
    tpu.enqueue_indirect_dma source(%dma_start3A_517 : memref<8192x768xf32, #tpu.memory_space<hbm>>) target(%arg9 : memref<32x768xf32, #tpu.memory_space<vmem>>) offsets(%dma_start3A_514 : memref<32xi32, #tpu.memory_space<vmem>>) semaphore(%arg14 : memref<!tpu.dma_semaphore, #tpu.memory_space<semaphore_mem>>)
    %dma_wait3A_518 = arith.constant 21 : i32
    %dma_wait3A_519 = arith.constant 0 : i32
    %dma_wait3A_520 = tpu.memref_slice %arg5[%dma_wait3A_518, %dma_wait3A_519] : memref<32x32xi32, #tpu.memory_space<vmem>> -> memref<1x32xi32, #tpu.memory_space<vmem>>
    %dma_wait3A_521 = tpu.memref_squeeze %dma_wait3A_520 : memref<1x32xi32, #tpu.memory_space<vmem>> -> memref<32xi32, #tpu.memory_space<vmem>>
    %dma_wait3A_522 = arith.constant 0 : i32
    %dma_wait3A_523 = arith.constant 0 : i32
    %dma_wait3A_524 = tpu.memref_slice %arg3[%dma_wait3A_522, %dma_wait3A_523] : memref<8192x768xf32, #tpu.memory_space<hbm>> -> memref<8192x768xf32, #tpu.memory_space<hbm>>
    tpu.wait_indirect_dma semaphore(%arg12 : memref<!tpu.dma_semaphore, #tpu.memory_space<semaphore_mem>>) src(%dma_wait3A_524 : memref<8192x768xf32, #tpu.memory_space<hbm>>) dst(%arg7 : memref<32x768xf32, #tpu.memory_space<vmem>>)
    %add3A_525 = arith.constant 672 : i32
    %add3A_526 = arith.addi %mul3A_2, %add3A_525 : i32
    %dma_start3A_527 = arith.constant 0 : i32
    %dma_start3A_528 = tpu.memref_slice %arg4[%add3A_526, %dma_start3A_527] : memref<32768x768xf32, #tpu.memory_space<hbm>> -> memref<32x768xf32, #tpu.memory_space<hbm>>
    %dma_start3A_529 = arith.constant 0 : i32
    %dma_start3A_530 = tpu.memref_slice %arg4[%add3A_526, %dma_start3A_529] : memref<32768x768xf32, #tpu.memory_space<hbm>> -> memref<32x768xf32, #tpu.memory_space<hbm>>
    tpu.enqueue_dma source(%arg7 : memref<32x768xf32, #tpu.memory_space<vmem>>) target(%dma_start3A_530 : memref<32x768xf32, #tpu.memory_space<hbm>>) target_semaphore(%arg17 : memref<!tpu.dma_semaphore, #tpu.memory_space<semaphore_mem>>)
    %dma_wait3A_531 = arith.constant 0 : i32
    %dma_wait3A_532 = tpu.memref_slice %arg4[%add3A_478, %dma_wait3A_531] : memref<32768x768xf32, #tpu.memory_space<hbm>> -> memref<32x768xf32, #tpu.memory_space<hbm>>
    %dma_wait3A_533 = arith.constant 0 : i32
    %dma_wait3A_534 = tpu.memref_slice %arg4[%add3A_478, %dma_wait3A_533] : memref<32768x768xf32, #tpu.memory_space<hbm>> -> memref<32x768xf32, #tpu.memory_space<hbm>>
    tpu.wait_dma2 semaphore(%arg20 : memref<!tpu.dma_semaphore, #tpu.memory_space<semaphore_mem>>) src(%arg10 : memref<32x768xf32, #tpu.memory_space<vmem>>) dst(%dma_wait3A_534 : memref<32x768xf32, #tpu.memory_space<hbm>>)
    %dma_start3A_535 = arith.constant 24 : i32
    %dma_start3A_536 = arith.constant 0 : i32
    %dma_start3A_537 = tpu.memref_slice %arg5[%dma_start3A_535, %dma_start3A_536] : memref<32x32xi32, #tpu.memory_space<vmem>> -> memref<1x32xi32, #tpu.memory_space<vmem>>
    %dma_start3A_538 = tpu.memref_squeeze %dma_start3A_537 : memref<1x32xi32, #tpu.memory_space<vmem>> -> memref<32xi32, #tpu.memory_space<vmem>>
    %dma_start3A_539 = arith.constant 0 : i32
    %dma_start3A_540 = arith.constant 0 : i32
    %dma_start3A_541 = tpu.memref_slice %arg3[%dma_start3A_539, %dma_start3A_540] : memref<8192x768xf32, #tpu.memory_space<hbm>> -> memref<8192x768xf32, #tpu.memory_space<hbm>>
    tpu.enqueue_indirect_dma source(%dma_start3A_541 : memref<8192x768xf32, #tpu.memory_space<hbm>>) target(%arg10 : memref<32x768xf32, #tpu.memory_space<vmem>>) offsets(%dma_start3A_538 : memref<32xi32, #tpu.memory_space<vmem>>) semaphore(%arg15 : memref<!tpu.dma_semaphore, #tpu.memory_space<semaphore_mem>>)
    %dma_wait3A_542 = arith.constant 22 : i32
    %dma_wait3A_543 = arith.constant 0 : i32
    %dma_wait3A_544 = tpu.memref_slice %arg5[%dma_wait3A_542, %dma_wait3A_543] : memref<32x32xi32, #tpu.memory_space<vmem>> -> memref<1x32xi32, #tpu.memory_space<vmem>>
    %dma_wait3A_545 = tpu.memref_squeeze %dma_wait3A_544 : memref<1x32xi32, #tpu.memory_space<vmem>> -> memref<32xi32, #tpu.memory_space<vmem>>
    %dma_wait3A_546 = arith.constant 0 : i32
    %dma_wait3A_547 = arith.constant 0 : i32
    %dma_wait3A_548 = tpu.memref_slice %arg3[%dma_wait3A_546, %dma_wait3A_547] : memref<8192x768xf32, #tpu.memory_space<hbm>> -> memref<8192x768xf32, #tpu.memory_space<hbm>>
    tpu.wait_indirect_dma semaphore(%arg13 : memref<!tpu.dma_semaphore, #tpu.memory_space<semaphore_mem>>) src(%dma_wait3A_548 : memref<8192x768xf32, #tpu.memory_space<hbm>>) dst(%arg8 : memref<32x768xf32, #tpu.memory_space<vmem>>)
    %add3A_549 = arith.constant 704 : i32
    %add3A_550 = arith.addi %mul3A_2, %add3A_549 : i32
    %dma_start3A_551 = arith.constant 0 : i32
    %dma_start3A_552 = tpu.memref_slice %arg4[%add3A_550, %dma_start3A_551] : memref<32768x768xf32, #tpu.memory_space<hbm>> -> memref<32x768xf32, #tpu.memory_space<hbm>>
    %dma_start3A_553 = arith.constant 0 : i32
    %dma_start3A_554 = tpu.memref_slice %arg4[%add3A_550, %dma_start3A_553] : memref<32768x768xf32, #tpu.memory_space<hbm>> -> memref<32x768xf32, #tpu.memory_space<hbm>>
    tpu.enqueue_dma source(%arg8 : memref<32x768xf32, #tpu.memory_space<vmem>>) target(%dma_start3A_554 : memref<32x768xf32, #tpu.memory_space<hbm>>) target_semaphore(%arg18 : memref<!tpu.dma_semaphore, #tpu.memory_space<semaphore_mem>>)
    %dma_wait3A_555 = arith.constant 0 : i32
    %dma_wait3A_556 = tpu.memref_slice %arg4[%add3A_502, %dma_wait3A_555] : memref<32768x768xf32, #tpu.memory_space<hbm>> -> memref<32x768xf32, #tpu.memory_space<hbm>>
    %dma_wait3A_557 = arith.constant 0 : i32
    %dma_wait3A_558 = tpu.memref_slice %arg4[%add3A_502, %dma_wait3A_557] : memref<32768x768xf32, #tpu.memory_space<hbm>> -> memref<32x768xf32, #tpu.memory_space<hbm>>
    tpu.wait_dma2 semaphore(%arg16 : memref<!tpu.dma_semaphore, #tpu.memory_space<semaphore_mem>>) src(%arg6 : memref<32x768xf32, #tpu.memory_space<vmem>>) dst(%dma_wait3A_558 : memref<32x768xf32, #tpu.memory_space<hbm>>)
    %dma_start3A_559 = arith.constant 25 : i32
    %dma_start3A_560 = arith.constant 0 : i32
    %dma_start3A_561 = tpu.memref_slice %arg5[%dma_start3A_559, %dma_start3A_560] : memref<32x32xi32, #tpu.memory_space<vmem>> -> memref<1x32xi32, #tpu.memory_space<vmem>>
    %dma_start3A_562 = tpu.memref_squeeze %dma_start3A_561 : memref<1x32xi32, #tpu.memory_space<vmem>> -> memref<32xi32, #tpu.memory_space<vmem>>
    %dma_start3A_563 = arith.constant 0 : i32
    %dma_start3A_564 = arith.constant 0 : i32
    %dma_start3A_565 = tpu.memref_slice %arg3[%dma_start3A_563, %dma_start3A_564] : memref<8192x768xf32, #tpu.memory_space<hbm>> -> memref<8192x768xf32, #tpu.memory_space<hbm>>
    tpu.enqueue_indirect_dma source(%dma_start3A_565 : memref<8192x768xf32, #tpu.memory_space<hbm>>) target(%arg6 : memref<32x768xf32, #tpu.memory_space<vmem>>) offsets(%dma_start3A_562 : memref<32xi32, #tpu.memory_space<vmem>>) semaphore(%arg11 : memref<!tpu.dma_semaphore, #tpu.memory_space<semaphore_mem>>)
    %dma_wait3A_566 = arith.constant 23 : i32
    %dma_wait3A_567 = arith.constant 0 : i32
    %dma_wait3A_568 = tpu.memref_slice %arg5[%dma_wait3A_566, %dma_wait3A_567] : memref<32x32xi32, #tpu.memory_space<vmem>> -> memref<1x32xi32, #tpu.memory_space<vmem>>
    %dma_wait3A_569 = tpu.memref_squeeze %dma_wait3A_568 : memref<1x32xi32, #tpu.memory_space<vmem>> -> memref<32xi32, #tpu.memory_space<vmem>>
    %dma_wait3A_570 = arith.constant 0 : i32
    %dma_wait3A_571 = arith.constant 0 : i32
    %dma_wait3A_572 = tpu.memref_slice %arg3[%dma_wait3A_570, %dma_wait3A_571] : memref<8192x768xf32, #tpu.memory_space<hbm>> -> memref<8192x768xf32, #tpu.memory_space<hbm>>
    tpu.wait_indirect_dma semaphore(%arg14 : memref<!tpu.dma_semaphore, #tpu.memory_space<semaphore_mem>>) src(%dma_wait3A_572 : memref<8192x768xf32, #tpu.memory_space<hbm>>) dst(%arg9 : memref<32x768xf32, #tpu.memory_space<vmem>>)
    %add3A_573 = arith.constant 736 : i32
    %add3A_574 = arith.addi %mul3A_2, %add3A_573 : i32
    %dma_start3A_575 = arith.constant 0 : i32
    %dma_start3A_576 = tpu.memref_slice %arg4[%add3A_574, %dma_start3A_575] : memref<32768x768xf32, #tpu.memory_space<hbm>> -> memref<32x768xf32, #tpu.memory_space<hbm>>
    %dma_start3A_577 = arith.constant 0 : i32
    %dma_start3A_578 = tpu.memref_slice %arg4[%add3A_574, %dma_start3A_577] : memref<32768x768xf32, #tpu.memory_space<hbm>> -> memref<32x768xf32, #tpu.memory_space<hbm>>
    tpu.enqueue_dma source(%arg9 : memref<32x768xf32, #tpu.memory_space<vmem>>) target(%dma_start3A_578 : memref<32x768xf32, #tpu.memory_space<hbm>>) target_semaphore(%arg19 : memref<!tpu.dma_semaphore, #tpu.memory_space<semaphore_mem>>)
    %dma_wait3A_579 = arith.constant 0 : i32
    %dma_wait3A_580 = tpu.memref_slice %arg4[%add3A_526, %dma_wait3A_579] : memref<32768x768xf32, #tpu.memory_space<hbm>> -> memref<32x768xf32, #tpu.memory_space<hbm>>
    %dma_wait3A_581 = arith.constant 0 : i32
    %dma_wait3A_582 = tpu.memref_slice %arg4[%add3A_526, %dma_wait3A_581] : memref<32768x768xf32, #tpu.memory_space<hbm>> -> memref<32x768xf32, #tpu.memory_space<hbm>>
    tpu.wait_dma2 semaphore(%arg17 : memref<!tpu.dma_semaphore, #tpu.memory_space<semaphore_mem>>) src(%arg7 : memref<32x768xf32, #tpu.memory_space<vmem>>) dst(%dma_wait3A_582 : memref<32x768xf32, #tpu.memory_space<hbm>>)
    %dma_start3A_583 = arith.constant 26 : i32
    %dma_start3A_584 = arith.constant 0 : i32
    %dma_start3A_585 = tpu.memref_slice %arg5[%dma_start3A_583, %dma_start3A_584] : memref<32x32xi32, #tpu.memory_space<vmem>> -> memref<1x32xi32, #tpu.memory_space<vmem>>
    %dma_start3A_586 = tpu.memref_squeeze %dma_start3A_585 : memref<1x32xi32, #tpu.memory_space<vmem>> -> memref<32xi32, #tpu.memory_space<vmem>>
    %dma_start3A_587 = arith.constant 0 : i32
    %dma_start3A_588 = arith.constant 0 : i32
    %dma_start3A_589 = tpu.memref_slice %arg3[%dma_start3A_587, %dma_start3A_588] : memref<8192x768xf32, #tpu.memory_space<hbm>> -> memref<8192x768xf32, #tpu.memory_space<hbm>>
    tpu.enqueue_indirect_dma source(%dma_start3A_589 : memref<8192x768xf32, #tpu.memory_space<hbm>>) target(%arg7 : memref<32x768xf32, #tpu.memory_space<vmem>>) offsets(%dma_start3A_586 : memref<32xi32, #tpu.memory_space<vmem>>) semaphore(%arg12 : memref<!tpu.dma_semaphore, #tpu.memory_space<semaphore_mem>>)
    %dma_wait3A_590 = arith.constant 24 : i32
    %dma_wait3A_591 = arith.constant 0 : i32
    %dma_wait3A_592 = tpu.memref_slice %arg5[%dma_wait3A_590, %dma_wait3A_591] : memref<32x32xi32, #tpu.memory_space<vmem>> -> memref<1x32xi32, #tpu.memory_space<vmem>>
    %dma_wait3A_593 = tpu.memref_squeeze %dma_wait3A_592 : memref<1x32xi32, #tpu.memory_space<vmem>> -> memref<32xi32, #tpu.memory_space<vmem>>
    %dma_wait3A_594 = arith.constant 0 : i32
    %dma_wait3A_595 = arith.constant 0 : i32
    %dma_wait3A_596 = tpu.memref_slice %arg3[%dma_wait3A_594, %dma_wait3A_595] : memref<8192x768xf32, #tpu.memory_space<hbm>> -> memref<8192x768xf32, #tpu.memory_space<hbm>>
    tpu.wait_indirect_dma semaphore(%arg15 : memref<!tpu.dma_semaphore, #tpu.memory_space<semaphore_mem>>) src(%dma_wait3A_596 : memref<8192x768xf32, #tpu.memory_space<hbm>>) dst(%arg10 : memref<32x768xf32, #tpu.memory_space<vmem>>)
    %add3A_597 = arith.constant 768 : i32
    %add3A_598 = arith.addi %mul3A_2, %add3A_597 : i32
    %dma_start3A_599 = arith.constant 0 : i32
    %dma_start3A_600 = tpu.memref_slice %arg4[%add3A_598, %dma_start3A_599] : memref<32768x768xf32, #tpu.memory_space<hbm>> -> memref<32x768xf32, #tpu.memory_space<hbm>>
    %dma_start3A_601 = arith.constant 0 : i32
    %dma_start3A_602 = tpu.memref_slice %arg4[%add3A_598, %dma_start3A_601] : memref<32768x768xf32, #tpu.memory_space<hbm>> -> memref<32x768xf32, #tpu.memory_space<hbm>>
    tpu.enqueue_dma source(%arg10 : memref<32x768xf32, #tpu.memory_space<vmem>>) target(%dma_start3A_602 : memref<32x768xf32, #tpu.memory_space<hbm>>) target_semaphore(%arg20 : memref<!tpu.dma_semaphore, #tpu.memory_space<semaphore_mem>>)
    %dma_wait3A_603 = arith.constant 0 : i32
    %dma_wait3A_604 = tpu.memref_slice %arg4[%add3A_550, %dma_wait3A_603] : memref<32768x768xf32, #tpu.memory_space<hbm>> -> memref<32x768xf32, #tpu.memory_space<hbm>>
    %dma_wait3A_605 = arith.constant 0 : i32
    %dma_wait3A_606 = tpu.memref_slice %arg4[%add3A_550, %dma_wait3A_605] : memref<32768x768xf32, #tpu.memory_space<hbm>> -> memref<32x768xf32, #tpu.memory_space<hbm>>
    tpu.wait_dma2 semaphore(%arg18 : memref<!tpu.dma_semaphore, #tpu.memory_space<semaphore_mem>>) src(%arg8 : memref<32x768xf32, #tpu.memory_space<vmem>>) dst(%dma_wait3A_606 : memref<32x768xf32, #tpu.memory_space<hbm>>)
    %dma_start3A_607 = arith.constant 27 : i32
    %dma_start3A_608 = arith.constant 0 : i32
    %dma_start3A_609 = tpu.memref_slice %arg5[%dma_start3A_607, %dma_start3A_608] : memref<32x32xi32, #tpu.memory_space<vmem>> -> memref<1x32xi32, #tpu.memory_space<vmem>>
    %dma_start3A_610 = tpu.memref_squeeze %dma_start3A_609 : memref<1x32xi32, #tpu.memory_space<vmem>> -> memref<32xi32, #tpu.memory_space<vmem>>
    %dma_start3A_611 = arith.constant 0 : i32
    %dma_start3A_612 = arith.constant 0 : i32
    %dma_start3A_613 = tpu.memref_slice %arg3[%dma_start3A_611, %dma_start3A_612] : memref<8192x768xf32, #tpu.memory_space<hbm>> -> memref<8192x768xf32, #tpu.memory_space<hbm>>
    tpu.enqueue_indirect_dma source(%dma_start3A_613 : memref<8192x768xf32, #tpu.memory_space<hbm>>) target(%arg8 : memref<32x768xf32, #tpu.memory_space<vmem>>) offsets(%dma_start3A_610 : memref<32xi32, #tpu.memory_space<vmem>>) semaphore(%arg13 : memref<!tpu.dma_semaphore, #tpu.memory_space<semaphore_mem>>)
    %dma_wait3A_614 = arith.constant 25 : i32
    %dma_wait3A_615 = arith.constant 0 : i32
    %dma_wait3A_616 = tpu.memref_slice %arg5[%dma_wait3A_614, %dma_wait3A_615] : memref<32x32xi32, #tpu.memory_space<vmem>> -> memref<1x32xi32, #tpu.memory_space<vmem>>
    %dma_wait3A_617 = tpu.memref_squeeze %dma_wait3A_616 : memref<1x32xi32, #tpu.memory_space<vmem>> -> memref<32xi32, #tpu.memory_space<vmem>>
    %dma_wait3A_618 = arith.constant 0 : i32
    %dma_wait3A_619 = arith.constant 0 : i32
    %dma_wait3A_620 = tpu.memref_slice %arg3[%dma_wait3A_618, %dma_wait3A_619] : memref<8192x768xf32, #tpu.memory_space<hbm>> -> memref<8192x768xf32, #tpu.memory_space<hbm>>
    tpu.wait_indirect_dma semaphore(%arg11 : memref<!tpu.dma_semaphore, #tpu.memory_space<semaphore_mem>>) src(%dma_wait3A_620 : memref<8192x768xf32, #tpu.memory_space<hbm>>) dst(%arg6 : memref<32x768xf32, #tpu.memory_space<vmem>>)
    %add3A_621 = arith.constant 800 : i32
    %add3A_622 = arith.addi %mul3A_2, %add3A_621 : i32
    %dma_start3A_623 = arith.constant 0 : i32
    %dma_start3A_624 = tpu.memref_slice %arg4[%add3A_622, %dma_start3A_623] : memref<32768x768xf32, #tpu.memory_space<hbm>> -> memref<32x768xf32, #tpu.memory_space<hbm>>
    %dma_start3A_625 = arith.constant 0 : i32
    %dma_start3A_626 = tpu.memref_slice %arg4[%add3A_622, %dma_start3A_625] : memref<32768x768xf32, #tpu.memory_space<hbm>> -> memref<32x768xf32, #tpu.memory_space<hbm>>
    tpu.enqueue_dma source(%arg6 : memref<32x768xf32, #tpu.memory_space<vmem>>) target(%dma_start3A_626 : memref<32x768xf32, #tpu.memory_space<hbm>>) target_semaphore(%arg16 : memref<!tpu.dma_semaphore, #tpu.memory_space<semaphore_mem>>)
    %dma_wait3A_627 = arith.constant 0 : i32
    %dma_wait3A_628 = tpu.memref_slice %arg4[%add3A_574, %dma_wait3A_627] : memref<32768x768xf32, #tpu.memory_space<hbm>> -> memref<32x768xf32, #tpu.memory_space<hbm>>
    %dma_wait3A_629 = arith.constant 0 : i32
    %dma_wait3A_630 = tpu.memref_slice %arg4[%add3A_574, %dma_wait3A_629] : memref<32768x768xf32, #tpu.memory_space<hbm>> -> memref<32x768xf32, #tpu.memory_space<hbm>>
    tpu.wait_dma2 semaphore(%arg19 : memref<!tpu.dma_semaphore, #tpu.memory_space<semaphore_mem>>) src(%arg9 : memref<32x768xf32, #tpu.memory_space<vmem>>) dst(%dma_wait3A_630 : memref<32x768xf32, #tpu.memory_space<hbm>>)
    %dma_start3A_631 = arith.constant 28 : i32
    %dma_start3A_632 = arith.constant 0 : i32
    %dma_start3A_633 = tpu.memref_slice %arg5[%dma_start3A_631, %dma_start3A_632] : memref<32x32xi32, #tpu.memory_space<vmem>> -> memref<1x32xi32, #tpu.memory_space<vmem>>
    %dma_start3A_634 = tpu.memref_squeeze %dma_start3A_633 : memref<1x32xi32, #tpu.memory_space<vmem>> -> memref<32xi32, #tpu.memory_space<vmem>>
    %dma_start3A_635 = arith.constant 0 : i32
    %dma_start3A_636 = arith.constant 0 : i32
    %dma_start3A_637 = tpu.memref_slice %arg3[%dma_start3A_635, %dma_start3A_636] : memref<8192x768xf32, #tpu.memory_space<hbm>> -> memref<8192x768xf32, #tpu.memory_space<hbm>>
    tpu.enqueue_indirect_dma source(%dma_start3A_637 : memref<8192x768xf32, #tpu.memory_space<hbm>>) target(%arg9 : memref<32x768xf32, #tpu.memory_space<vmem>>) offsets(%dma_start3A_634 : memref<32xi32, #tpu.memory_space<vmem>>) semaphore(%arg14 : memref<!tpu.dma_semaphore, #tpu.memory_space<semaphore_mem>>)
    %dma_wait3A_638 = arith.constant 26 : i32
    %dma_wait3A_639 = arith.constant 0 : i32
    %dma_wait3A_640 = tpu.memref_slice %arg5[%dma_wait3A_638, %dma_wait3A_639] : memref<32x32xi32, #tpu.memory_space<vmem>> -> memref<1x32xi32, #tpu.memory_space<vmem>>
    %dma_wait3A_641 = tpu.memref_squeeze %dma_wait3A_640 : memref<1x32xi32, #tpu.memory_space<vmem>> -> memref<32xi32, #tpu.memory_space<vmem>>
    %dma_wait3A_642 = arith.constant 0 : i32
    %dma_wait3A_643 = arith.constant 0 : i32
    %dma_wait3A_644 = tpu.memref_slice %arg3[%dma_wait3A_642, %dma_wait3A_643] : memref<8192x768xf32, #tpu.memory_space<hbm>> -> memref<8192x768xf32, #tpu.memory_space<hbm>>
    tpu.wait_indirect_dma semaphore(%arg12 : memref<!tpu.dma_semaphore, #tpu.memory_space<semaphore_mem>>) src(%dma_wait3A_644 : memref<8192x768xf32, #tpu.memory_space<hbm>>) dst(%arg7 : memref<32x768xf32, #tpu.memory_space<vmem>>)
    %add3A_645 = arith.constant 832 : i32
    %add3A_646 = arith.addi %mul3A_2, %add3A_645 : i32
    %dma_start3A_647 = arith.constant 0 : i32
    %dma_start3A_648 = tpu.memref_slice %arg4[%add3A_646, %dma_start3A_647] : memref<32768x768xf32, #tpu.memory_space<hbm>> -> memref<32x768xf32, #tpu.memory_space<hbm>>
    %dma_start3A_649 = arith.constant 0 : i32
    %dma_start3A_650 = tpu.memref_slice %arg4[%add3A_646, %dma_start3A_649] : memref<32768x768xf32, #tpu.memory_space<hbm>> -> memref<32x768xf32, #tpu.memory_space<hbm>>
    tpu.enqueue_dma source(%arg7 : memref<32x768xf32, #tpu.memory_space<vmem>>) target(%dma_start3A_650 : memref<32x768xf32, #tpu.memory_space<hbm>>) target_semaphore(%arg17 : memref<!tpu.dma_semaphore, #tpu.memory_space<semaphore_mem>>)
    %dma_wait3A_651 = arith.constant 0 : i32
    %dma_wait3A_652 = tpu.memref_slice %arg4[%add3A_598, %dma_wait3A_651] : memref<32768x768xf32, #tpu.memory_space<hbm>> -> memref<32x768xf32, #tpu.memory_space<hbm>>
    %dma_wait3A_653 = arith.constant 0 : i32
    %dma_wait3A_654 = tpu.memref_slice %arg4[%add3A_598, %dma_wait3A_653] : memref<32768x768xf32, #tpu.memory_space<hbm>> -> memref<32x768xf32, #tpu.memory_space<hbm>>
    tpu.wait_dma2 semaphore(%arg20 : memref<!tpu.dma_semaphore, #tpu.memory_space<semaphore_mem>>) src(%arg10 : memref<32x768xf32, #tpu.memory_space<vmem>>) dst(%dma_wait3A_654 : memref<32x768xf32, #tpu.memory_space<hbm>>)
    %dma_start3A_655 = arith.constant 29 : i32
    %dma_start3A_656 = arith.constant 0 : i32
    %dma_start3A_657 = tpu.memref_slice %arg5[%dma_start3A_655, %dma_start3A_656] : memref<32x32xi32, #tpu.memory_space<vmem>> -> memref<1x32xi32, #tpu.memory_space<vmem>>
    %dma_start3A_658 = tpu.memref_squeeze %dma_start3A_657 : memref<1x32xi32, #tpu.memory_space<vmem>> -> memref<32xi32, #tpu.memory_space<vmem>>
    %dma_start3A_659 = arith.constant 0 : i32
    %dma_start3A_660 = arith.constant 0 : i32
    %dma_start3A_661 = tpu.memref_slice %arg3[%dma_start3A_659, %dma_start3A_660] : memref<8192x768xf32, #tpu.memory_space<hbm>> -> memref<8192x768xf32, #tpu.memory_space<hbm>>
    tpu.enqueue_indirect_dma source(%dma_start3A_661 : memref<8192x768xf32, #tpu.memory_space<hbm>>) target(%arg10 : memref<32x768xf32, #tpu.memory_space<vmem>>) offsets(%dma_start3A_658 : memref<32xi32, #tpu.memory_space<vmem>>) semaphore(%arg15 : memref<!tpu.dma_semaphore, #tpu.memory_space<semaphore_mem>>)
    %dma_wait3A_662 = arith.constant 27 : i32
    %dma_wait3A_663 = arith.constant 0 : i32
    %dma_wait3A_664 = tpu.memref_slice %arg5[%dma_wait3A_662, %dma_wait3A_663] : memref<32x32xi32, #tpu.memory_space<vmem>> -> memref<1x32xi32, #tpu.memory_space<vmem>>
    %dma_wait3A_665 = tpu.memref_squeeze %dma_wait3A_664 : memref<1x32xi32, #tpu.memory_space<vmem>> -> memref<32xi32, #tpu.memory_space<vmem>>
    %dma_wait3A_666 = arith.constant 0 : i32
    %dma_wait3A_667 = arith.constant 0 : i32
    %dma_wait3A_668 = tpu.memref_slice %arg3[%dma_wait3A_666, %dma_wait3A_667] : memref<8192x768xf32, #tpu.memory_space<hbm>> -> memref<8192x768xf32, #tpu.memory_space<hbm>>
    tpu.wait_indirect_dma semaphore(%arg13 : memref<!tpu.dma_semaphore, #tpu.memory_space<semaphore_mem>>) src(%dma_wait3A_668 : memref<8192x768xf32, #tpu.memory_space<hbm>>) dst(%arg8 : memref<32x768xf32, #tpu.memory_space<vmem>>)
    %add3A_669 = arith.constant 864 : i32
    %add3A_670 = arith.addi %mul3A_2, %add3A_669 : i32
    %dma_start3A_671 = arith.constant 0 : i32
    %dma_start3A_672 = tpu.memref_slice %arg4[%add3A_670, %dma_start3A_671] : memref<32768x768xf32, #tpu.memory_space<hbm>> -> memref<32x768xf32, #tpu.memory_space<hbm>>
    %dma_start3A_673 = arith.constant 0 : i32
    %dma_start3A_674 = tpu.memref_slice %arg4[%add3A_670, %dma_start3A_673] : memref<32768x768xf32, #tpu.memory_space<hbm>> -> memref<32x768xf32, #tpu.memory_space<hbm>>
    tpu.enqueue_dma source(%arg8 : memref<32x768xf32, #tpu.memory_space<vmem>>) target(%dma_start3A_674 : memref<32x768xf32, #tpu.memory_space<hbm>>) target_semaphore(%arg18 : memref<!tpu.dma_semaphore, #tpu.memory_space<semaphore_mem>>)
    %dma_wait3A_675 = arith.constant 0 : i32
    %dma_wait3A_676 = tpu.memref_slice %arg4[%add3A_622, %dma_wait3A_675] : memref<32768x768xf32, #tpu.memory_space<hbm>> -> memref<32x768xf32, #tpu.memory_space<hbm>>
    %dma_wait3A_677 = arith.constant 0 : i32
    %dma_wait3A_678 = tpu.memref_slice %arg4[%add3A_622, %dma_wait3A_677] : memref<32768x768xf32, #tpu.memory_space<hbm>> -> memref<32x768xf32, #tpu.memory_space<hbm>>
    tpu.wait_dma2 semaphore(%arg16 : memref<!tpu.dma_semaphore, #tpu.memory_space<semaphore_mem>>) src(%arg6 : memref<32x768xf32, #tpu.memory_space<vmem>>) dst(%dma_wait3A_678 : memref<32x768xf32, #tpu.memory_space<hbm>>)
    %dma_start3A_679 = arith.constant 30 : i32
    %dma_start3A_680 = arith.constant 0 : i32
    %dma_start3A_681 = tpu.memref_slice %arg5[%dma_start3A_679, %dma_start3A_680] : memref<32x32xi32, #tpu.memory_space<vmem>> -> memref<1x32xi32, #tpu.memory_space<vmem>>
    %dma_start3A_682 = tpu.memref_squeeze %dma_start3A_681 : memref<1x32xi32, #tpu.memory_space<vmem>> -> memref<32xi32, #tpu.memory_space<vmem>>
    %dma_start3A_683 = arith.constant 0 : i32
    %dma_start3A_684 = arith.constant 0 : i32
    %dma_start3A_685 = tpu.memref_slice %arg3[%dma_start3A_683, %dma_start3A_684] : memref<8192x768xf32, #tpu.memory_space<hbm>> -> memref<8192x768xf32, #tpu.memory_space<hbm>>
    tpu.enqueue_indirect_dma source(%dma_start3A_685 : memref<8192x768xf32, #tpu.memory_space<hbm>>) target(%arg6 : memref<32x768xf32, #tpu.memory_space<vmem>>) offsets(%dma_start3A_682 : memref<32xi32, #tpu.memory_space<vmem>>) semaphore(%arg11 : memref<!tpu.dma_semaphore, #tpu.memory_space<semaphore_mem>>)
    %dma_wait3A_686 = arith.constant 28 : i32
    %dma_wait3A_687 = arith.constant 0 : i32
    %dma_wait3A_688 = tpu.memref_slice %arg5[%dma_wait3A_686, %dma_wait3A_687] : memref<32x32xi32, #tpu.memory_space<vmem>> -> memref<1x32xi32, #tpu.memory_space<vmem>>
    %dma_wait3A_689 = tpu.memref_squeeze %dma_wait3A_688 : memref<1x32xi32, #tpu.memory_space<vmem>> -> memref<32xi32, #tpu.memory_space<vmem>>
    %dma_wait3A_690 = arith.constant 0 : i32
    %dma_wait3A_691 = arith.constant 0 : i32
    %dma_wait3A_692 = tpu.memref_slice %arg3[%dma_wait3A_690, %dma_wait3A_691] : memref<8192x768xf32, #tpu.memory_space<hbm>> -> memref<8192x768xf32, #tpu.memory_space<hbm>>
    tpu.wait_indirect_dma semaphore(%arg14 : memref<!tpu.dma_semaphore, #tpu.memory_space<semaphore_mem>>) src(%dma_wait3A_692 : memref<8192x768xf32, #tpu.memory_space<hbm>>) dst(%arg9 : memref<32x768xf32, #tpu.memory_space<vmem>>)
    %add3A_693 = arith.constant 896 : i32
    %add3A_694 = arith.addi %mul3A_2, %add3A_693 : i32
    %dma_start3A_695 = arith.constant 0 : i32
    %dma_start3A_696 = tpu.memref_slice %arg4[%add3A_694, %dma_start3A_695] : memref<32768x768xf32, #tpu.memory_space<hbm>> -> memref<32x768xf32, #tpu.memory_space<hbm>>
    %dma_start3A_697 = arith.constant 0 : i32
    %dma_start3A_698 = tpu.memref_slice %arg4[%add3A_694, %dma_start3A_697] : memref<32768x768xf32, #tpu.memory_space<hbm>> -> memref<32x768xf32, #tpu.memory_space<hbm>>
    tpu.enqueue_dma source(%arg9 : memref<32x768xf32, #tpu.memory_space<vmem>>) target(%dma_start3A_698 : memref<32x768xf32, #tpu.memory_space<hbm>>) target_semaphore(%arg19 : memref<!tpu.dma_semaphore, #tpu.memory_space<semaphore_mem>>)
    %dma_wait3A_699 = arith.constant 0 : i32
    %dma_wait3A_700 = tpu.memref_slice %arg4[%add3A_646, %dma_wait3A_699] : memref<32768x768xf32, #tpu.memory_space<hbm>> -> memref<32x768xf32, #tpu.memory_space<hbm>>
    %dma_wait3A_701 = arith.constant 0 : i32
    %dma_wait3A_702 = tpu.memref_slice %arg4[%add3A_646, %dma_wait3A_701] : memref<32768x768xf32, #tpu.memory_space<hbm>> -> memref<32x768xf32, #tpu.memory_space<hbm>>
    tpu.wait_dma2 semaphore(%arg17 : memref<!tpu.dma_semaphore, #tpu.memory_space<semaphore_mem>>) src(%arg7 : memref<32x768xf32, #tpu.memory_space<vmem>>) dst(%dma_wait3A_702 : memref<32x768xf32, #tpu.memory_space<hbm>>)
    %dma_start3A_703 = arith.constant 31 : i32
    %dma_start3A_704 = arith.constant 0 : i32
    %dma_start3A_705 = tpu.memref_slice %arg5[%dma_start3A_703, %dma_start3A_704] : memref<32x32xi32, #tpu.memory_space<vmem>> -> memref<1x32xi32, #tpu.memory_space<vmem>>
    %dma_start3A_706 = tpu.memref_squeeze %dma_start3A_705 : memref<1x32xi32, #tpu.memory_space<vmem>> -> memref<32xi32, #tpu.memory_space<vmem>>
    %dma_start3A_707 = arith.constant 0 : i32
    %dma_start3A_708 = arith.constant 0 : i32
    %dma_start3A_709 = tpu.memref_slice %arg3[%dma_start3A_707, %dma_start3A_708] : memref<8192x768xf32, #tpu.memory_space<hbm>> -> memref<8192x768xf32, #tpu.memory_space<hbm>>
    tpu.enqueue_indirect_dma source(%dma_start3A_709 : memref<8192x768xf32, #tpu.memory_space<hbm>>) target(%arg7 : memref<32x768xf32, #tpu.memory_space<vmem>>) offsets(%dma_start3A_706 : memref<32xi32, #tpu.memory_space<vmem>>) semaphore(%arg12 : memref<!tpu.dma_semaphore, #tpu.memory_space<semaphore_mem>>)
    %dma_wait3A_710 = arith.constant 29 : i32
    %dma_wait3A_711 = arith.constant 0 : i32
    %dma_wait3A_712 = tpu.memref_slice %arg5[%dma_wait3A_710, %dma_wait3A_711] : memref<32x32xi32, #tpu.memory_space<vmem>> -> memref<1x32xi32, #tpu.memory_space<vmem>>
    %dma_wait3A_713 = tpu.memref_squeeze %dma_wait3A_712 : memref<1x32xi32, #tpu.memory_space<vmem>> -> memref<32xi32, #tpu.memory_space<vmem>>
    %dma_wait3A_714 = arith.constant 0 : i32
    %dma_wait3A_715 = arith.constant 0 : i32
    %dma_wait3A_716 = tpu.memref_slice %arg3[%dma_wait3A_714, %dma_wait3A_715] : memref<8192x768xf32, #tpu.memory_space<hbm>> -> memref<8192x768xf32, #tpu.memory_space<hbm>>
    tpu.wait_indirect_dma semaphore(%arg15 : memref<!tpu.dma_semaphore, #tpu.memory_space<semaphore_mem>>) src(%dma_wait3A_716 : memref<8192x768xf32, #tpu.memory_space<hbm>>) dst(%arg10 : memref<32x768xf32, #tpu.memory_space<vmem>>)
    %add3A_717 = arith.constant 928 : i32
    %add3A_718 = arith.addi %mul3A_2, %add3A_717 : i32
    %dma_start3A_719 = arith.constant 0 : i32
    %dma_start3A_720 = tpu.memref_slice %arg4[%add3A_718, %dma_start3A_719] : memref<32768x768xf32, #tpu.memory_space<hbm>> -> memref<32x768xf32, #tpu.memory_space<hbm>>
    %dma_start3A_721 = arith.constant 0 : i32
    %dma_start3A_722 = tpu.memref_slice %arg4[%add3A_718, %dma_start3A_721] : memref<32768x768xf32, #tpu.memory_space<hbm>> -> memref<32x768xf32, #tpu.memory_space<hbm>>
    tpu.enqueue_dma source(%arg10 : memref<32x768xf32, #tpu.memory_space<vmem>>) target(%dma_start3A_722 : memref<32x768xf32, #tpu.memory_space<hbm>>) target_semaphore(%arg20 : memref<!tpu.dma_semaphore, #tpu.memory_space<semaphore_mem>>)
    %dma_wait3A_723 = arith.constant 30 : i32
    %dma_wait3A_724 = arith.constant 0 : i32
    %dma_wait3A_725 = tpu.memref_slice %arg5[%dma_wait3A_723, %dma_wait3A_724] : memref<32x32xi32, #tpu.memory_space<vmem>> -> memref<1x32xi32, #tpu.memory_space<vmem>>
    %dma_wait3A_726 = tpu.memref_squeeze %dma_wait3A_725 : memref<1x32xi32, #tpu.memory_space<vmem>> -> memref<32xi32, #tpu.memory_space<vmem>>
    %dma_wait3A_727 = arith.constant 0 : i32
    %dma_wait3A_728 = arith.constant 0 : i32
    %dma_wait3A_729 = tpu.memref_slice %arg3[%dma_wait3A_727, %dma_wait3A_728] : memref<8192x768xf32, #tpu.memory_space<hbm>> -> memref<8192x768xf32, #tpu.memory_space<hbm>>
    tpu.wait_indirect_dma semaphore(%arg11 : memref<!tpu.dma_semaphore, #tpu.memory_space<semaphore_mem>>) src(%dma_wait3A_729 : memref<8192x768xf32, #tpu.memory_space<hbm>>) dst(%arg6 : memref<32x768xf32, #tpu.memory_space<vmem>>)
    %add3A_730 = arith.constant 960 : i32
    %add3A_731 = arith.addi %mul3A_2, %add3A_730 : i32
    %dma_start3A_732 = arith.constant 0 : i32
    %dma_start3A_733 = tpu.memref_slice %arg4[%add3A_731, %dma_start3A_732] : memref<32768x768xf32, #tpu.memory_space<hbm>> -> memref<32x768xf32, #tpu.memory_space<hbm>>
    %dma_start3A_734 = arith.constant 0 : i32
    %dma_start3A_735 = tpu.memref_slice %arg4[%add3A_731, %dma_start3A_734] : memref<32768x768xf32, #tpu.memory_space<hbm>> -> memref<32x768xf32, #tpu.memory_space<hbm>>
    tpu.enqueue_dma source(%arg6 : memref<32x768xf32, #tpu.memory_space<vmem>>) target(%dma_start3A_735 : memref<32x768xf32, #tpu.memory_space<hbm>>) target_semaphore(%arg16 : memref<!tpu.dma_semaphore, #tpu.memory_space<semaphore_mem>>)
    %dma_wait3A_736 = arith.constant 31 : i32
    %dma_wait3A_737 = arith.constant 0 : i32
    %dma_wait3A_738 = tpu.memref_slice %arg5[%dma_wait3A_736, %dma_wait3A_737] : memref<32x32xi32, #tpu.memory_space<vmem>> -> memref<1x32xi32, #tpu.memory_space<vmem>>
    %dma_wait3A_739 = tpu.memref_squeeze %dma_wait3A_738 : memref<1x32xi32, #tpu.memory_space<vmem>> -> memref<32xi32, #tpu.memory_space<vmem>>
    %dma_wait3A_740 = arith.constant 0 : i32
    %dma_wait3A_741 = arith.constant 0 : i32
    %dma_wait3A_742 = tpu.memref_slice %arg3[%dma_wait3A_740, %dma_wait3A_741] : memref<8192x768xf32, #tpu.memory_space<hbm>> -> memref<8192x768xf32, #tpu.memory_space<hbm>>
    tpu.wait_indirect_dma semaphore(%arg12 : memref<!tpu.dma_semaphore, #tpu.memory_space<semaphore_mem>>) src(%dma_wait3A_742 : memref<8192x768xf32, #tpu.memory_space<hbm>>) dst(%arg7 : memref<32x768xf32, #tpu.memory_space<vmem>>)
    %add3A_743 = arith.constant 992 : i32
    %add3A_744 = arith.addi %mul3A_2, %add3A_743 : i32
    %dma_start3A_745 = arith.constant 0 : i32
    %dma_start3A_746 = tpu.memref_slice %arg4[%add3A_744, %dma_start3A_745] : memref<32768x768xf32, #tpu.memory_space<hbm>> -> memref<32x768xf32, #tpu.memory_space<hbm>>
    %dma_start3A_747 = arith.constant 0 : i32
    %dma_start3A_748 = tpu.memref_slice %arg4[%add3A_744, %dma_start3A_747] : memref<32768x768xf32, #tpu.memory_space<hbm>> -> memref<32x768xf32, #tpu.memory_space<hbm>>
    tpu.enqueue_dma source(%arg7 : memref<32x768xf32, #tpu.memory_space<vmem>>) target(%dma_start3A_748 : memref<32x768xf32, #tpu.memory_space<hbm>>) target_semaphore(%arg17 : memref<!tpu.dma_semaphore, #tpu.memory_space<semaphore_mem>>)
    %dma_wait3A_749 = arith.constant 0 : i32
    %dma_wait3A_750 = tpu.memref_slice %arg4[%add3A_670, %dma_wait3A_749] : memref<32768x768xf32, #tpu.memory_space<hbm>> -> memref<32x768xf32, #tpu.memory_space<hbm>>
    %dma_wait3A_751 = arith.constant 0 : i32
    %dma_wait3A_752 = tpu.memref_slice %arg4[%add3A_670, %dma_wait3A_751] : memref<32768x768xf32, #tpu.memory_space<hbm>> -> memref<32x768xf32, #tpu.memory_space<hbm>>
    tpu.wait_dma2 semaphore(%arg18 : memref<!tpu.dma_semaphore, #tpu.memory_space<semaphore_mem>>) src(%arg8 : memref<32x768xf32, #tpu.memory_space<vmem>>) dst(%dma_wait3A_752 : memref<32x768xf32, #tpu.memory_space<hbm>>)
    %dma_wait3A_753 = arith.constant 0 : i32
    %dma_wait3A_754 = tpu.memref_slice %arg4[%add3A_694, %dma_wait3A_753] : memref<32768x768xf32, #tpu.memory_space<hbm>> -> memref<32x768xf32, #tpu.memory_space<hbm>>
    %dma_wait3A_755 = arith.constant 0 : i32
    %dma_wait3A_756 = tpu.memref_slice %arg4[%add3A_694, %dma_wait3A_755] : memref<32768x768xf32, #tpu.memory_space<hbm>> -> memref<32x768xf32, #tpu.memory_space<hbm>>
    tpu.wait_dma2 semaphore(%arg19 : memref<!tpu.dma_semaphore, #tpu.memory_space<semaphore_mem>>) src(%arg9 : memref<32x768xf32, #tpu.memory_space<vmem>>) dst(%dma_wait3A_756 : memref<32x768xf32, #tpu.memory_space<hbm>>)
    %dma_wait3A_757 = arith.constant 0 : i32
    %dma_wait3A_758 = tpu.memref_slice %arg4[%add3A_718, %dma_wait3A_757] : memref<32768x768xf32, #tpu.memory_space<hbm>> -> memref<32x768xf32, #tpu.memory_space<hbm>>
    %dma_wait3A_759 = arith.constant 0 : i32
    %dma_wait3A_760 = tpu.memref_slice %arg4[%add3A_718, %dma_wait3A_759] : memref<32768x768xf32, #tpu.memory_space<hbm>> -> memref<32x768xf32, #tpu.memory_space<hbm>>
    tpu.wait_dma2 semaphore(%arg20 : memref<!tpu.dma_semaphore, #tpu.memory_space<semaphore_mem>>) src(%arg10 : memref<32x768xf32, #tpu.memory_space<vmem>>) dst(%dma_wait3A_760 : memref<32x768xf32, #tpu.memory_space<hbm>>)
    %dma_wait3A_761 = arith.constant 0 : i32
    %dma_wait3A_762 = tpu.memref_slice %arg4[%add3A_731, %dma_wait3A_761] : memref<32768x768xf32, #tpu.memory_space<hbm>> -> memref<32x768xf32, #tpu.memory_space<hbm>>
    %dma_wait3A_763 = arith.constant 0 : i32
    %dma_wait3A_764 = tpu.memref_slice %arg4[%add3A_731, %dma_wait3A_763] : memref<32768x768xf32, #tpu.memory_space<hbm>> -> memref<32x768xf32, #tpu.memory_space<hbm>>
    tpu.wait_dma2 semaphore(%arg16 : memref<!tpu.dma_semaphore, #tpu.memory_space<semaphore_mem>>) src(%arg6 : memref<32x768xf32, #tpu.memory_space<vmem>>) dst(%dma_wait3A_764 : memref<32x768xf32, #tpu.memory_space<hbm>>)
    %dma_wait3A_765 = arith.constant 0 : i32
    %dma_wait3A_766 = tpu.memref_slice %arg4[%add3A_744, %dma_wait3A_765] : memref<32768x768xf32, #tpu.memory_space<hbm>> -> memref<32x768xf32, #tpu.memory_space<hbm>>
    %dma_wait3A_767 = arith.constant 0 : i32
    %dma_wait3A_768 = tpu.memref_slice %arg4[%add3A_744, %dma_wait3A_767] : memref<32768x768xf32, #tpu.memory_space<hbm>> -> memref<32x768xf32, #tpu.memory_space<hbm>>
    tpu.wait_dma2 semaphore(%arg17 : memref<!tpu.dma_semaphore, #tpu.memory_space<semaphore_mem>>) src(%arg7 : memref<32x768xf32, #tpu.memory_space<vmem>>) dst(%dma_wait3A_768 : memref<32x768xf32, #tpu.memory_space<hbm>>)
    return
  }
}

</mosaic_0001>

<sc_bundles>
// kernel: kernel.3.cloned.1.call-start
scs
__scs_entry_jumppad:
0x0: {  	(pc) =	sbr.rel $0x88, $3  }
0x1: {  	(tag) =	ssettag $0x0;
	lr =	simm.s32 $0x1  }
0x2: {  	[smem:$0x3F9F] =	sst lr;
	_ =	strace $0xD0000000  }
0x3: {  	_ = 	snop  }
0x4: {  	_ = 	snop  }
0x5: {  	_ = 	snop  }
0x6: {  	_ = 	snop  }
0x7: {  	_ = 	snop  }
__scs_overlays_trampoline_lowered:
0x8: {  	[smem:$0x3FAE] =	sst s0  }
0x9: {  	[smem:$0x3FAF] =	sst s1  }
0xa: {  	[smem:$0x3FB0] =	sst s2  }
0xb: {  	[smem:$0x3FB1] =	sst s3  }
0xc: {  	[smem:$0x3FB2] =	sst s4  }
0xd: {  	[smem:$0x3FB3] =	sst s5  }
0xe: {  	[smem:$0x3FB4] =	sst s6  }
0xf: {  	[smem:$0x3FB5] =	sst s7  }
0x10: {  	[smem:$0x3FB6] =	sst s8  }
0x11: {  	[smem:$0x3FB7] =	sst s9;
	s0 =	simm.s32 @!p0 $0x0  }
0x12: {  	s1 =	sld [smem:$0x3F9D];
	s0 =	simm.s32 @p0 $0x1  }
0x13: {  	[smem:$0x3FB8] =	sst s0;
	s0 =	simm.s32 @!p1 $0x0  }
0x14: {  	s2 =	sld [smem:$0x3F9C];
	s0 =	simm.s32 @p1 $0x1  }
0x15: {  	[smem:$0x3FB9] =	sst s0;
	s0 =	simm.s32 @!p2 $0x0  }
0x16: {  	s3 =	sld [smem:$0x3FDB];
	s0 =	simm.s32 @p2 $0x1  }
0x17: {  	s4 =	simm.s32 $0x1BF5;
	[smem:$0x3FBB] =	sst s0  }
0x18: {  	s0 =	sld [smem:$0x3F9E];
	_ =	swait.ge [sflag:s4], $0x0  }
0x19: {  	s7 =	sld [smem:$0x3F9F]  }
0x1a: {  	s8 =	sadd.s32 $0xFFFFE003, lr  }
0x1b: {  	s9 =	sadd.s32 $0xFFFFFEF7, lr;
	s5 =	simm.s32 $0xFFFFFFFF;
	p2 =	slt.u32 s8, $0xFFFFF086  }
0x1c: {  	p1 =	slt.u32 s9, $0xF7A;
	s5 =	simm.s32 @!p2 $0x0  }
0x1d: {  	s5 =	simm.s32 @p1 $0x1;
	p0 =	seq.s32 s7, s2  }
0x1e: {  	s7 =	smul.u32 @!p0 $0xF7A, s2;
	p2 =	seq.s32 @!p0 s5, $0x0  }
0x1f: {  	s9 =	smul.u32 $0xF7A, s1;
	s8 =	simm.s32 @!p0 $0x1BF5;
	p2 =	por !p2, p0  }
0x20: {  	[sflag:s8] =	ssyncset.s32 @!p0 $0xFFFFF086;
	s6 =	sadd.s32 @!p0 s3, s7;
	s7 =	simm.s32 @!p0 $0x108  }
0x21: {  	s3 =	sadd.s32 s3, s9;
	s6 =	sadd.s32 @!p0 $0x88, s6;
	s7 =	simm.s32 @p2 $0x1082  }
0x22: {  	[simem:s7], [sflag:s8] =	dma.local @!p0 [hbm:s6], $0xF7A  }
0x23: {  	s9 =	sor.u32 $0xD0000000, s2;
	s6 =	simm.s32 $0x108;
	_ =	swait.ge @!p0 [sflag:s8], $0x0  }
0x24: {  	s3 =	sadd.s32 $0x88, s3;
	s6 =	simm.s32 @!p1 $0x1082;
	[sflag:s4] =	ssyncset.s32 $0xFFFFF086  }
0x25: {  	[simem:s6], [sflag:s4] =	dma.local [hbm:s3], $0xF7A  }
0x26: {  	[smem:$0x3F9F] =	sst s1;
	(tag) =	ssettag s2;
	_ =	strace s9  }
0x27: {  	s1 =	sld [smem:$0x3FAF]  }
0x28: {  	s2 =	sld [smem:$0x3FB0]  }
0x29: {  	s4 =	sld [smem:$0x3FB2]  }
0x2a: {  	p0 =	seq.s32 s5, $0x0;
	s5 =	sld [smem:$0x3FB3]  }
0x2b: {  	s6 =	sld [smem:$0x3FB4]  }
0x2c: {  	s7 =	sld [smem:$0x3FB5]  }
0x2d: {  	s3 =	simm.s32 $0x108;
	s8 =	sld [smem:$0x3FB6]  }
0x2e: {  	s3 =	simm.s32 @!p0 $0x1082;
	s9 =	sld [smem:$0x3FB7]  }
0x2f: {  	lr =	sadd.s32 s0, s3;
	s0 =	sld [smem:$0x3FAE]  }
0x30: {  	s3 =	sld [smem:$0x3FB1]  }
0x31: {  	[smem:$0x3FBA] =	sst s10  }
0x32: {  	s10 =	sld [smem:$0x3FB8];
	_ =	sdelay $0x3  }
0x33: {  	p0 =	seq.s32 s10, $0x1;
	s10 =	sld [smem:$0x3FBA];
	_ =	sdelay $0x3  }
0x34: {  	[smem:$0x3FBA] =	sst s10  }
0x35: {  	s10 =	sld [smem:$0x3FB9];
	_ =	sdelay $0x3  }
0x36: {  	p1 =	seq.s32 s10, $0x1;
	s10 =	sld [smem:$0x3FBA];
	_ =	sdelay $0x3  }
0x37: {  	[smem:$0x3FBA] =	sst s10  }
0x38: {  	s10 =	sld [smem:$0x3FBB]  }
0x39: {  	_ = 	snop;
	(pc) =	sbr.ind lr, $3  }
0x3a: {  	_ = 	snop  }
0x3b: {  	_ = 	snop  }
0x3c: {  	p2 =	seq.s32 s10, $0x1;
	s10 =	sld [smem:$0x3FBA]  }
0x3d: {  	_ =	shalt  }
0x3e: {  	_ =	shalt  }
0x3f: {  	_ =	shalt  }
0x40: {  	_ =	shalt  }
0x41: {  	_ =	shalt  }
0x42: {  	_ =	shalt  }
0x43: {  	_ =	shalt  }
0x44: {  	_ =	shalt  }
0x45: {  	_ =	shalt  }
0x46: {  	_ =	shalt  }
0x47: {  	_ =	shalt  }
0x48: {  	_ =	shalt  }
0x49: {  	_ =	shalt  }
0x4a: {  	_ =	shalt  }
0x4b: {  	_ =	shalt  }
0x4c: {  	_ =	shalt  }
0x4d: {  	_ =	shalt  }
0x4e: {  	_ =	shalt  }
0x4f: {  	_ =	shalt  }
0x50: {  	_ =	shalt  }
0x51: {  	_ =	shalt  }
0x52: {  	_ =	shalt  }
0x53: {  	_ =	shalt  }
0x54: {  	_ =	shalt  }
0x55: {  	_ =	shalt  }
0x56: {  	_ =	shalt  }
0x57: {  	_ =	shalt  }
0x58: {  	_ =	shalt  }
0x59: {  	_ =	shalt  }
0x5a: {  	_ =	shalt  }
0x5b: {  	_ =	shalt  }
0x5c: {  	_ =	shalt  }
0x5d: {  	_ =	shalt  }
0x5e: {  	_ =	shalt  }
0x5f: {  	_ =	shalt  }
0x60: {  	_ =	shalt  }
0x61: {  	_ =	shalt  }
0x62: {  	_ =	shalt  }
0x63: {  	_ =	shalt  }
0x64: {  	_ =	shalt  }
0x65: {  	_ =	shalt  }
0x66: {  	_ =	shalt  }
0x67: {  	_ =	shalt  }
0x68: {  	_ =	shalt  }
0x69: {  	_ =	shalt  }
0x6a: {  	_ =	shalt  }
0x6b: {  	_ =	shalt  }
0x6c: {  	_ =	shalt  }
0x6d: {  	_ =	shalt  }
0x6e: {  	_ =	shalt  }
0x6f: {  	_ =	shalt  }
0x70: {  	_ =	shalt  }
0x71: {  	_ =	shalt  }
0x72: {  	_ =	shalt  }
0x73: {  	_ =	shalt  }
0x74: {  	_ =	shalt  }
0x75: {  	_ =	shalt  }
0x76: {  	_ =	shalt  }
0x77: {  	_ =	shalt  }
0x78: {  	_ =	shalt  }
0x79: {  	_ =	shalt  }
0x7a: {  	_ =	shalt  }
0x7b: {  	_ =	shalt  }
0x7c: {  	_ =	shalt  }
0x7d: {  	_ =	shalt  }
0x7e: {  	_ =	shalt  }
0x7f: {  	_ =	shalt  }
0x80: {  	_ =	shalt  }
0x81: {  	_ =	shalt  }
0x82: {  	_ =	shalt  }
0x83: {  	_ =	shalt  }
0x84: {  	_ =	shalt  }
0x85: {  	_ =	shalt  }
0x86: {  	_ =	shalt  }
0x87: {  	_ =	shalt  }
.Lfunc_end0:
.L_simem_size_0:
called_computation_lowered:
.L_overlay_start_0:
0x88: {  	s2 =	sld [smem:$0x3FD9]  }
0x89: {  	s3 =	sld [smem:$0x3FFE];
	_ =	sdelay $0x1  }
0x8a: {  	s1 =	srdreg.scid  }
0x8b: {  	s0 =	sand.u32 $0x1, s1  }
0x8c: {  	s17 =	sshll.u32 s0, $0xA;
	s2 =	sadd.s32 s3, s2  }
0x8d: {  	s2 =	sadd.s32 s2, s17  }
0x8e: {  	[smem:$0x3FC6] =	sst s2  }
0x8f: {  	_ = 	snop  }
0x90: {  	s2 =	sld [smem:$0x3FC8]  }
0x91: {  	s18 =	sld [smem:$0x3FD0];
	(tm) =	ssettm $0x1  }
0x92: {  	s4 =	sld [smem:$0x3FFB];
	_ =	sdelay $0x3  }
0x93: {  	_ =	strace s4  }
0x94: {  	s4 =	sld [smem:$0x3FFC];
	_ =	sdelay $0x3  }
0x95: {  	_ =	strace s4  }
0x96: {  	s4 =	sld [smem:$0x3FFD];
	_ =	sdelay $0x3  }
0x97: {  	_ =	strace s4  }
0x98: {  	_ =	strace $0x8FFFFFFF  }
0x99: {  	s19 =	sld [smem:$0x3FDB];
	_ =	sdelay $0x1  }
0x9a: {  	s5 =	simm.s32 $_scs_section_size  }
0x9b: {  	s6 =	simm.s32 $_size__tile_overlayer_lowered;
	s7 =	simm.s32 $_tile_overlayer_lowered  }
0x9c: {  	s22 =	simm.s32 $0x1BFF;
	s21 =	sshll.u32 s7, $0x1;
	s4 =	sadd.s32 s5, s19  }
0x9d: {  	s8 =	simm.s32 $0x0;
	s20 =	sshll.u32 s6, $0x1;
	s6 =	sadd.s32 s21, s4  }
0x9e: {  	[timem:s8], [sflag:s22] =	dma.local [hbm:s6], s20  }
0x9f: {  	_ =	swait.ge [sflag:s22], s20  }
0xa0: {  	s5 =	ssub.s32 $0x0, s20;
	[sflag:s22] =	ssyncset.done $0x0  }
0xa1: {  	[sflag:s22] =	ssyncadd.s32 s5;
	_ =	sdelay $0x1  }
0xa2: {  	s23 =	simm.s32 $0x1B8B  }
0xa3: {  	_ =	swait.ge [sflag:s23], $0x1  }
0xa4: {  	[sflag:s23] =	ssyncset.done $0x0  }
0xa5: {  	s25 =	simm.s32 $0x1B8E;
	s24 =	sld [smem:$0x3FFE];
	[sflag:s23] =	ssyncadd.s32 $0xFFFFFFFF  }
0xa6: {  	s26 =	simm.s32 $execute0_lowered;
	[smem:$0x3FD2] =	sst s25  }
0xa7: {  	s6 =	sshll.u32 s26, $0x1;
	_ =	strace $0x80000046;
	[dreg:$0x1] =	wrdreg $0xFFFFFFFF  }
0xa8: {  	s28 =	simm.s32 $_size_execute0_lowered;
	s4 =	sadd.s32 s4, s6;
	[dreg:$0x0] =	wrdreg $0x0  }
0xa9: {  	s6 =	sshll.u32 s28, $0x1;
	[dreg:$0x2] =	wrdreg s4  }
0xaa: {  	[dreg:$0x3] =	wrdreg s6  }
0xab: {  	[dreg:$0x4] =	wrdreg $0xC0  }
0xac: {  	_ =	task [dreg:s8], $0x5FFFF  }
0xad: {  	[dreg:$0x1] =	wrdreg $0xFFFFFFFF  }
0xae: {  	[dreg:$0x0] =	wrdreg $0x60  }
0xaf: {  	[dreg:$0x2] =	wrdreg s24  }
0xb0: {  	[dreg:$0x3] =	wrdreg s2  }
0xb1: {  	[dreg:$0x4] =	wrdreg s18  }
0xb2: {  	[dreg:$0x5] =	wrdreg $0x9  }
0xb3: {  	_ =	task.clear_ibuf [dreg:s8], $0x6FFFF;
	_ =	strace $0x90000046  }
0xb4: {  	s29 =	simm.s32 $0x9;
	_ =	strace $0x80000048  }
0xb5: {  	_ =	swait.ge [sflag:s29], $0x1  }
0xb6: {  	[sflag:s29] =	ssyncadd.s32 $0xFFFFFFFF  }
0xb7: {  	_ =	strace $0x90000048  }
0xb8: {  	_ =	sfence  }
0xb9: {  	s30 =	sld [smem:$0x0];
	_ =	sdelay $0x2  }
0xba: {  	s31 =	sshll.u32 s1, $0xD;
	s1 =	sshrl.u32 s1, $0x2  }
0xbb: {  	s3 =	sand.u32 $0x4000, s31;
	s1 =	sadd.s32 s1, s30  }
0xbc: {  	s0 =	sor.u32 s3, s0;
	s1 =	sshll.u32 s1, $0x11  }
0xbd: {  	s0 =	sor.u32 s1, s0  }
0xbe: {  	s0 =	sadd.s32 $0x8F2B, s0  }
0xbf: {  	[sflag:s0] =	ssyncadd.remote.s32 $0x1  }
0xc0: {  	_ =	sfence.sel $0xFFFF  }
0xc1: {  	[dreg:$0x0] =	wrdreg $0xFFFFFFFF;
	(pc) =	sbr.abs _section_cstart, $3  }
0xc2: {  	[dreg:$0x1] =	wrdreg $0xFFFFFFFF  }
0xc3: {  	_ =	task.clear_ibuf [dreg:s8], $0x2FFFF;
	_ =	strace $0x9FFFFFFF  }
0xc4: {  	(tm) =	ssettm $0x7FFFFFFF  }
0xc5: {  	_ =	shalt  }
tec
execute0_lowered:
.L_overlay_start_1:
0x0: {  	(tag) =	ssettag $0x1  }
0x1: {  	s0 =	srdreg.scid;
	s3 =	stileid.u32  }
0x2: {  	s1 =	rddreg [dreg:$0x0];
	s0 =	sand.u32 $0x1, s0;
	s3 =	sshll.u32 s3, $0x1  }
0x3: {  	s2 =	rddreg [dreg:$0x1];
	s5 =	sor.u32 s0, s3  }
0x4: {  	s4 =	rddreg [dreg:$0x2];
	s6 =	sshll.u32 s5, $0x9  }
0x5: {  	s3 =	simm.s32 $0x0;
	s7 =	smul.u32 $0x18000, s5;
	s1 =	sadd.s32 s6, s1  }
0x6: {  	[smem:$0x7FF] =	sst s3;
	s1 =	sadd.s32 $0x400, s1  }
0x7: {  	_ =	strace $0x80000047;
	s22 =	sadd.s32 s4, s7;
	[dreg:$0x4] =	wrdreg s1  }
0x8: {  	s23 =	sadd.s32 $0xC00, s22;
	[smem:$0x7F9] =	sst s22  }
0x9: {  	s24 =	sadd.s32 $0x1800, s22;
	[dreg:$0x5] =	wrdreg s23  }
0xa: {  	s25 =	sadd.s32 $0x2400, s22;
	[dreg:$0x6] =	wrdreg s24  }
0xb: {  	s26 =	sadd.s32 $0x3000, s22;
	[dreg:$0x7] =	wrdreg s25  }
0xc: {  	s28 =	sadd.s32 $0x3C00, s22;
	[dreg:$0x8] =	wrdreg s26  }
0xd: {  	s29 =	sadd.s32 $0x4800, s22;
	[dreg:$0x9] =	wrdreg s28  }
0xe: {  	s5 =	smul.u32 $0xC0000, s5;
	s30 =	sadd.s32 $0x5400, s22;
	[dreg:$0xa] =	wrdreg s29  }
0xf: {  	s31 =	sadd.s32 $0x6000, s22;
	[dreg:$0xb] =	wrdreg s30  }
0x10: {  	s5 =	sshrl.u32 s5, $0x3;
	s7 =	sadd.s32 $0x6C00, s22;
	[dreg:$0xc] =	wrdreg s31  }
0x11: {  	s8 =	sadd.s32 $0x7800, s22;
	s4 =	sadd.s32 s4, s5;
	[dreg:$0xd] =	wrdreg s7  }
0x12: {  	[dreg:$0xe] =	wrdreg s8;
	s9 =	sadd.s32 $0x8400, s4  }
0x13: {  	s10 =	sadd.s32 $0x9000, s4;
	[dreg:$0xf] =	wrdreg s9  }
0x14: {  	s11 =	sadd.s32 $0x9C00, s4;
	[dreg:$0x10] =	wrdreg s10  }
0x15: {  	s12 =	sadd.s32 $0xA800, s4;
	[dreg:$0x11] =	wrdreg s11  }
0x16: {  	s13 =	sadd.s32 $0xB400, s4;
	[dreg:$0x12] =	wrdreg s12  }
0x17: {  	s14 =	sadd.s32 $0xC000, s4;
	[dreg:$0x13] =	wrdreg s13  }
0x18: {  	s15 =	sadd.s32 $0xCC00, s4;
	[dreg:$0x14] =	wrdreg s14  }
0x19: {  	s16 =	sadd.s32 $0xD800, s4;
	[dreg:$0x15] =	wrdreg s15  }
0x1a: {  	s17 =	sadd.s32 $0xE400, s4;
	[dreg:$0x16] =	wrdreg s16  }
0x1b: {  	s18 =	sadd.s32 $0xF000, s4;
	[dreg:$0x17] =	wrdreg s17  }
0x1c: {  	s19 =	sadd.s32 $0xFC00, s4;
	[dreg:$0x18] =	wrdreg s18  }
0x1d: {  	s20 =	sadd.s32 $0x10800, s4;
	[dreg:$0x19] =	wrdreg s19  }
0x1e: {  	s21 =	sadd.s32 $0x11400, s4;
	[dreg:$0x1a] =	wrdreg s20  }
0x1f: {  	s22 =	sadd.s32 $0x12000, s4;
	[dreg:$0x1b] =	wrdreg s21  }
0x20: {  	s23 =	sadd.s32 $0x12C00, s4;
	[dreg:$0x1c] =	wrdreg s22  }
0x21: {  	s24 =	sadd.s32 $0x13800, s4;
	[dreg:$0x1d] =	wrdreg s23  }
0x22: {  	s0 =	ssub.s32 $0x2, s0;
	s25 =	sadd.s32 $0x14400, s4;
	[dreg:$0x1e] =	wrdreg s24  }
0x23: {  	s6 =	sadd.s32 $0x200, s2;
	s26 =	sadd.s32 $0x15000, s4;
	[dreg:$0x1f] =	wrdreg s25  }
0x24: {  	s5 =	sadd.s32 $0x100, s2;
	s28 =	sadd.s32 $0x15C00, s4;
	[smem:$0x7FA] =	sst s26  }
0x25: {  	s29 =	sshrl.u32 s0, $0x1;
	s30 =	sadd.s32 $0x16800, s4;
	[smem:$0x7FB] =	sst s28  }
0x26: {  	s31 =	sadd.s32 $0x17400, s4;
	s0 =	ssub.s32 s0, s29;
	[smem:$0x7FC] =	sst s30  }
0x27: {  	[smem:$0x7FD] =	sst s31;
	s11 =	simm.s32 $0x1;
	s12 =	simm.s32 $0x2  }
0x28: {  	v2 =	vlaneseq.u32;
	s25 =	simm.s32 $0x3;
	s14 =	simm.s32 $0x6;
	s15 =	simm.s32 $0x4  }
0x29: {  	vm0 =	vmmov $0xffff;
	v1 =	vshrl.u32 v2, $0x3;
	s16 =	simm.s32 $0x7;
	s17 =	simm.s32 $0x5;
	s18 =	simm.s32 $0x8  }
0x2a: {  	v0 =	vand.u32 $0x7, v2;
	v2 =	vor.u32 $0x8, v2;
	v1 =	vmul.u32 $0x8, v1;
	s19 =	simm.s32 $0x9;
	s20 =	simm.s32 $0xA;
	s0 =	smax.u32 s0, $0x1  }
.LBB2_1:
0x2b: {  	[smem:$0x7F8] =	sst s0  }
0x2c: {  	s22 =	rddreg [dreg:$0x4];
	s21 =	simm.s32 $0xB  }
0x2d: {  	[tilespmem:s3], [sflag:$0xB] =	stream.linear.gather [hbm4b:s22+s3], $0x1000, $0x38;
	[tilespmem:$0x1F000] =	vst v63  }
0x2e: {  	_ =	swait.ge [sflag:s21], $0x1000  }
0x2f: {  	[sflag:s21] =	ssyncset.done $0x0  }
0x30: {  	[sflag:s21] =	ssyncadd.s32 $0xFFFFF000  }
0x31: {  	v3 =	vld [tilespmem:$0x0];
	_ =	sdelay $0x4  }
0x32: {  	v4 =	vshrl.u32 v3, $0x3  }
0x33: {  	v4 =	vmul.u32 $0x30, v4  }
0x34: {  	v3 =	vand.u32 $0x7, v3  }
0x35: {  	v3 =	vor.u32 v3, v4  }
0x36: {  	v4 =	vperm.xlane v3, v0;
	_ =	sdelay $0x1  }
0x37: {  	v4 =	vadd.s32 v1, v4;
	_ =	sdelay $0x3  }
0x38: {  	s23 =	simm.s32 $0x1000;
	v3 =	vperm.xlane v3, v2  }
0x39: {  	[tilespmem:s23], [sflag:$0x1] =	stream.indirect_vreg.gather [hbm4b:s2+s3], $0x80, v4, vm0, $0xb8;
	[tilespmem:$0x1F000] =	vst v63  }
0x3a: {  	s24 =	simm.s32 $0x1800;
	v3 =	vadd.s32 v1, v3  }
0x3b: {  	[tilespmem:s24], [sflag:$0x1] =	stream.indirect_vreg.gather [hbm4b:s5+s3], $0x80, v4, vm0, $0xb8;
	[tilespmem:$0x1F000] =	vst v63  }
0x3c: {  	s26 =	simm.s32 $0x2000  }
0x3d: {  	[tilespmem:s26], [sflag:$0x1] =	stream.indirect_vreg.gather [hbm4b:s6+s3], $0x80, v4, vm0, $0xb8;
	[tilespmem:$0x1F000] =	vst v63  }
0x3e: {  	s28 =	simm.s32 $0x2800  }
0x3f: {  	[tilespmem:s28], [sflag:$0x1] =	stream.indirect_vreg.gather [hbm4b:s2+s3], $0x80, v3, vm0, $0xb8;
	[tilespmem:$0x1F000] =	vst v63  }
0x40: {  	s29 =	simm.s32 $0x3000  }
0x41: {  	[tilespmem:s29], [sflag:$0x1] =	stream.indirect_vreg.gather [hbm4b:s5+s3], $0x80, v3, vm0, $0xb8;
	[tilespmem:$0x1F000] =	vst v63  }
0x42: {  	s30 =	simm.s32 $0x3800  }
0x43: {  	[tilespmem:s30], [sflag:$0x1] =	stream.indirect_vreg.gather [hbm4b:s6+s3], $0x80, v3, vm0, $0xb8;
	[tilespmem:$0x1F000] =	vst v63  }
0x44: {  	v3 =	vld [tilespmem:$0x10];
	_ =	sdelay $0x4  }
0x45: {  	v57 =	vshrl.u32 v3, $0x3  }
0x46: {  	v4 =	vmul.u32 $0x30, v57  }
0x47: {  	v3 =	vand.u32 $0x7, v3  }
0x48: {  	v3 =	vor.u32 v3, v4  }
0x49: {  	v4 =	vperm.xlane v3, v0;
	_ =	sdelay $0x1  }
0x4a: {  	v4 =	vadd.s32 v1, v4;
	_ =	sdelay $0x3  }
0x4b: {  	s31 =	simm.s32 $0x4000;
	v3 =	vperm.xlane v3, v2  }
0x4c: {  	[tilespmem:s31], [sflag:$0x1] =	stream.indirect_vreg.gather [hbm4b:s2+s3], $0x80, v4, vm0, $0xb8;
	[tilespmem:$0x1F000] =	vst v63  }
0x4d: {  	s1 =	simm.s32 $0x4800;
	v3 =	vadd.s32 v1, v3  }
0x4e: {  	[tilespmem:s1], [sflag:$0x1] =	stream.indirect_vreg.gather [hbm4b:s5+s3], $0x80, v4, vm0, $0xb8;
	[tilespmem:$0x1F000] =	vst v63  }
0x4f: {  	s7 =	simm.s32 $0x5000  }
0x50: {  	[tilespmem:s7], [sflag:$0x1] =	stream.indirect_vreg.gather [hbm4b:s6+s3], $0x80, v4, vm0, $0xb8;
	[tilespmem:$0x1F000] =	vst v63  }
0x51: {  	s8 =	simm.s32 $0x5800  }
0x52: {  	[tilespmem:s8], [sflag:$0x1] =	stream.indirect_vreg.gather [hbm4b:s2+s3], $0x80, v3, vm0, $0xb8;
	[tilespmem:$0x1F000] =	vst v63  }
0x53: {  	s9 =	simm.s32 $0x6000  }
0x54: {  	[tilespmem:s9], [sflag:$0x1] =	stream.indirect_vreg.gather [hbm4b:s5+s3], $0x80, v3, vm0, $0xb8;
	[tilespmem:$0x1F000] =	vst v63  }
0x55: {  	s10 =	simm.s32 $0x6800  }
0x56: {  	[tilespmem:s10], [sflag:$0x1] =	stream.indirect_vreg.gather [hbm4b:s6+s3], $0x80, v3, vm0, $0xb8;
	[tilespmem:$0x1F000] =	vst v63  }
0x57: {  	v3 =	vld [tilespmem:$0x80];
	_ =	sdelay $0x4  }
0x58: {  	v58 =	vshrl.u32 v3, $0x3  }
0x59: {  	v4 =	vmul.u32 $0x30, v58  }
0x5a: {  	v3 =	vand.u32 $0x7, v3  }
0x5b: {  	v3 =	vor.u32 v3, v4  }
0x5c: {  	v4 =	vperm.xlane v3, v0;
	_ =	sdelay $0x1  }
0x5d: {  	v4 =	vadd.s32 v1, v4;
	_ =	sdelay $0x3  }
0x5e: {  	s13 =	simm.s32 $0x7000;
	v3 =	vperm.xlane v3, v2  }
0x5f: {  	[tilespmem:s13], [sflag:$0x2] =	stream.indirect_vreg.gather [hbm4b:s2+s3], $0x80, v4, vm0, $0xb8;
	[tilespmem:$0x1F000] =	vst v63  }
0x60: {  	s21 =	simm.s32 $0x7800;
	v3 =	vadd.s32 v1, v3  }
0x61: {  	[tilespmem:s21], [sflag:$0x2] =	stream.indirect_vreg.gather [hbm4b:s5+s3], $0x80, v4, vm0, $0xb8;
	[tilespmem:$0x1F000] =	vst v63  }
0x62: {  	s22 =	simm.s32 $0x8000  }
0x63: {  	[tilespmem:s22], [sflag:$0x2] =	stream.indirect_vreg.gather [hbm4b:s6+s3], $0x80, v4, vm0, $0xb8;
	[tilespmem:$0x1F000] =	vst v63  }
0x64: {  	s23 =	simm.s32 $0x8800  }
0x65: {  	[tilespmem:s23], [sflag:$0x2] =	stream.indirect_vreg.gather [hbm4b:s2+s3], $0x80, v3, vm0, $0xb8;
	[tilespmem:$0x1F000] =	vst v63  }
0x66: {  	s24 =	simm.s32 $0x9000  }
0x67: {  	[tilespmem:s24], [sflag:$0x2] =	stream.indirect_vreg.gather [hbm4b:s5+s3], $0x80, v3, vm0, $0xb8;
	[tilespmem:$0x1F000] =	vst v63  }
0x68: {  	s28 =	simm.s32 $0x9800  }
0x69: {  	[tilespmem:s28], [sflag:$0x2] =	stream.indirect_vreg.gather [hbm4b:s6+s3], $0x80, v3, vm0, $0xb8;
	[tilespmem:$0x1F000] =	vst v63  }
0x6a: {  	v3 =	vld [tilespmem:$0x90];
	_ =	sdelay $0x4  }
0x6b: {  	v59 =	vshrl.u32 v3, $0x3  }
0x6c: {  	v4 =	vmul.u32 $0x30, v59  }
0x6d: {  	v3 =	vand.u32 $0x7, v3  }
0x6e: {  	v3 =	vor.u32 v3, v4  }
0x6f: {  	v4 =	vperm.xlane v3, v0;
	_ =	sdelay $0x1  }
0x70: {  	v4 =	vadd.s32 v1, v4;
	_ =	sdelay $0x3  }
0x71: {  	s29 =	simm.s32 $0xA000;
	v3 =	vperm.xlane v3, v2  }
0x72: {  	[tilespmem:s29], [sflag:$0x2] =	stream.indirect_vreg.gather [hbm4b:s2+s3], $0x80, v4, vm0, $0xb8;
	[tilespmem:$0x1F000] =	vst v63  }
0x73: {  	s30 =	simm.s32 $0xA800;
	v3 =	vadd.s32 v1, v3  }
0x74: {  	[tilespmem:s30], [sflag:$0x2] =	stream.indirect_vreg.gather [hbm4b:s5+s3], $0x80, v4, vm0, $0xb8;
	[tilespmem:$0x1F000] =	vst v63  }
0x75: {  	s31 =	simm.s32 $0xB000  }
0x76: {  	[tilespmem:s31], [sflag:$0x2] =	stream.indirect_vreg.gather [hbm4b:s6+s3], $0x80, v4, vm0, $0xb8;
	[tilespmem:$0x1F000] =	vst v63  }
0x77: {  	s7 =	simm.s32 $0xB800  }
0x78: {  	[tilespmem:s7], [sflag:$0x2] =	stream.indirect_vreg.gather [hbm4b:s2+s3], $0x80, v3, vm0, $0xb8;
	[tilespmem:$0x1F000] =	vst v63  }
0x79: {  	s8 =	simm.s32 $0xC000  }
0x7a: {  	[tilespmem:s8], [sflag:$0x2] =	stream.indirect_vreg.gather [hbm4b:s5+s3], $0x80, v3, vm0, $0xb8;
	[tilespmem:$0x1F000] =	vst v63  }
0x7b: {  	s10 =	simm.s32 $0xC800  }
0x7c: {  	[tilespmem:s10], [sflag:$0x2] =	stream.indirect_vreg.gather [hbm4b:s6+s3], $0x80, v3, vm0, $0xb8;
	[tilespmem:$0x1F000] =	vst v63  }
0x7d: {  	v3 =	vld [tilespmem:$0x100];
	_ =	sdelay $0x4  }
0x7e: {  	v60 =	vshrl.u32 v3, $0x3  }
0x7f: {  	v4 =	vmul.u32 $0x30, v60  }
0x80: {  	v3 =	vand.u32 $0x7, v3  }
0x81: {  	v3 =	vor.u32 v3, v4  }
0x82: {  	v4 =	vperm.xlane v3, v0;
	_ =	sdelay $0x1  }
0x83: {  	v4 =	vadd.s32 v1, v4;
	_ =	sdelay $0x3  }
0x84: {  	s13 =	simm.s32 $0xD000;
	v3 =	vperm.xlane v3, v2  }
0x85: {  	[tilespmem:s13], [sflag:$0x3] =	stream.indirect_vreg.gather [hbm4b:s2+s3], $0x80, v4, vm0, $0xb8;
	[tilespmem:$0x1F000] =	vst v63  }
0x86: {  	s22 =	simm.s32 $0xD800;
	v3 =	vadd.s32 v1, v3  }
0x87: {  	[tilespmem:s22], [sflag:$0x3] =	stream.indirect_vreg.gather [hbm4b:s5+s3], $0x80, v4, vm0, $0xb8;
	[tilespmem:$0x1F000] =	vst v63  }
0x88: {  	s23 =	simm.s32 $0xE000  }
0x89: {  	[tilespmem:s23], [sflag:$0x3] =	stream.indirect_vreg.gather [hbm4b:s6+s3], $0x80, v4, vm0, $0xb8;
	[tilespmem:$0x1F000] =	vst v63  }
0x8a: {  	s24 =	simm.s32 $0xE800  }
0x8b: {  	[tilespmem:s24], [sflag:$0x3] =	stream.indirect_vreg.gather [hbm4b:s2+s3], $0x80, v3, vm0, $0xb8;
	[tilespmem:$0x1F000] =	vst v63  }
0x8c: {  	s28 =	simm.s32 $0xF000  }
0x8d: {  	[tilespmem:s28], [sflag:$0x3] =	stream.indirect_vreg.gather [hbm4b:s5+s3], $0x80, v3, vm0, $0xb8;
	[tilespmem:$0x1F000] =	vst v63  }
0x8e: {  	s29 =	simm.s32 $0xF800  }
0x8f: {  	[tilespmem:s29], [sflag:$0x3] =	stream.indirect_vreg.gather [hbm4b:s6+s3], $0x80, v3, vm0, $0xb8;
	[tilespmem:$0x1F000] =	vst v63  }
0x90: {  	v3 =	vld [tilespmem:$0x110];
	_ =	sdelay $0x4  }
0x91: {  	v61 =	vshrl.u32 v3, $0x3  }
0x92: {  	v4 =	vmul.u32 $0x30, v61  }
0x93: {  	v3 =	vand.u32 $0x7, v3  }
0x94: {  	v3 =	vor.u32 v3, v4  }
0x95: {  	v4 =	vperm.xlane v3, v0;
	_ =	sdelay $0x1  }
0x96: {  	v4 =	vadd.s32 v1, v4;
	_ =	sdelay $0x3  }
0x97: {  	s30 =	simm.s32 $0x10000;
	v3 =	vperm.xlane v3, v2  }
0x98: {  	[tilespmem:s30], [sflag:$0x3] =	stream.indirect_vreg.gather [hbm4b:s2+s3], $0x80, v4, vm0, $0xb8;
	[tilespmem:$0x1F000] =	vst v63  }
0x99: {  	s7 =	simm.s32 $0x10800;
	v3 =	vadd.s32 v1, v3  }
0x9a: {  	[tilespmem:s7], [sflag:$0x3] =	stream.indirect_vreg.gather [hbm4b:s5+s3], $0x80, v4, vm0, $0xb8;
	[tilespmem:$0x1F000] =	vst v63  }
0x9b: {  	s8 =	simm.s32 $0x11000  }
0x9c: {  	[tilespmem:s8], [sflag:$0x3] =	stream.indirect_vreg.gather [hbm4b:s6+s3], $0x80, v4, vm0, $0xb8;
	[tilespmem:$0x1F000] =	vst v63  }
0x9d: {  	s10 =	simm.s32 $0x11800  }
0x9e: {  	[tilespmem:s10], [sflag:$0x3] =	stream.indirect_vreg.gather [hbm4b:s2+s3], $0x80, v3, vm0, $0xb8;
	[tilespmem:$0x1F000] =	vst v63  }
0x9f: {  	s13 =	simm.s32 $0x12000  }
0xa0: {  	[tilespmem:s13], [sflag:$0x3] =	stream.indirect_vreg.gather [hbm4b:s5+s3], $0x80, v3, vm0, $0xb8;
	[tilespmem:$0x1F000] =	vst v63  }
0xa1: {  	s22 =	simm.s32 $0x12800  }
0xa2: {  	[tilespmem:s22], [sflag:$0x3] =	stream.indirect_vreg.gather [hbm4b:s6+s3], $0x80, v3, vm0, $0xb8;
	[tilespmem:$0x1F000] =	vst v63  }
0xa3: {  	v3 =	vld [tilespmem:$0x180];
	_ =	sdelay $0x4  }
0xa4: {  	v62 =	vshrl.u32 v3, $0x3  }
0xa5: {  	v4 =	vmul.u32 $0x30, v62  }
0xa6: {  	v3 =	vand.u32 $0x7, v3  }
0xa7: {  	v3 =	vor.u32 v3, v4  }
0xa8: {  	v4 =	vperm.xlane v3, v0;
	_ =	sdelay $0x1  }
0xa9: {  	v4 =	vadd.s32 v1, v4;
	_ =	sdelay $0x3  }
0xaa: {  	s23 =	simm.s32 $0x13000;
	v3 =	vperm.xlane v3, v2  }
0xab: {  	[tilespmem:s23], [sflag:$0x4] =	stream.indirect_vreg.gather [hbm4b:s2+s3], $0x80, v4, vm0, $0xb8;
	[tilespmem:$0x1F000] =	vst v63  }
0xac: {  	s24 =	simm.s32 $0x13800;
	v3 =	vadd.s32 v1, v3  }
0xad: {  	[tilespmem:s24], [sflag:$0x4] =	stream.indirect_vreg.gather [hbm4b:s5+s3], $0x80, v4, vm0, $0xb8;
	[tilespmem:$0x1F000] =	vst v63  }
0xae: {  	s28 =	simm.s32 $0x14000  }
0xaf: {  	[tilespmem:s28], [sflag:$0x4] =	stream.indirect_vreg.gather [hbm4b:s6+s3], $0x80, v4, vm0, $0xb8;
	[tilespmem:$0x1F000] =	vst v63  }
0xb0: {  	s29 =	simm.s32 $0x14800  }
0xb1: {  	[tilespmem:s29], [sflag:$0x4] =	stream.indirect_vreg.gather [hbm4b:s2+s3], $0x80, v3, vm0, $0xb8;
	[tilespmem:$0x1F000] =	vst v63  }
0xb2: {  	s30 =	simm.s32 $0x15000  }
0xb3: {  	[tilespmem:s30], [sflag:$0x4] =	stream.indirect_vreg.gather [hbm4b:s5+s3], $0x80, v3, vm0, $0xb8;
	[tilespmem:$0x1F000] =	vst v63  }
0xb4: {  	s7 =	simm.s32 $0x15800  }
0xb5: {  	[tilespmem:s7], [sflag:$0x4] =	stream.indirect_vreg.gather [hbm4b:s6+s3], $0x80, v3, vm0, $0xb8;
	[tilespmem:$0x1F000] =	vst v63  }
0xb6: {  	v3 =	vld [tilespmem:$0x190];
	_ =	sdelay $0x4  }
0xb7: {  	v63 =	vshrl.u32 v3, $0x3  }
0xb8: {  	v4 =	vmul.u32 $0x30, v63  }
0xb9: {  	v3 =	vand.u32 $0x7, v3  }
0xba: {  	v3 =	vor.u32 v3, v4  }
0xbb: {  	v4 =	vperm.xlane v3, v0;
	_ =	sdelay $0x1  }
0xbc: {  	v4 =	vadd.s32 v1, v4;
	_ =	sdelay $0x3  }
0xbd: {  	s8 =	simm.s32 $0x16000;
	v3 =	vperm.xlane v3, v2  }
0xbe: {  	[tilespmem:s8], [sflag:$0x4] =	stream.indirect_vreg.gather [hbm4b:s2+s3], $0x80, v4, vm0, $0xb8;
	[tilespmem:$0x1F000] =	vst v63  }
0xbf: {  	s10 =	simm.s32 $0x16800;
	v3 =	vadd.s32 v1, v3  }
0xc0: {  	[tilespmem:s10], [sflag:$0x4] =	stream.indirect_vreg.gather [hbm4b:s5+s3], $0x80, v4, vm0, $0xb8;
	[tilespmem:$0x1F000] =	vst v63  }
0xc1: {  	s13 =	simm.s32 $0x17000  }
0xc2: {  	[tilespmem:s13], [sflag:$0x4] =	stream.indirect_vreg.gather [hbm4b:s6+s3], $0x80, v4, vm0, $0xb8;
	[tilespmem:$0x1F000] =	vst v63  }
0xc3: {  	s22 =	simm.s32 $0x17800  }
0xc4: {  	[tilespmem:s22], [sflag:$0x4] =	stream.indirect_vreg.gather [hbm4b:s2+s3], $0x80, v3, vm0, $0xb8;
	[tilespmem:$0x1F000] =	vst v63  }
0xc5: {  	s24 =	simm.s32 $0x18000  }
0xc6: {  	[tilespmem:s24], [sflag:$0x4] =	stream.indirect_vreg.gather [hbm4b:s5+s3], $0x80, v3, vm0, $0xb8;
	[tilespmem:$0x1F000] =	vst v63  }
0xc7: {  	s28 =	simm.s32 $0x18800  }
0xc8: {  	[tilespmem:s28], [sflag:$0x4] =	stream.indirect_vreg.gather [hbm4b:s6+s3], $0x80, v3, vm0, $0xb8;
	[tilespmem:$0x1F000] =	vst v63  }
0xc9: {  	v3 =	vld [tilespmem:$0x200];
	_ =	sdelay $0x4  }
0xca: {  	v8 =	vshrl.u32 v3, $0x3  }
0xcb: {  	v4 =	vmul.u32 $0x30, v8  }
0xcc: {  	v3 =	vand.u32 $0x7, v3  }
0xcd: {  	v3 =	vor.u32 v3, v4  }
0xce: {  	v4 =	vperm.xlane v3, v0;
	_ =	sdelay $0x1  }
0xcf: {  	v4 =	vadd.s32 v1, v4;
	_ =	sdelay $0x3  }
0xd0: {  	s29 =	simm.s32 $0x19000;
	v3 =	vperm.xlane v3, v2  }
0xd1: {  	[tilespmem:s29], [sflag:$0x5] =	stream.indirect_vreg.gather [hbm4b:s2+s3], $0x80, v4, vm0, $0xb8;
	[tilespmem:$0x1F000] =	vst v63  }
0xd2: {  	s30 =	simm.s32 $0x19800;
	v3 =	vadd.s32 v1, v3  }
0xd3: {  	[tilespmem:s30], [sflag:$0x5] =	stream.indirect_vreg.gather [hbm4b:s5+s3], $0x80, v4, vm0, $0xb8;
	[tilespmem:$0x1F000] =	vst v63  }
0xd4: {  	s7 =	simm.s32 $0x1A000  }
0xd5: {  	[tilespmem:s7], [sflag:$0x5] =	stream.indirect_vreg.gather [hbm4b:s6+s3], $0x80, v4, vm0, $0xb8;
	[tilespmem:$0x1F000] =	vst v63  }
0xd6: {  	s8 =	simm.s32 $0x1A800  }
0xd7: {  	[tilespmem:s8], [sflag:$0x5] =	stream.indirect_vreg.gather [hbm4b:s2+s3], $0x80, v3, vm0, $0xb8;
	[tilespmem:$0x1F000] =	vst v63  }
0xd8: {  	s10 =	simm.s32 $0x1B000  }
0xd9: {  	[tilespmem:s10], [sflag:$0x5] =	stream.indirect_vreg.gather [hbm4b:s5+s3], $0x80, v3, vm0, $0xb8;
	[tilespmem:$0x1F000] =	vst v63  }
0xda: {  	s13 =	simm.s32 $0x1B800  }
0xdb: {  	[tilespmem:s13], [sflag:$0x5] =	stream.indirect_vreg.gather [hbm4b:s6+s3], $0x80, v3, vm0, $0xb8;
	[tilespmem:$0x1F000] =	vst v63  }
0xdc: {  	v3 =	vld [tilespmem:$0x210];
	_ =	sdelay $0x4  }
0xdd: {  	v9 =	vshrl.u32 v3, $0x3  }
0xde: {  	v4 =	vmul.u32 $0x30, v9  }
0xdf: {  	v3 =	vand.u32 $0x7, v3  }
0xe0: {  	v3 =	vor.u32 v3, v4  }
0xe1: {  	v4 =	vperm.xlane v3, v0;
	_ =	sdelay $0x1  }
0xe2: {  	v4 =	vadd.s32 v1, v4;
	_ =	sdelay $0x3  }
0xe3: {  	s22 =	simm.s32 $0x1C000;
	v3 =	vperm.xlane v3, v2  }
0xe4: {  	[tilespmem:s22], [sflag:$0x5] =	stream.indirect_vreg.gather [hbm4b:s2+s3], $0x80, v4, vm0, $0xb8;
	[tilespmem:$0x1F000] =	vst v63  }
0xe5: {  	s24 =	simm.s32 $0x1C800;
	v3 =	vadd.s32 v1, v3  }
0xe6: {  	[tilespmem:s24], [sflag:$0x5] =	stream.indirect_vreg.gather [hbm4b:s5+s3], $0x80, v4, vm0, $0xb8;
	[tilespmem:$0x1F000] =	vst v63  }
0xe7: {  	s28 =	simm.s32 $0x1D000  }
0xe8: {  	[tilespmem:s28], [sflag:$0x5] =	stream.indirect_vreg.gather [hbm4b:s6+s3], $0x80, v4, vm0, $0xb8;
	[tilespmem:$0x1F000] =	vst v63  }
0xe9: {  	s29 =	simm.s32 $0x1D800  }
0xea: {  	[tilespmem:s29], [sflag:$0x5] =	stream.indirect_vreg.gather [hbm4b:s2+s3], $0x80, v3, vm0, $0xb8;
	[tilespmem:$0x1F000] =	vst v63  }
0xeb: {  	s30 =	simm.s32 $0x1E000  }
0xec: {  	[tilespmem:s30], [sflag:$0x5] =	stream.indirect_vreg.gather [hbm4b:s5+s3], $0x80, v3, vm0, $0xb8;
	[tilespmem:$0x1F000] =	vst v63  }
0xed: {  	s7 =	simm.s32 $0x1E800  }
0xee: {  	[tilespmem:s7], [sflag:$0x5] =	stream.indirect_vreg.gather [hbm4b:s6+s3], $0x80, v3, vm0, $0xb8;
	[tilespmem:$0x1F000] =	vst v63  }
0xef: {  	_ =	swait.ge [sflag:s11], $0x6000  }
0xf0: {  	s8 =	sld [smem:$0x7F9]  }
0xf1: {  	[sflag:s11] =	ssyncset.done $0x0  }
0xf2: {  	s10 =	simm.s32 $0x1000;
	[sflag:s11] =	ssyncadd.s32 $0xFFFFA000  }
0xf3: {  	[hbm4b:s8+s3] =	stream.linear.scatter [tilespmem:s10], [sflag:$0x6], $0x6000, $0x38;
	[tilespmem:$0x1F000] =	vst v63  }
0xf4: {  	_ =	swait.ge [sflag:s12], $0x6000  }
0xf5: {  	[sflag:s12] =	ssyncset.done $0x0  }
0xf6: {  	s1 =	simm.s32 $0x7000;
	s13 =	rddreg [dreg:$0x5];
	[sflag:s12] =	ssyncadd.s32 $0xFFFFA000  }
0xf7: {  	[hbm4b:s13+s3] =	stream.linear.scatter [tilespmem:s1], [sflag:$0x7], $0x6000, $0x38;
	[tilespmem:$0x1F000] =	vst v63  }
0xf8: {  	_ =	swait.ge [sflag:s25], $0x6000  }
0xf9: {  	[sflag:s25] =	ssyncset.done $0x0  }
0xfa: {  	s7 =	simm.s32 $0xD000;
	s24 =	rddreg [dreg:$0x6];
	[sflag:s25] =	ssyncadd.s32 $0xFFFFA000  }
0xfb: {  	[hbm4b:s24+s3] =	stream.linear.scatter [tilespmem:s7], [sflag:$0x8], $0x6000, $0x38;
	[tilespmem:$0x1F000] =	vst v63  }
0xfc: {  	_ =	swait.ge [sflag:s14], $0x6000  }
0xfd: {  	[sflag:s14] =	ssyncset.done $0x0  }
0xfe: {  	[sflag:s14] =	ssyncadd.s32 $0xFFFFA000  }
0xff: {  	v3 =	vld [tilespmem:$0x280];
	_ =	sdelay $0x4  }
0x100: {  	v10 =	vshrl.u32 v3, $0x3  }
0x101: {  	v4 =	vmul.u32 $0x30, v10  }
0x102: {  	v3 =	vand.u32 $0x7, v3  }
0x103: {  	v3 =	vor.u32 v3, v4  }
0x104: {  	v4 =	vperm.xlane v3, v0;
	_ =	sdelay $0x1  }
0x105: {  	v4 =	vadd.s32 v1, v4;
	_ =	sdelay $0x3  }
0x106: {  	v3 =	vperm.xlane v3, v2  }
0x107: {  	[tilespmem:s10], [sflag:$0x1] =	stream.indirect_vreg.gather [hbm4b:s2+s3], $0x80, v4, vm0, $0xb8;
	[tilespmem:$0x1F000] =	vst v63  }
0x108: {  	s28 =	simm.s32 $0x1800;
	v3 =	vadd.s32 v1, v3  }
0x109: {  	[tilespmem:s28], [sflag:$0x1] =	stream.indirect_vreg.gather [hbm4b:s5+s3], $0x80, v4, vm0, $0xb8;
	[tilespmem:$0x1F000] =	vst v63  }
0x10a: {  	s29 =	simm.s32 $0x2000  }
0x10b: {  	[tilespmem:s29], [sflag:$0x1] =	stream.indirect_vreg.gather [hbm4b:s6+s3], $0x80, v4, vm0, $0xb8;
	[tilespmem:$0x1F000] =	vst v63  }
0x10c: {  	s13 =	simm.s32 $0x2800  }
0x10d: {  	[tilespmem:s13], [sflag:$0x1] =	stream.indirect_vreg.gather [hbm4b:s2+s3], $0x80, v3, vm0, $0xb8;
	[tilespmem:$0x1F000] =	vst v63  }
0x10e: {  	s30 =	simm.s32 $0x3000  }
0x10f: {  	[tilespmem:s30], [sflag:$0x1] =	stream.indirect_vreg.gather [hbm4b:s5+s3], $0x80, v3, vm0, $0xb8;
	[tilespmem:$0x1F000] =	vst v63  }
0x110: {  	s4 =	simm.s32 $0x3800  }
0x111: {  	[tilespmem:s4], [sflag:$0x1] =	stream.indirect_vreg.gather [hbm4b:s6+s3], $0x80, v3, vm0, $0xb8;
	[tilespmem:$0x1F000] =	vst v63  }
0x112: {  	v3 =	vld [tilespmem:$0x290];
	_ =	sdelay $0x4  }
0x113: {  	v11 =	vshrl.u32 v3, $0x3  }
0x114: {  	v4 =	vmul.u32 $0x30, v11  }
0x115: {  	v3 =	vand.u32 $0x7, v3  }
0x116: {  	v3 =	vor.u32 v3, v4  }
0x117: {  	v4 =	vperm.xlane v3, v0;
	_ =	sdelay $0x1  }
0x118: {  	v4 =	vadd.s32 v1, v4;
	_ =	sdelay $0x3  }
0x119: {  	s26 =	simm.s32 $0x4000;
	v3 =	vperm.xlane v3, v2  }
0x11a: {  	[tilespmem:s26], [sflag:$0x1] =	stream.indirect_vreg.gather [hbm4b:s2+s3], $0x80, v4, vm0, $0xb8;
	[tilespmem:$0x1F000] =	vst v63  }
0x11b: {  	s24 =	simm.s32 $0x4800;
	v3 =	vadd.s32 v1, v3  }
0x11c: {  	[tilespmem:s24], [sflag:$0x1] =	stream.indirect_vreg.gather [hbm4b:s5+s3], $0x80, v4, vm0, $0xb8;
	[tilespmem:$0x1F000] =	vst v63  }
0x11d: {  	s26 =	simm.s32 $0x5000  }
0x11e: {  	[tilespmem:s26], [sflag:$0x1] =	stream.indirect_vreg.gather [hbm4b:s6+s3], $0x80, v4, vm0, $0xb8;
	[tilespmem:$0x1F000] =	vst v63  }
0x11f: {  	s28 =	simm.s32 $0x5800  }
0x120: {  	[tilespmem:s28], [sflag:$0x1] =	stream.indirect_vreg.gather [hbm4b:s2+s3], $0x80, v3, vm0, $0xb8;
	[tilespmem:$0x1F000] =	vst v63  }
0x121: {  	s29 =	simm.s32 $0x6000  }
0x122: {  	[tilespmem:s29], [sflag:$0x1] =	stream.indirect_vreg.gather [hbm4b:s5+s3], $0x80, v3, vm0, $0xb8;
	[tilespmem:$0x1F000] =	vst v63  }
0x123: {  	s30 =	simm.s32 $0x6800  }
0x124: {  	[tilespmem:s30], [sflag:$0x1] =	stream.indirect_vreg.gather [hbm4b:s6+s3], $0x80, v3, vm0, $0xb8;
	[tilespmem:$0x1F000] =	vst v63  }
0x125: {  	_ =	swait.ge [sflag:s15], $0x6000  }
0x126: {  	[sflag:s15] =	ssyncset.done $0x0  }
0x127: {  	s1 =	simm.s32 $0x13000;
	s0 =	rddreg [dreg:$0x7];
	[sflag:s15] =	ssyncadd.s32 $0xFFFFA000  }
0x128: {  	[hbm4b:s0+s3] =	stream.linear.scatter [tilespmem:s1], [sflag:$0x9], $0x6000, $0x38;
	[tilespmem:$0x1F000] =	vst v63  }
0x129: {  	_ =	swait.ge [sflag:s16], $0x6000  }
0x12a: {  	[sflag:s16] =	ssyncset.done $0x0  }
0x12b: {  	[sflag:s16] =	ssyncadd.s32 $0xFFFFA000  }
0x12c: {  	v3 =	vld [tilespmem:$0x300];
	_ =	sdelay $0x4  }
0x12d: {  	v12 =	vshrl.u32 v3, $0x3  }
0x12e: {  	v4 =	vmul.u32 $0x30, v12  }
0x12f: {  	v3 =	vand.u32 $0x7, v3  }
0x130: {  	v3 =	vor.u32 v3, v4  }
0x131: {  	v4 =	vperm.xlane v3, v0;
	_ =	sdelay $0x1  }
0x132: {  	v4 =	vadd.s32 v1, v4;
	_ =	sdelay $0x3  }
0x133: {  	s10 =	simm.s32 $0x7000;
	v3 =	vperm.xlane v3, v2  }
0x134: {  	[tilespmem:s10], [sflag:$0x2] =	stream.indirect_vreg.gather [hbm4b:s2+s3], $0x80, v4, vm0, $0xb8;
	[tilespmem:$0x1F000] =	vst v63  }
0x135: {  	s4 =	simm.s32 $0x7800;
	v3 =	vadd.s32 v1, v3  }
0x136: {  	[tilespmem:s4], [sflag:$0x2] =	stream.indirect_vreg.gather [hbm4b:s5+s3], $0x80, v4, vm0, $0xb8;
	[tilespmem:$0x1F000] =	vst v63  }
0x137: {  	s9 =	simm.s32 $0x8000  }
0x138: {  	[tilespmem:s9], [sflag:$0x2] =	stream.indirect_vreg.gather [hbm4b:s6+s3], $0x80, v4, vm0, $0xb8;
	[tilespmem:$0x1F000] =	vst v63  }
0x139: {  	s21 =	simm.s32 $0x8800  }
0x13a: {  	[tilespmem:s21], [sflag:$0x2] =	stream.indirect_vreg.gather [hbm4b:s2+s3], $0x80, v3, vm0, $0xb8;
	[tilespmem:$0x1F000] =	vst v63  }
0x13b: {  	s9 =	simm.s32 $0x9000  }
0x13c: {  	[tilespmem:s9], [sflag:$0x2] =	stream.indirect_vreg.gather [hbm4b:s5+s3], $0x80, v3, vm0, $0xb8;
	[tilespmem:$0x1F000] =	vst v63  }
0x13d: {  	s21 =	simm.s32 $0x9800  }
0x13e: {  	[tilespmem:s21], [sflag:$0x2] =	stream.indirect_vreg.gather [hbm4b:s6+s3], $0x80, v3, vm0, $0xb8;
	[tilespmem:$0x1F000] =	vst v63  }
0x13f: {  	v3 =	vld [tilespmem:$0x310];
	_ =	sdelay $0x4  }
0x140: {  	v13 =	vshrl.u32 v3, $0x3  }
0x141: {  	v4 =	vmul.u32 $0x30, v13  }
0x142: {  	v3 =	vand.u32 $0x7, v3  }
0x143: {  	v3 =	vor.u32 v3, v4  }
0x144: {  	v4 =	vperm.xlane v3, v0;
	_ =	sdelay $0x1  }
0x145: {  	v4 =	vadd.s32 v1, v4;
	_ =	sdelay $0x3  }
0x146: {  	s22 =	simm.s32 $0xA000;
	v3 =	vperm.xlane v3, v2  }
0x147: {  	[tilespmem:s22], [sflag:$0x2] =	stream.indirect_vreg.gather [hbm4b:s2+s3], $0x80, v4, vm0, $0xb8;
	[tilespmem:$0x1F000] =	vst v63  }
0x148: {  	s4 =	simm.s32 $0xA800;
	v3 =	vadd.s32 v1, v3  }
0x149: {  	[tilespmem:s4], [sflag:$0x2] =	stream.indirect_vreg.gather [hbm4b:s5+s3], $0x80, v4, vm0, $0xb8;
	[tilespmem:$0x1F000] =	vst v63  }
0x14a: {  	s9 =	simm.s32 $0xB000  }
0x14b: {  	[tilespmem:s9], [sflag:$0x2] =	stream.indirect_vreg.gather [hbm4b:s6+s3], $0x80, v4, vm0, $0xb8;
	[tilespmem:$0x1F000] =	vst v63  }
0x14c: {  	s21 =	simm.s32 $0xB800  }
0x14d: {  	[tilespmem:s21], [sflag:$0x2] =	stream.indirect_vreg.gather [hbm4b:s2+s3], $0x80, v3, vm0, $0xb8;
	[tilespmem:$0x1F000] =	vst v63  }
0x14e: {  	s22 =	simm.s32 $0xC000  }
0x14f: {  	[tilespmem:s22], [sflag:$0x2] =	stream.indirect_vreg.gather [hbm4b:s5+s3], $0x80, v3, vm0, $0xb8;
	[tilespmem:$0x1F000] =	vst v63  }
0x150: {  	s4 =	simm.s32 $0xC800  }
0x151: {  	[tilespmem:s4], [sflag:$0x2] =	stream.indirect_vreg.gather [hbm4b:s6+s3], $0x80, v3, vm0, $0xb8;
	[tilespmem:$0x1F000] =	vst v63  }
0x152: {  	_ =	swait.ge [sflag:s17], $0x6000  }
0x153: {  	[sflag:s17] =	ssyncset.done $0x0  }
0x154: {  	s21 =	simm.s32 $0x19000;
	s9 =	rddreg [dreg:$0x8];
	[sflag:s17] =	ssyncadd.s32 $0xFFFFA000  }
0x155: {  	[hbm4b:s9+s3] =	stream.linear.scatter [tilespmem:s21], [sflag:$0xA], $0x6000, $0x38;
	[tilespmem:$0x1F000] =	vst v63  }
0x156: {  	_ =	swait.ge [sflag:s18], $0x6000  }
0x157: {  	[sflag:s18] =	ssyncset.done $0x0  }
0x158: {  	[sflag:s18] =	ssyncadd.s32 $0xFFFFA000  }
0x159: {  	v3 =	vld [tilespmem:$0x380];
	_ =	sdelay $0x4  }
0x15a: {  	v14 =	vshrl.u32 v3, $0x3  }
0x15b: {  	v4 =	vmul.u32 $0x30, v14  }
0x15c: {  	v3 =	vand.u32 $0x7, v3  }
0x15d: {  	v3 =	vor.u32 v3, v4  }
0x15e: {  	v4 =	vperm.xlane v3, v0;
	_ =	sdelay $0x1  }
0x15f: {  	v4 =	vadd.s32 v1, v4;
	_ =	sdelay $0x3  }
0x160: {  	v3 =	vperm.xlane v3, v2  }
0x161: {  	[tilespmem:s7], [sflag:$0x3] =	stream.indirect_vreg.gather [hbm4b:s2+s3], $0x80, v4, vm0, $0xb8;
	[tilespmem:$0x1F000] =	vst v63  }
0x162: {  	s22 =	simm.s32 $0xD800;
	v3 =	vadd.s32 v1, v3  }
0x163: {  	[tilespmem:s22], [sflag:$0x3] =	stream.indirect_vreg.gather [hbm4b:s5+s3], $0x80, v4, vm0, $0xb8;
	[tilespmem:$0x1F000] =	vst v63  }
0x164: {  	s4 =	simm.s32 $0xE000  }
0x165: {  	[tilespmem:s4], [sflag:$0x3] =	stream.indirect_vreg.gather [hbm4b:s6+s3], $0x80, v4, vm0, $0xb8;
	[tilespmem:$0x1F000] =	vst v63  }
0x166: {  	s7 =	simm.s32 $0xE800  }
0x167: {  	[tilespmem:s7], [sflag:$0x3] =	stream.indirect_vreg.gather [hbm4b:s2+s3], $0x80, v3, vm0, $0xb8;
	[tilespmem:$0x1F000] =	vst v63  }
0x168: {  	s22 =	simm.s32 $0xF000  }
0x169: {  	[tilespmem:s22], [sflag:$0x3] =	stream.indirect_vreg.gather [hbm4b:s5+s3], $0x80, v3, vm0, $0xb8;
	[tilespmem:$0x1F000] =	vst v63  }
0x16a: {  	s31 =	simm.s32 $0xF800  }
0x16b: {  	[tilespmem:s31], [sflag:$0x3] =	stream.indirect_vreg.gather [hbm4b:s6+s3], $0x80, v3, vm0, $0xb8;
	[tilespmem:$0x1F000] =	vst v63  }
0x16c: {  	v3 =	vld [tilespmem:$0x390];
	_ =	sdelay $0x4  }
0x16d: {  	v15 =	vshrl.u32 v3, $0x3  }
0x16e: {  	v4 =	vmul.u32 $0x30, v15  }
0x16f: {  	v3 =	vand.u32 $0x7, v3  }
0x170: {  	v3 =	vor.u32 v3, v4  }
0x171: {  	v4 =	vperm.xlane v3, v0;
	_ =	sdelay $0x1  }
0x172: {  	v4 =	vadd.s32 v1, v4;
	_ =	sdelay $0x3  }
0x173: {  	s31 =	simm.s32 $0x10000;
	v3 =	vperm.xlane v3, v2  }
0x174: {  	[tilespmem:s31], [sflag:$0x3] =	stream.indirect_vreg.gather [hbm4b:s2+s3], $0x80, v4, vm0, $0xb8;
	[tilespmem:$0x1F000] =	vst v63  }
0x175: {  	s4 =	simm.s32 $0x10800;
	v3 =	vadd.s32 v1, v3  }
0x176: {  	[tilespmem:s4], [sflag:$0x3] =	stream.indirect_vreg.gather [hbm4b:s5+s3], $0x80, v4, vm0, $0xb8;
	[tilespmem:$0x1F000] =	vst v63  }
0x177: {  	s7 =	simm.s32 $0x11000  }
0x178: {  	[tilespmem:s7], [sflag:$0x3] =	stream.indirect_vreg.gather [hbm4b:s6+s3], $0x80, v4, vm0, $0xb8;
	[tilespmem:$0x1F000] =	vst v63  }
0x179: {  	s22 =	simm.s32 $0x11800  }
0x17a: {  	[tilespmem:s22], [sflag:$0x3] =	stream.indirect_vreg.gather [hbm4b:s2+s3], $0x80, v3, vm0, $0xb8;
	[tilespmem:$0x1F000] =	vst v63  }
0x17b: {  	s31 =	simm.s32 $0x12000  }
0x17c: {  	[tilespmem:s31], [sflag:$0x3] =	stream.indirect_vreg.gather [hbm4b:s5+s3], $0x80, v3, vm0, $0xb8;
	[tilespmem:$0x1F000] =	vst v63  }
0x17d: {  	s4 =	simm.s32 $0x12800  }
0x17e: {  	[tilespmem:s4], [sflag:$0x3] =	stream.indirect_vreg.gather [hbm4b:s6+s3], $0x80, v3, vm0, $0xb8;
	[tilespmem:$0x1F000] =	vst v63  }
0x17f: {  	_ =	swait.ge [sflag:s11], $0x6000  }
0x180: {  	[sflag:s11] =	ssyncset.done $0x0  }
0x181: {  	s8 =	simm.s32 $0x1000;
	s7 =	rddreg [dreg:$0x9];
	[sflag:s11] =	ssyncadd.s32 $0xFFFFA000  }
0x182: {  	[hbm4b:s7+s3] =	stream.linear.scatter [tilespmem:s8], [sflag:$0x6], $0x6000, $0x38;
	[tilespmem:$0x1F000] =	vst v63  }
0x183: {  	_ =	swait.ge [sflag:s19], $0x6000  }
0x184: {  	[sflag:s19] =	ssyncset.done $0x0  }
0x185: {  	[sflag:s19] =	ssyncadd.s32 $0xFFFFA000  }
0x186: {  	v3 =	vld [tilespmem:$0x400];
	_ =	sdelay $0x4  }
0x187: {  	v16 =	vshrl.u32 v3, $0x3  }
0x188: {  	v4 =	vmul.u32 $0x30, v16  }
0x189: {  	v3 =	vand.u32 $0x7, v3  }
0x18a: {  	v3 =	vor.u32 v3, v4  }
0x18b: {  	v4 =	vperm.xlane v3, v0;
	_ =	sdelay $0x1  }
0x18c: {  	v4 =	vadd.s32 v1, v4;
	_ =	sdelay $0x3  }
0x18d: {  	v3 =	vperm.xlane v3, v2  }
0x18e: {  	[tilespmem:s1], [sflag:$0x4] =	stream.indirect_vreg.gather [hbm4b:s2+s3], $0x80, v4, vm0, $0xb8;
	[tilespmem:$0x1F000] =	vst v63  }
0x18f: {  	s23 =	simm.s32 $0x13800;
	v3 =	vadd.s32 v1, v3  }
0x190: {  	[tilespmem:s23], [sflag:$0x4] =	stream.indirect_vreg.gather [hbm4b:s5+s3], $0x80, v4, vm0, $0xb8;
	[tilespmem:$0x1F000] =	vst v63  }
0x191: {  	s8 =	simm.s32 $0x14000  }
0x192: {  	[tilespmem:s8], [sflag:$0x4] =	stream.indirect_vreg.gather [hbm4b:s6+s3], $0x80, v4, vm0, $0xb8;
	[tilespmem:$0x1F000] =	vst v63  }
0x193: {  	s22 =	simm.s32 $0x14800  }
0x194: {  	[tilespmem:s22], [sflag:$0x4] =	stream.indirect_vreg.gather [hbm4b:s2+s3], $0x80, v3, vm0, $0xb8;
	[tilespmem:$0x1F000] =	vst v63  }
0x195: {  	s23 =	simm.s32 $0x15000  }
0x196: {  	[tilespmem:s23], [sflag:$0x4] =	stream.indirect_vreg.gather [hbm4b:s5+s3], $0x80, v3, vm0, $0xb8;
	[tilespmem:$0x1F000] =	vst v63  }
0x197: {  	s31 =	simm.s32 $0x15800  }
0x198: {  	[tilespmem:s31], [sflag:$0x4] =	stream.indirect_vreg.gather [hbm4b:s6+s3], $0x80, v3, vm0, $0xb8;
	[tilespmem:$0x1F000] =	vst v63  }
0x199: {  	v3 =	vld [tilespmem:$0x410];
	_ =	sdelay $0x4  }
0x19a: {  	v17 =	vshrl.u32 v3, $0x3  }
0x19b: {  	v4 =	vmul.u32 $0x30, v17  }
0x19c: {  	v3 =	vand.u32 $0x7, v3  }
0x19d: {  	v3 =	vor.u32 v3, v4  }
0x19e: {  	v4 =	vperm.xlane v3, v0;
	_ =	sdelay $0x1  }
0x19f: {  	v4 =	vadd.s32 v1, v4;
	_ =	sdelay $0x3  }
0x1a0: {  	s4 =	simm.s32 $0x16000;
	v3 =	vperm.xlane v3, v2  }
0x1a1: {  	[tilespmem:s4], [sflag:$0x4] =	stream.indirect_vreg.gather [hbm4b:s2+s3], $0x80, v4, vm0, $0xb8;
	[tilespmem:$0x1F000] =	vst v63  }
0x1a2: {  	s8 =	simm.s32 $0x16800;
	v3 =	vadd.s32 v1, v3  }
0x1a3: {  	[tilespmem:s8], [sflag:$0x4] =	stream.indirect_vreg.gather [hbm4b:s5+s3], $0x80, v4, vm0, $0xb8;
	[tilespmem:$0x1F000] =	vst v63  }
0x1a4: {  	s22 =	simm.s32 $0x17000  }
0x1a5: {  	[tilespmem:s22], [sflag:$0x4] =	stream.indirect_vreg.gather [hbm4b:s6+s3], $0x80, v4, vm0, $0xb8;
	[tilespmem:$0x1F000] =	vst v63  }
0x1a6: {  	s23 =	simm.s32 $0x17800  }
0x1a7: {  	[tilespmem:s23], [sflag:$0x4] =	stream.indirect_vreg.gather [hbm4b:s2+s3], $0x80, v3, vm0, $0xb8;
	[tilespmem:$0x1F000] =	vst v63  }
0x1a8: {  	s31 =	simm.s32 $0x18000  }
0x1a9: {  	[tilespmem:s31], [sflag:$0x4] =	stream.indirect_vreg.gather [hbm4b:s5+s3], $0x80, v3, vm0, $0xb8;
	[tilespmem:$0x1F000] =	vst v63  }
0x1aa: {  	s4 =	simm.s32 $0x18800  }
0x1ab: {  	[tilespmem:s4], [sflag:$0x4] =	stream.indirect_vreg.gather [hbm4b:s6+s3], $0x80, v3, vm0, $0xb8;
	[tilespmem:$0x1F000] =	vst v63  }
0x1ac: {  	_ =	swait.ge [sflag:s12], $0x6000  }
0x1ad: {  	[sflag:s12] =	ssyncset.done $0x0  }
0x1ae: {  	s8 =	rddreg [dreg:$0xa];
	[sflag:s12] =	ssyncadd.s32 $0xFFFFA000  }
0x1af: {  	[hbm4b:s8+s3] =	stream.linear.scatter [tilespmem:s10], [sflag:$0x7], $0x6000, $0x38;
	[tilespmem:$0x1F000] =	vst v63  }
0x1b0: {  	_ =	swait.ge [sflag:s20], $0x6000  }
0x1b1: {  	[sflag:s20] =	ssyncset.done $0x0  }
0x1b2: {  	[sflag:s20] =	ssyncadd.s32 $0xFFFFA000  }
0x1b3: {  	v3 =	vld [tilespmem:$0x480];
	_ =	sdelay $0x4  }
0x1b4: {  	v18 =	vshrl.u32 v3, $0x3  }
0x1b5: {  	v4 =	vmul.u32 $0x30, v18  }
0x1b6: {  	v3 =	vand.u32 $0x7, v3  }
0x1b7: {  	v3 =	vor.u32 v3, v4  }
0x1b8: {  	v4 =	vperm.xlane v3, v0;
	_ =	sdelay $0x1  }
0x1b9: {  	v4 =	vadd.s32 v1, v4;
	_ =	sdelay $0x3  }
0x1ba: {  	v3 =	vperm.xlane v3, v2  }
0x1bb: {  	[tilespmem:s21], [sflag:$0x5] =	stream.indirect_vreg.gather [hbm4b:s2+s3], $0x80, v4, vm0, $0xb8;
	[tilespmem:$0x1F000] =	vst v63  }
0x1bc: {  	s31 =	simm.s32 $0x19800;
	v3 =	vadd.s32 v1, v3  }
0x1bd: {  	[tilespmem:s31], [sflag:$0x5] =	stream.indirect_vreg.gather [hbm4b:s5+s3], $0x80, v4, vm0, $0xb8;
	[tilespmem:$0x1F000] =	vst v63  }
0x1be: {  	s22 =	simm.s32 $0x1A000  }
0x1bf: {  	[tilespmem:s22], [sflag:$0x5] =	stream.indirect_vreg.gather [hbm4b:s6+s3], $0x80, v4, vm0, $0xb8;
	[tilespmem:$0x1F000] =	vst v63  }
0x1c0: {  	s23 =	simm.s32 $0x1A800  }
0x1c1: {  	[tilespmem:s23], [sflag:$0x5] =	stream.indirect_vreg.gather [hbm4b:s2+s3], $0x80, v3, vm0, $0xb8;
	[tilespmem:$0x1F000] =	vst v63  }
0x1c2: {  	s10 =	simm.s32 $0x1B000  }
0x1c3: {  	[tilespmem:s10], [sflag:$0x5] =	stream.indirect_vreg.gather [hbm4b:s5+s3], $0x80, v3, vm0, $0xb8;
	[tilespmem:$0x1F000] =	vst v63  }
0x1c4: {  	s21 =	simm.s32 $0x1B800  }
0x1c5: {  	[tilespmem:s21], [sflag:$0x5] =	stream.indirect_vreg.gather [hbm4b:s6+s3], $0x80, v3, vm0, $0xb8;
	[tilespmem:$0x1F000] =	vst v63  }
0x1c6: {  	v3 =	vld [tilespmem:$0x490];
	_ =	sdelay $0x4  }
0x1c7: {  	v19 =	vshrl.u32 v3, $0x3  }
0x1c8: {  	v4 =	vmul.u32 $0x30, v19  }
0x1c9: {  	v3 =	vand.u32 $0x7, v3  }
0x1ca: {  	v3 =	vor.u32 v3, v4  }
0x1cb: {  	v4 =	vperm.xlane v3, v0;
	_ =	sdelay $0x1  }
0x1cc: {  	v4 =	vadd.s32 v1, v4;
	_ =	sdelay $0x3  }
0x1cd: {  	s22 =	simm.s32 $0x1C000;
	v3 =	vperm.xlane v3, v2  }
0x1ce: {  	[tilespmem:s22], [sflag:$0x5] =	stream.indirect_vreg.gather [hbm4b:s2+s3], $0x80, v4, vm0, $0xb8;
	[tilespmem:$0x1F000] =	vst v63  }
0x1cf: {  	s23 =	simm.s32 $0x1C800;
	v3 =	vadd.s32 v1, v3  }
0x1d0: {  	[tilespmem:s23], [sflag:$0x5] =	stream.indirect_vreg.gather [hbm4b:s5+s3], $0x80, v4, vm0, $0xb8;
	[tilespmem:$0x1F000] =	vst v63  }
0x1d1: {  	s10 =	simm.s32 $0x1D000  }
0x1d2: {  	[tilespmem:s10], [sflag:$0x5] =	stream.indirect_vreg.gather [hbm4b:s6+s3], $0x80, v4, vm0, $0xb8;
	[tilespmem:$0x1F000] =	vst v63  }
0x1d3: {  	s21 =	simm.s32 $0x1D800  }
0x1d4: {  	[tilespmem:s21], [sflag:$0x5] =	stream.indirect_vreg.gather [hbm4b:s2+s3], $0x80, v3, vm0, $0xb8;
	[tilespmem:$0x1F000] =	vst v63  }
0x1d5: {  	s22 =	simm.s32 $0x1E000  }
0x1d6: {  	[tilespmem:s22], [sflag:$0x5] =	stream.indirect_vreg.gather [hbm4b:s5+s3], $0x80, v3, vm0, $0xb8;
	[tilespmem:$0x1F000] =	vst v63  }
0x1d7: {  	s23 =	simm.s32 $0x1E800  }
0x1d8: {  	[tilespmem:s23], [sflag:$0x5] =	stream.indirect_vreg.gather [hbm4b:s6+s3], $0x80, v3, vm0, $0xb8;
	[tilespmem:$0x1F000] =	vst v63  }
0x1d9: {  	_ =	swait.ge [sflag:s25], $0x6000  }
0x1da: {  	[sflag:s25] =	ssyncset.done $0x0  }
0x1db: {  	s9 =	simm.s32 $0xD000;
	s10 =	rddreg [dreg:$0xb];
	[sflag:s25] =	ssyncadd.s32 $0xFFFFA000  }
0x1dc: {  	[hbm4b:s10+s3] =	stream.linear.scatter [tilespmem:s9], [sflag:$0x8], $0x6000, $0x38;
	[tilespmem:$0x1F000] =	vst v63  }
0x1dd: {  	_ =	swait.ge [sflag:s14], $0x6000  }
0x1de: {  	[sflag:s14] =	ssyncset.done $0x0  }
0x1df: {  	[sflag:s14] =	ssyncadd.s32 $0xFFFFA000  }
0x1e0: {  	v3 =	vld [tilespmem:$0x500];
	_ =	sdelay $0x4  }
0x1e1: {  	v20 =	vshrl.u32 v3, $0x3  }
0x1e2: {  	v4 =	vmul.u32 $0x30, v20  }
0x1e3: {  	v3 =	vand.u32 $0x7, v3  }
0x1e4: {  	v3 =	vor.u32 v3, v4  }
0x1e5: {  	v4 =	vperm.xlane v3, v0;
	_ =	sdelay $0x1  }
0x1e6: {  	v4 =	vadd.s32 v1, v4;
	_ =	sdelay $0x3  }
0x1e7: {  	s0 =	simm.s32 $0x1000;
	v3 =	vperm.xlane v3, v2  }
0x1e8: {  	[tilespmem:s0], [sflag:$0x1] =	stream.indirect_vreg.gather [hbm4b:s2+s3], $0x80, v4, vm0, $0xb8;
	[tilespmem:$0x1F000] =	vst v63  }
0x1e9: {  	s21 =	simm.s32 $0x1800;
	v3 =	vadd.s32 v1, v3  }
0x1ea: {  	[tilespmem:s21], [sflag:$0x1] =	stream.indirect_vreg.gather [hbm4b:s5+s3], $0x80, v4, vm0, $0xb8;
	[tilespmem:$0x1F000] =	vst v63  }
0x1eb: {  	s22 =	simm.s32 $0x2000  }
0x1ec: {  	[tilespmem:s22], [sflag:$0x1] =	stream.indirect_vreg.gather [hbm4b:s6+s3], $0x80, v4, vm0, $0xb8;
	[tilespmem:$0x1F000] =	vst v63  }
0x1ed: {  	_ = 	snop  }
0x1ee: {  	[tilespmem:s13], [sflag:$0x1] =	stream.indirect_vreg.gather [hbm4b:s2+s3], $0x80, v3, vm0, $0xb8;
	[tilespmem:$0x1F000] =	vst v63  }
0x1ef: {  	s8 =	simm.s32 $0x3000  }
0x1f0: {  	[tilespmem:s8], [sflag:$0x1] =	stream.indirect_vreg.gather [hbm4b:s5+s3], $0x80, v3, vm0, $0xb8;
	[tilespmem:$0x1F000] =	vst v63  }
0x1f1: {  	s21 =	simm.s32 $0x3800  }
0x1f2: {  	[tilespmem:s21], [sflag:$0x1] =	stream.indirect_vreg.gather [hbm4b:s6+s3], $0x80, v3, vm0, $0xb8;
	[tilespmem:$0x1F000] =	vst v63  }
0x1f3: {  	v3 =	vld [tilespmem:$0x510];
	_ =	sdelay $0x4  }
0x1f4: {  	v21 =	vshrl.u32 v3, $0x3  }
0x1f5: {  	v4 =	vmul.u32 $0x30, v21  }
0x1f6: {  	v3 =	vand.u32 $0x7, v3  }
0x1f7: {  	v3 =	vor.u32 v3, v4  }
0x1f8: {  	v4 =	vperm.xlane v3, v0;
	_ =	sdelay $0x1  }
0x1f9: {  	v4 =	vadd.s32 v1, v4;
	_ =	sdelay $0x3  }
0x1fa: {  	s10 =	simm.s32 $0x4000;
	v3 =	vperm.xlane v3, v2  }
0x1fb: {  	[tilespmem:s10], [sflag:$0x1] =	stream.indirect_vreg.gather [hbm4b:s2+s3], $0x80, v4, vm0, $0xb8;
	[tilespmem:$0x1F000] =	vst v63  }
0x1fc: {  	v3 =	vadd.s32 v1, v3  }
0x1fd: {  	[tilespmem:s24], [sflag:$0x1] =	stream.indirect_vreg.gather [hbm4b:s5+s3], $0x80, v4, vm0, $0xb8;
	[tilespmem:$0x1F000] =	vst v63  }
0x1fe: {  	_ = 	snop  }
0x1ff: {  	[tilespmem:s26], [sflag:$0x1] =	stream.indirect_vreg.gather [hbm4b:s6+s3], $0x80, v4, vm0, $0xb8;
	[tilespmem:$0x1F000] =	vst v63  }
0x200: {  	_ = 	snop  }
0x201: {  	[tilespmem:s28], [sflag:$0x1] =	stream.indirect_vreg.gather [hbm4b:s2+s3], $0x80, v3, vm0, $0xb8;
	[tilespmem:$0x1F000] =	vst v63  }
0x202: {  	_ = 	snop  }
0x203: {  	[tilespmem:s29], [sflag:$0x1] =	stream.indirect_vreg.gather [hbm4b:s5+s3], $0x80, v3, vm0, $0xb8;
	[tilespmem:$0x1F000] =	vst v63  }
0x204: {  	_ = 	snop  }
0x205: {  	[tilespmem:s30], [sflag:$0x1] =	stream.indirect_vreg.gather [hbm4b:s6+s3], $0x80, v3, vm0, $0xb8;
	[tilespmem:$0x1F000] =	vst v63  }
0x206: {  	_ =	swait.ge [sflag:s15], $0x6000  }
0x207: {  	[sflag:s15] =	ssyncset.done $0x0  }
0x208: {  	s7 =	simm.s32 $0x13000;
	s13 =	rddreg [dreg:$0xc];
	[sflag:s15] =	ssyncadd.s32 $0xFFFFA000  }
0x209: {  	[hbm4b:s13+s3] =	stream.linear.scatter [tilespmem:s7], [sflag:$0x9], $0x6000, $0x38;
	[tilespmem:$0x1F000] =	vst v63  }
0x20a: {  	_ =	swait.ge [sflag:s16], $0x6000  }
0x20b: {  	[sflag:s16] =	ssyncset.done $0x0  }
0x20c: {  	[sflag:s16] =	ssyncadd.s32 $0xFFFFA000  }
0x20d: {  	v3 =	vld [tilespmem:$0x580];
	_ =	sdelay $0x4  }
0x20e: {  	v22 =	vshrl.u32 v3, $0x3  }
0x20f: {  	v4 =	vmul.u32 $0x30, v22  }
0x210: {  	v3 =	vand.u32 $0x7, v3  }
0x211: {  	v3 =	vor.u32 v3, v4  }
0x212: {  	v4 =	vperm.xlane v3, v0;
	_ =	sdelay $0x1  }
0x213: {  	v4 =	vadd.s32 v1, v4;
	_ =	sdelay $0x3  }
0x214: {  	s1 =	simm.s32 $0x7000;
	v3 =	vperm.xlane v3, v2  }
0x215: {  	[tilespmem:s1], [sflag:$0x2] =	stream.indirect_vreg.gather [hbm4b:s2+s3], $0x80, v4, vm0, $0xb8;
	[tilespmem:$0x1F000] =	vst v63  }
0x216: {  	s22 =	simm.s32 $0x7800;
	v3 =	vadd.s32 v1, v3  }
0x217: {  	[tilespmem:s22], [sflag:$0x2] =	stream.indirect_vreg.gather [hbm4b:s5+s3], $0x80, v4, vm0, $0xb8;
	[tilespmem:$0x1F000] =	vst v63  }
0x218: {  	s10 =	simm.s32 $0x8000  }
0x219: {  	[tilespmem:s10], [sflag:$0x2] =	stream.indirect_vreg.gather [hbm4b:s6+s3], $0x80, v4, vm0, $0xb8;
	[tilespmem:$0x1F000] =	vst v63  }
0x21a: {  	s24 =	simm.s32 $0x8800  }
0x21b: {  	[tilespmem:s24], [sflag:$0x2] =	stream.indirect_vreg.gather [hbm4b:s2+s3], $0x80, v3, vm0, $0xb8;
	[tilespmem:$0x1F000] =	vst v63  }
0x21c: {  	s26 =	simm.s32 $0x9000  }
0x21d: {  	[tilespmem:s26], [sflag:$0x2] =	stream.indirect_vreg.gather [hbm4b:s5+s3], $0x80, v3, vm0, $0xb8;
	[tilespmem:$0x1F000] =	vst v63  }
0x21e: {  	s28 =	simm.s32 $0x9800  }
0x21f: {  	[tilespmem:s28], [sflag:$0x2] =	stream.indirect_vreg.gather [hbm4b:s6+s3], $0x80, v3, vm0, $0xb8;
	[tilespmem:$0x1F000] =	vst v63  }
0x220: {  	v3 =	vld [tilespmem:$0x590];
	_ =	sdelay $0x4  }
0x221: {  	v23 =	vshrl.u32 v3, $0x3  }
0x222: {  	v4 =	vmul.u32 $0x30, v23  }
0x223: {  	v3 =	vand.u32 $0x7, v3  }
0x224: {  	v3 =	vor.u32 v3, v4  }
0x225: {  	v4 =	vperm.xlane v3, v0;
	_ =	sdelay $0x1  }
0x226: {  	v4 =	vadd.s32 v1, v4;
	_ =	sdelay $0x3  }
0x227: {  	s29 =	simm.s32 $0xA000;
	v3 =	vperm.xlane v3, v2  }
0x228: {  	[tilespmem:s29], [sflag:$0x2] =	stream.indirect_vreg.gather [hbm4b:s2+s3], $0x80, v4, vm0, $0xb8;
	[tilespmem:$0x1F000] =	vst v63  }
0x229: {  	s30 =	simm.s32 $0xA800;
	v3 =	vadd.s32 v1, v3  }
0x22a: {  	[tilespmem:s30], [sflag:$0x2] =	stream.indirect_vreg.gather [hbm4b:s5+s3], $0x80, v4, vm0, $0xb8;
	[tilespmem:$0x1F000] =	vst v63  }
0x22b: {  	s8 =	simm.s32 $0xB000  }
0x22c: {  	[tilespmem:s8], [sflag:$0x2] =	stream.indirect_vreg.gather [hbm4b:s6+s3], $0x80, v4, vm0, $0xb8;
	[tilespmem:$0x1F000] =	vst v63  }
0x22d: {  	s13 =	simm.s32 $0xB800  }
0x22e: {  	[tilespmem:s13], [sflag:$0x2] =	stream.indirect_vreg.gather [hbm4b:s2+s3], $0x80, v3, vm0, $0xb8;
	[tilespmem:$0x1F000] =	vst v63  }
0x22f: {  	s22 =	simm.s32 $0xC000  }
0x230: {  	[tilespmem:s22], [sflag:$0x2] =	stream.indirect_vreg.gather [hbm4b:s5+s3], $0x80, v3, vm0, $0xb8;
	[tilespmem:$0x1F000] =	vst v63  }
0x231: {  	s24 =	simm.s32 $0xC800  }
0x232: {  	[tilespmem:s24], [sflag:$0x2] =	stream.indirect_vreg.gather [hbm4b:s6+s3], $0x80, v3, vm0, $0xb8;
	[tilespmem:$0x1F000] =	vst v63  }
0x233: {  	_ =	swait.ge [sflag:s17], $0x6000  }
0x234: {  	[sflag:s17] =	ssyncset.done $0x0  }
0x235: {  	s4 =	simm.s32 $0x19000;
	s26 =	rddreg [dreg:$0xd];
	[sflag:s17] =	ssyncadd.s32 $0xFFFFA000  }
0x236: {  	[hbm4b:s26+s3] =	stream.linear.scatter [tilespmem:s4], [sflag:$0xA], $0x6000, $0x38;
	[tilespmem:$0x1F000] =	vst v63  }
0x237: {  	_ =	swait.ge [sflag:s18], $0x6000  }
0x238: {  	[sflag:s18] =	ssyncset.done $0x0  }
0x239: {  	[sflag:s18] =	ssyncadd.s32 $0xFFFFA000  }
0x23a: {  	v3 =	vld [tilespmem:$0x600];
	_ =	sdelay $0x4  }
0x23b: {  	v24 =	vshrl.u32 v3, $0x3  }
0x23c: {  	v4 =	vmul.u32 $0x30, v24  }
0x23d: {  	v3 =	vand.u32 $0x7, v3  }
0x23e: {  	v3 =	vor.u32 v3, v4  }
0x23f: {  	v4 =	vperm.xlane v3, v0;
	_ =	sdelay $0x1  }
0x240: {  	v4 =	vadd.s32 v1, v4;
	_ =	sdelay $0x3  }
0x241: {  	s23 =	simm.s32 $0xD000;
	v3 =	vperm.xlane v3, v2  }
0x242: {  	[tilespmem:s23], [sflag:$0x3] =	stream.indirect_vreg.gather [hbm4b:s2+s3], $0x80, v4, vm0, $0xb8;
	[tilespmem:$0x1F000] =	vst v63  }
0x243: {  	s28 =	simm.s32 $0xD800;
	v3 =	vadd.s32 v1, v3  }
0x244: {  	[tilespmem:s28], [sflag:$0x3] =	stream.indirect_vreg.gather [hbm4b:s5+s3], $0x80, v4, vm0, $0xb8;
	[tilespmem:$0x1F000] =	vst v63  }
0x245: {  	s29 =	simm.s32 $0xE000  }
0x246: {  	[tilespmem:s29], [sflag:$0x3] =	stream.indirect_vreg.gather [hbm4b:s6+s3], $0x80, v4, vm0, $0xb8;
	[tilespmem:$0x1F000] =	vst v63  }
0x247: {  	s30 =	simm.s32 $0xE800  }
0x248: {  	[tilespmem:s30], [sflag:$0x3] =	stream.indirect_vreg.gather [hbm4b:s2+s3], $0x80, v3, vm0, $0xb8;
	[tilespmem:$0x1F000] =	vst v63  }
0x249: {  	s4 =	simm.s32 $0xF000  }
0x24a: {  	[tilespmem:s4], [sflag:$0x3] =	stream.indirect_vreg.gather [hbm4b:s5+s3], $0x80, v3, vm0, $0xb8;
	[tilespmem:$0x1F000] =	vst v63  }
0x24b: {  	s22 =	simm.s32 $0xF800  }
0x24c: {  	[tilespmem:s22], [sflag:$0x3] =	stream.indirect_vreg.gather [hbm4b:s6+s3], $0x80, v3, vm0, $0xb8;
	[tilespmem:$0x1F000] =	vst v63  }
0x24d: {  	v3 =	vld [tilespmem:$0x610];
	_ =	sdelay $0x4  }
0x24e: {  	v25 =	vshrl.u32 v3, $0x3  }
0x24f: {  	v4 =	vmul.u32 $0x30, v25  }
0x250: {  	v3 =	vand.u32 $0x7, v3  }
0x251: {  	v3 =	vor.u32 v3, v4  }
0x252: {  	v4 =	vperm.xlane v3, v0;
	_ =	sdelay $0x1  }
0x253: {  	v4 =	vadd.s32 v1, v4;
	_ =	sdelay $0x3  }
0x254: {  	s23 =	simm.s32 $0x10000;
	v3 =	vperm.xlane v3, v2  }
0x255: {  	[tilespmem:s23], [sflag:$0x3] =	stream.indirect_vreg.gather [hbm4b:s2+s3], $0x80, v4, vm0, $0xb8;
	[tilespmem:$0x1F000] =	vst v63  }
0x256: {  	s24 =	simm.s32 $0x10800;
	v3 =	vadd.s32 v1, v3  }
0x257: {  	[tilespmem:s24], [sflag:$0x3] =	stream.indirect_vreg.gather [hbm4b:s5+s3], $0x80, v4, vm0, $0xb8;
	[tilespmem:$0x1F000] =	vst v63  }
0x258: {  	s26 =	simm.s32 $0x11000  }
0x259: {  	[tilespmem:s26], [sflag:$0x3] =	stream.indirect_vreg.gather [hbm4b:s6+s3], $0x80, v4, vm0, $0xb8;
	[tilespmem:$0x1F000] =	vst v63  }
0x25a: {  	s28 =	simm.s32 $0x11800  }
0x25b: {  	[tilespmem:s28], [sflag:$0x3] =	stream.indirect_vreg.gather [hbm4b:s2+s3], $0x80, v3, vm0, $0xb8;
	[tilespmem:$0x1F000] =	vst v63  }
0x25c: {  	s29 =	simm.s32 $0x12000  }
0x25d: {  	[tilespmem:s29], [sflag:$0x3] =	stream.indirect_vreg.gather [hbm4b:s5+s3], $0x80, v3, vm0, $0xb8;
	[tilespmem:$0x1F000] =	vst v63  }
0x25e: {  	s30 =	simm.s32 $0x12800  }
0x25f: {  	[tilespmem:s30], [sflag:$0x3] =	stream.indirect_vreg.gather [hbm4b:s6+s3], $0x80, v3, vm0, $0xb8;
	[tilespmem:$0x1F000] =	vst v63  }
0x260: {  	_ =	swait.ge [sflag:s11], $0x6000  }
0x261: {  	[sflag:s11] =	ssyncset.done $0x0  }
0x262: {  	s9 =	simm.s32 $0x1000;
	s4 =	rddreg [dreg:$0xe];
	[sflag:s11] =	ssyncadd.s32 $0xFFFFA000  }
0x263: {  	[hbm4b:s4+s3] =	stream.linear.scatter [tilespmem:s9], [sflag:$0x6], $0x6000, $0x38;
	[tilespmem:$0x1F000] =	vst v63  }
0x264: {  	_ =	swait.ge [sflag:s19], $0x6000  }
0x265: {  	[sflag:s19] =	ssyncset.done $0x0  }
0x266: {  	[sflag:s19] =	ssyncadd.s32 $0xFFFFA000  }
0x267: {  	v3 =	vld [tilespmem:$0x680];
	_ =	sdelay $0x4  }
0x268: {  	v26 =	vshrl.u32 v3, $0x3  }
0x269: {  	v4 =	vmul.u32 $0x30, v26  }
0x26a: {  	v3 =	vand.u32 $0x7, v3  }
0x26b: {  	v3 =	vor.u32 v3, v4  }
0x26c: {  	v4 =	vperm.xlane v3, v0;
	_ =	sdelay $0x1  }
0x26d: {  	v4 =	vadd.s32 v1, v4;
	_ =	sdelay $0x3  }
0x26e: {  	s7 =	simm.s32 $0x13000;
	v3 =	vperm.xlane v3, v2  }
0x26f: {  	[tilespmem:s7], [sflag:$0x4] =	stream.indirect_vreg.gather [hbm4b:s2+s3], $0x80, v4, vm0, $0xb8;
	[tilespmem:$0x1F000] =	vst v63  }
0x270: {  	v3 =	vadd.s32 v1, v3;
	s7 =	simm.s32 $0x13800  }
0x271: {  	[tilespmem:s7], [sflag:$0x4] =	stream.indirect_vreg.gather [hbm4b:s5+s3], $0x80, v4, vm0, $0xb8;
	[tilespmem:$0x1F000] =	vst v63  }
0x272: {  	s22 =	simm.s32 $0x14000  }
0x273: {  	[tilespmem:s22], [sflag:$0x4] =	stream.indirect_vreg.gather [hbm4b:s6+s3], $0x80, v4, vm0, $0xb8;
	[tilespmem:$0x1F000] =	vst v63  }
0x274: {  	s23 =	simm.s32 $0x14800  }
0x275: {  	[tilespmem:s23], [sflag:$0x4] =	stream.indirect_vreg.gather [hbm4b:s2+s3], $0x80, v3, vm0, $0xb8;
	[tilespmem:$0x1F000] =	vst v63  }
0x276: {  	s9 =	simm.s32 $0x15000  }
0x277: {  	[tilespmem:s9], [sflag:$0x4] =	stream.indirect_vreg.gather [hbm4b:s5+s3], $0x80, v3, vm0, $0xb8;
	[tilespmem:$0x1F000] =	vst v63  }
0x278: {  	s28 =	simm.s32 $0x15800  }
0x279: {  	[tilespmem:s28], [sflag:$0x4] =	stream.indirect_vreg.gather [hbm4b:s6+s3], $0x80, v3, vm0, $0xb8;
	[tilespmem:$0x1F000] =	vst v63  }
0x27a: {  	v3 =	vld [tilespmem:$0x690];
	_ =	sdelay $0x4  }
0x27b: {  	v27 =	vshrl.u32 v3, $0x3  }
0x27c: {  	v4 =	vmul.u32 $0x30, v27  }
0x27d: {  	v3 =	vand.u32 $0x7, v3  }
0x27e: {  	v3 =	vor.u32 v3, v4  }
0x27f: {  	v4 =	vperm.xlane v3, v0;
	_ =	sdelay $0x1  }
0x280: {  	v4 =	vadd.s32 v1, v4;
	_ =	sdelay $0x3  }
0x281: {  	s29 =	simm.s32 $0x16000;
	v3 =	vperm.xlane v3, v2  }
0x282: {  	[tilespmem:s29], [sflag:$0x4] =	stream.indirect_vreg.gather [hbm4b:s2+s3], $0x80, v4, vm0, $0xb8;
	[tilespmem:$0x1F000] =	vst v63  }
0x283: {  	s26 =	simm.s32 $0x16800;
	v3 =	vadd.s32 v1, v3  }
0x284: {  	[tilespmem:s26], [sflag:$0x4] =	stream.indirect_vreg.gather [hbm4b:s5+s3], $0x80, v4, vm0, $0xb8;
	[tilespmem:$0x1F000] =	vst v63  }
0x285: {  	s23 =	simm.s32 $0x17000  }
0x286: {  	[tilespmem:s23], [sflag:$0x4] =	stream.indirect_vreg.gather [hbm4b:s6+s3], $0x80, v4, vm0, $0xb8;
	[tilespmem:$0x1F000] =	vst v63  }
0x287: {  	s30 =	simm.s32 $0x17800  }
0x288: {  	[tilespmem:s30], [sflag:$0x4] =	stream.indirect_vreg.gather [hbm4b:s2+s3], $0x80, v3, vm0, $0xb8;
	[tilespmem:$0x1F000] =	vst v63  }
0x289: {  	s26 =	simm.s32 $0x18000  }
0x28a: {  	[tilespmem:s26], [sflag:$0x4] =	stream.indirect_vreg.gather [hbm4b:s5+s3], $0x80, v3, vm0, $0xb8;
	[tilespmem:$0x1F000] =	vst v63  }
0x28b: {  	s30 =	simm.s32 $0x18800  }
0x28c: {  	[tilespmem:s30], [sflag:$0x4] =	stream.indirect_vreg.gather [hbm4b:s6+s3], $0x80, v3, vm0, $0xb8;
	[tilespmem:$0x1F000] =	vst v63  }
0x28d: {  	_ =	swait.ge [sflag:s12], $0x6000  }
0x28e: {  	[sflag:s12] =	ssyncset.done $0x0  }
0x28f: {  	s0 =	simm.s32 $0x7000;
	s1 =	rddreg [dreg:$0xf];
	[sflag:s12] =	ssyncadd.s32 $0xFFFFA000  }
0x290: {  	[hbm4b:s1+s3] =	stream.linear.scatter [tilespmem:s0], [sflag:$0x7], $0x6000, $0x38;
	[tilespmem:$0x1F000] =	vst v63  }
0x291: {  	_ =	swait.ge [sflag:s20], $0x6000  }
0x292: {  	[sflag:s20] =	ssyncset.done $0x0  }
0x293: {  	[sflag:s20] =	ssyncadd.s32 $0xFFFFA000  }
0x294: {  	v3 =	vld [tilespmem:$0x700];
	_ =	sdelay $0x4  }
0x295: {  	v28 =	vshrl.u32 v3, $0x3  }
0x296: {  	v4 =	vmul.u32 $0x30, v28  }
0x297: {  	v3 =	vand.u32 $0x7, v3  }
0x298: {  	v3 =	vor.u32 v3, v4  }
0x299: {  	v4 =	vperm.xlane v3, v0;
	_ =	sdelay $0x1  }
0x29a: {  	v4 =	vadd.s32 v1, v4;
	_ =	sdelay $0x3  }
0x29b: {  	s13 =	simm.s32 $0x19000;
	v3 =	vperm.xlane v3, v2  }
0x29c: {  	[tilespmem:s13], [sflag:$0x5] =	stream.indirect_vreg.gather [hbm4b:s2+s3], $0x80, v4, vm0, $0xb8;
	[tilespmem:$0x1F000] =	vst v63  }
0x29d: {  	v3 =	vadd.s32 v1, v3  }
0x29e: {  	[tilespmem:s31], [sflag:$0x5] =	stream.indirect_vreg.gather [hbm4b:s5+s3], $0x80, v4, vm0, $0xb8;
	[tilespmem:$0x1F000] =	vst v63  }
0x29f: {  	s22 =	simm.s32 $0x1A000  }
0x2a0: {  	[tilespmem:s22], [sflag:$0x5] =	stream.indirect_vreg.gather [hbm4b:s6+s3], $0x80, v4, vm0, $0xb8;
	[tilespmem:$0x1F000] =	vst v63  }
0x2a1: {  	s31 =	simm.s32 $0x1A800  }
0x2a2: {  	[tilespmem:s31], [sflag:$0x5] =	stream.indirect_vreg.gather [hbm4b:s2+s3], $0x80, v3, vm0, $0xb8;
	[tilespmem:$0x1F000] =	vst v63  }
0x2a3: {  	s22 =	simm.s32 $0x1B000  }
0x2a4: {  	[tilespmem:s22], [sflag:$0x5] =	stream.indirect_vreg.gather [hbm4b:s5+s3], $0x80, v3, vm0, $0xb8;
	[tilespmem:$0x1F000] =	vst v63  }
0x2a5: {  	s31 =	simm.s32 $0x1B800  }
0x2a6: {  	[tilespmem:s31], [sflag:$0x5] =	stream.indirect_vreg.gather [hbm4b:s6+s3], $0x80, v3, vm0, $0xb8;
	[tilespmem:$0x1F000] =	vst v63  }
0x2a7: {  	v3 =	vld [tilespmem:$0x710];
	_ =	sdelay $0x4  }
0x2a8: {  	v29 =	vshrl.u32 v3, $0x3  }
0x2a9: {  	v4 =	vmul.u32 $0x30, v29  }
0x2aa: {  	v3 =	vand.u32 $0x7, v3  }
0x2ab: {  	v3 =	vor.u32 v3, v4  }
0x2ac: {  	v4 =	vperm.xlane v3, v0;
	_ =	sdelay $0x1  }
0x2ad: {  	v4 =	vadd.s32 v1, v4;
	_ =	sdelay $0x3  }
0x2ae: {  	s22 =	simm.s32 $0x1C000;
	v3 =	vperm.xlane v3, v2  }
0x2af: {  	[tilespmem:s22], [sflag:$0x5] =	stream.indirect_vreg.gather [hbm4b:s2+s3], $0x80, v4, vm0, $0xb8;
	[tilespmem:$0x1F000] =	vst v63  }
0x2b0: {  	s31 =	simm.s32 $0x1C800;
	v3 =	vadd.s32 v1, v3  }
0x2b1: {  	[tilespmem:s31], [sflag:$0x5] =	stream.indirect_vreg.gather [hbm4b:s5+s3], $0x80, v4, vm0, $0xb8;
	[tilespmem:$0x1F000] =	vst v63  }
0x2b2: {  	s22 =	simm.s32 $0x1D000  }
0x2b3: {  	[tilespmem:s22], [sflag:$0x5] =	stream.indirect_vreg.gather [hbm4b:s6+s3], $0x80, v4, vm0, $0xb8;
	[tilespmem:$0x1F000] =	vst v63  }
0x2b4: {  	s31 =	simm.s32 $0x1D800  }
0x2b5: {  	[tilespmem:s31], [sflag:$0x5] =	stream.indirect_vreg.gather [hbm4b:s2+s3], $0x80, v3, vm0, $0xb8;
	[tilespmem:$0x1F000] =	vst v63  }
0x2b6: {  	s22 =	simm.s32 $0x1E000  }
0x2b7: {  	[tilespmem:s22], [sflag:$0x5] =	stream.indirect_vreg.gather [hbm4b:s5+s3], $0x80, v3, vm0, $0xb8;
	[tilespmem:$0x1F000] =	vst v63  }
0x2b8: {  	s31 =	simm.s32 $0x1E800  }
0x2b9: {  	[tilespmem:s31], [sflag:$0x5] =	stream.indirect_vreg.gather [hbm4b:s6+s3], $0x80, v3, vm0, $0xb8;
	[tilespmem:$0x1F000] =	vst v63  }
0x2ba: {  	_ =	swait.ge [sflag:s25], $0x6000  }
0x2bb: {  	[sflag:s25] =	ssyncset.done $0x0  }
0x2bc: {  	s8 =	simm.s32 $0xD000;
	s13 =	rddreg [dreg:$0x10];
	[sflag:s25] =	ssyncadd.s32 $0xFFFFA000  }
0x2bd: {  	[hbm4b:s13+s3] =	stream.linear.scatter [tilespmem:s8], [sflag:$0x8], $0x6000, $0x38;
	[tilespmem:$0x1F000] =	vst v63  }
0x2be: {  	_ =	swait.ge [sflag:s14], $0x6000  }
0x2bf: {  	[sflag:s14] =	ssyncset.done $0x0  }
0x2c0: {  	[sflag:s14] =	ssyncadd.s32 $0xFFFFA000  }
0x2c1: {  	v3 =	vld [tilespmem:$0x780];
	_ =	sdelay $0x4  }
0x2c2: {  	v30 =	vshrl.u32 v3, $0x3  }
0x2c3: {  	v4 =	vmul.u32 $0x30, v30  }
0x2c4: {  	v3 =	vand.u32 $0x7, v3  }
0x2c5: {  	v3 =	vor.u32 v3, v4  }
0x2c6: {  	v4 =	vperm.xlane v3, v0;
	_ =	sdelay $0x1  }
0x2c7: {  	v4 =	vadd.s32 v1, v4;
	_ =	sdelay $0x3  }
0x2c8: {  	s24 =	simm.s32 $0x1000;
	v3 =	vperm.xlane v3, v2  }
0x2c9: {  	[tilespmem:s24], [sflag:$0x1] =	stream.indirect_vreg.gather [hbm4b:s2+s3], $0x80, v4, vm0, $0xb8;
	[tilespmem:$0x1F000] =	vst v63  }
0x2ca: {  	v3 =	vadd.s32 v1, v3;
	s24 =	simm.s32 $0x1800  }
0x2cb: {  	[tilespmem:s24], [sflag:$0x1] =	stream.indirect_vreg.gather [hbm4b:s5+s3], $0x80, v4, vm0, $0xb8;
	[tilespmem:$0x1F000] =	vst v63  }
0x2cc: {  	s22 =	simm.s32 $0x2000  }
0x2cd: {  	[tilespmem:s22], [sflag:$0x1] =	stream.indirect_vreg.gather [hbm4b:s6+s3], $0x80, v4, vm0, $0xb8;
	[tilespmem:$0x1F000] =	vst v63  }
0x2ce: {  	s24 =	simm.s32 $0x2800  }
0x2cf: {  	[tilespmem:s24], [sflag:$0x1] =	stream.indirect_vreg.gather [hbm4b:s2+s3], $0x80, v3, vm0, $0xb8;
	[tilespmem:$0x1F000] =	vst v63  }
0x2d0: {  	s22 =	simm.s32 $0x3000  }
0x2d1: {  	[tilespmem:s22], [sflag:$0x1] =	stream.indirect_vreg.gather [hbm4b:s5+s3], $0x80, v3, vm0, $0xb8;
	[tilespmem:$0x1F000] =	vst v63  }
0x2d2: {  	_ = 	snop  }
0x2d3: {  	[tilespmem:s21], [sflag:$0x1] =	stream.indirect_vreg.gather [hbm4b:s6+s3], $0x80, v3, vm0, $0xb8;
	[tilespmem:$0x1F000] =	vst v63  }
0x2d4: {  	v3 =	vld [tilespmem:$0x790];
	_ =	sdelay $0x4  }
0x2d5: {  	v31 =	vshrl.u32 v3, $0x3  }
0x2d6: {  	v4 =	vmul.u32 $0x30, v31  }
0x2d7: {  	v3 =	vand.u32 $0x7, v3  }
0x2d8: {  	v3 =	vor.u32 v3, v4  }
0x2d9: {  	v4 =	vperm.xlane v3, v0;
	_ =	sdelay $0x1  }
0x2da: {  	v4 =	vadd.s32 v1, v4;
	_ =	sdelay $0x3  }
0x2db: {  	s24 =	simm.s32 $0x4000;
	v3 =	vperm.xlane v3, v2  }
0x2dc: {  	[tilespmem:s24], [sflag:$0x1] =	stream.indirect_vreg.gather [hbm4b:s2+s3], $0x80, v4, vm0, $0xb8;
	[tilespmem:$0x1F000] =	vst v63  }
0x2dd: {  	s21 =	simm.s32 $0x4800;
	v3 =	vadd.s32 v1, v3  }
0x2de: {  	[tilespmem:s21], [sflag:$0x1] =	stream.indirect_vreg.gather [hbm4b:s5+s3], $0x80, v4, vm0, $0xb8;
	[tilespmem:$0x1F000] =	vst v63  }
0x2df: {  	s22 =	simm.s32 $0x5000  }
0x2e0: {  	[tilespmem:s22], [sflag:$0x1] =	stream.indirect_vreg.gather [hbm4b:s6+s3], $0x80, v4, vm0, $0xb8;
	[tilespmem:$0x1F000] =	vst v63  }
0x2e1: {  	s24 =	simm.s32 $0x5800  }
0x2e2: {  	[tilespmem:s24], [sflag:$0x1] =	stream.indirect_vreg.gather [hbm4b:s2+s3], $0x80, v3, vm0, $0xb8;
	[tilespmem:$0x1F000] =	vst v63  }
0x2e3: {  	s21 =	simm.s32 $0x6000  }
0x2e4: {  	[tilespmem:s21], [sflag:$0x1] =	stream.indirect_vreg.gather [hbm4b:s5+s3], $0x80, v3, vm0, $0xb8;
	[tilespmem:$0x1F000] =	vst v63  }
0x2e5: {  	s22 =	simm.s32 $0x6800  }
0x2e6: {  	[tilespmem:s22], [sflag:$0x1] =	stream.indirect_vreg.gather [hbm4b:s6+s3], $0x80, v3, vm0, $0xb8;
	[tilespmem:$0x1F000] =	vst v63  }
0x2e7: {  	_ =	swait.ge [sflag:s15], $0x6000  }
0x2e8: {  	[sflag:s15] =	ssyncset.done $0x0  }
0x2e9: {  	s4 =	simm.s32 $0x13000;
	s24 =	rddreg [dreg:$0x11];
	[sflag:s15] =	ssyncadd.s32 $0xFFFFA000  }
0x2ea: {  	[hbm4b:s24+s3] =	stream.linear.scatter [tilespmem:s4], [sflag:$0x9], $0x6000, $0x38;
	[tilespmem:$0x1F000] =	vst v63  }
0x2eb: {  	_ =	swait.ge [sflag:s16], $0x6000  }
0x2ec: {  	[sflag:s16] =	ssyncset.done $0x0  }
0x2ed: {  	[sflag:s16] =	ssyncadd.s32 $0xFFFFA000  }
0x2ee: {  	v3 =	vld [tilespmem:$0x800];
	_ =	sdelay $0x4  }
0x2ef: {  	v32 =	vshrl.u32 v3, $0x3  }
0x2f0: {  	v4 =	vmul.u32 $0x30, v32  }
0x2f1: {  	v3 =	vand.u32 $0x7, v3  }
0x2f2: {  	v3 =	vor.u32 v3, v4  }
0x2f3: {  	v4 =	vperm.xlane v3, v0;
	_ =	sdelay $0x1  }
0x2f4: {  	v4 =	vadd.s32 v1, v4;
	_ =	sdelay $0x3  }
0x2f5: {  	s0 =	simm.s32 $0x7000;
	v3 =	vperm.xlane v3, v2  }
0x2f6: {  	[tilespmem:s0], [sflag:$0x2] =	stream.indirect_vreg.gather [hbm4b:s2+s3], $0x80, v4, vm0, $0xb8;
	[tilespmem:$0x1F000] =	vst v63  }
0x2f7: {  	s4 =	simm.s32 $0x7800;
	v3 =	vadd.s32 v1, v3  }
0x2f8: {  	[tilespmem:s4], [sflag:$0x2] =	stream.indirect_vreg.gather [hbm4b:s5+s3], $0x80, v4, vm0, $0xb8;
	[tilespmem:$0x1F000] =	vst v63  }
0x2f9: {  	_ = 	snop  }
0x2fa: {  	[tilespmem:s10], [sflag:$0x2] =	stream.indirect_vreg.gather [hbm4b:s6+s3], $0x80, v4, vm0, $0xb8;
	[tilespmem:$0x1F000] =	vst v63  }
0x2fb: {  	s10 =	simm.s32 $0x8800  }
0x2fc: {  	[tilespmem:s10], [sflag:$0x2] =	stream.indirect_vreg.gather [hbm4b:s2+s3], $0x80, v3, vm0, $0xb8;
	[tilespmem:$0x1F000] =	vst v63  }
0x2fd: {  	s21 =	simm.s32 $0x9000  }
0x2fe: {  	[tilespmem:s21], [sflag:$0x2] =	stream.indirect_vreg.gather [hbm4b:s5+s3], $0x80, v3, vm0, $0xb8;
	[tilespmem:$0x1F000] =	vst v63  }
0x2ff: {  	s22 =	simm.s32 $0x9800  }
0x300: {  	[tilespmem:s22], [sflag:$0x2] =	stream.indirect_vreg.gather [hbm4b:s6+s3], $0x80, v3, vm0, $0xb8;
	[tilespmem:$0x1F000] =	vst v63  }
0x301: {  	v3 =	vld [tilespmem:$0x810];
	_ =	sdelay $0x4  }
0x302: {  	v33 =	vshrl.u32 v3, $0x3  }
0x303: {  	v4 =	vmul.u32 $0x30, v33  }
0x304: {  	v3 =	vand.u32 $0x7, v3  }
0x305: {  	v3 =	vor.u32 v3, v4  }
0x306: {  	v4 =	vperm.xlane v3, v0;
	_ =	sdelay $0x1  }
0x307: {  	v4 =	vadd.s32 v1, v4;
	_ =	sdelay $0x3  }
0x308: {  	s22 =	simm.s32 $0xA000;
	v3 =	vperm.xlane v3, v2  }
0x309: {  	[tilespmem:s22], [sflag:$0x2] =	stream.indirect_vreg.gather [hbm4b:s2+s3], $0x80, v4, vm0, $0xb8;
	[tilespmem:$0x1F000] =	vst v63  }
0x30a: {  	v3 =	vadd.s32 v1, v3;
	s22 =	simm.s32 $0xA800  }
0x30b: {  	[tilespmem:s22], [sflag:$0x2] =	stream.indirect_vreg.gather [hbm4b:s5+s3], $0x80, v4, vm0, $0xb8;
	[tilespmem:$0x1F000] =	vst v63  }
0x30c: {  	s22 =	simm.s32 $0xB000  }
0x30d: {  	[tilespmem:s22], [sflag:$0x2] =	stream.indirect_vreg.gather [hbm4b:s6+s3], $0x80, v4, vm0, $0xb8;
	[tilespmem:$0x1F000] =	vst v63  }
0x30e: {  	s22 =	simm.s32 $0xB800  }
0x30f: {  	[tilespmem:s22], [sflag:$0x2] =	stream.indirect_vreg.gather [hbm4b:s2+s3], $0x80, v3, vm0, $0xb8;
	[tilespmem:$0x1F000] =	vst v63  }
0x310: {  	s22 =	simm.s32 $0xC000  }
0x311: {  	[tilespmem:s22], [sflag:$0x2] =	stream.indirect_vreg.gather [hbm4b:s5+s3], $0x80, v3, vm0, $0xb8;
	[tilespmem:$0x1F000] =	vst v63  }
0x312: {  	s22 =	simm.s32 $0xC800  }
0x313: {  	[tilespmem:s22], [sflag:$0x2] =	stream.indirect_vreg.gather [hbm4b:s6+s3], $0x80, v3, vm0, $0xb8;
	[tilespmem:$0x1F000] =	vst v63  }
0x314: {  	_ =	swait.ge [sflag:s17], $0x6000  }
0x315: {  	[sflag:s17] =	ssyncset.done $0x0  }
0x316: {  	s1 =	simm.s32 $0x19000;
	s22 =	rddreg [dreg:$0x12];
	[sflag:s17] =	ssyncadd.s32 $0xFFFFA000  }
0x317: {  	[hbm4b:s22+s3] =	stream.linear.scatter [tilespmem:s1], [sflag:$0xA], $0x6000, $0x38;
	[tilespmem:$0x1F000] =	vst v63  }
0x318: {  	_ =	swait.ge [sflag:s18], $0x6000  }
0x319: {  	[sflag:s18] =	ssyncset.done $0x0  }
0x31a: {  	[sflag:s18] =	ssyncadd.s32 $0xFFFFA000  }
0x31b: {  	v3 =	vld [tilespmem:$0x880];
	_ =	sdelay $0x4  }
0x31c: {  	v34 =	vshrl.u32 v3, $0x3  }
0x31d: {  	v4 =	vmul.u32 $0x30, v34  }
0x31e: {  	v3 =	vand.u32 $0x7, v3  }
0x31f: {  	v3 =	vor.u32 v3, v4  }
0x320: {  	v4 =	vperm.xlane v3, v0;
	_ =	sdelay $0x1  }
0x321: {  	v4 =	vadd.s32 v1, v4;
	_ =	sdelay $0x3  }
0x322: {  	s31 =	simm.s32 $0xD000;
	v3 =	vperm.xlane v3, v2  }
0x323: {  	[tilespmem:s31], [sflag:$0x3] =	stream.indirect_vreg.gather [hbm4b:s2+s3], $0x80, v4, vm0, $0xb8;
	[tilespmem:$0x1F000] =	vst v63  }
0x324: {  	s22 =	simm.s32 $0xD800;
	v3 =	vadd.s32 v1, v3  }
0x325: {  	[tilespmem:s22], [sflag:$0x3] =	stream.indirect_vreg.gather [hbm4b:s5+s3], $0x80, v4, vm0, $0xb8;
	[tilespmem:$0x1F000] =	vst v63  }
0x326: {  	s22 =	simm.s32 $0xE000  }
0x327: {  	[tilespmem:s22], [sflag:$0x3] =	stream.indirect_vreg.gather [hbm4b:s6+s3], $0x80, v4, vm0, $0xb8;
	[tilespmem:$0x1F000] =	vst v63  }
0x328: {  	s22 =	simm.s32 $0xE800  }
0x329: {  	[tilespmem:s22], [sflag:$0x3] =	stream.indirect_vreg.gather [hbm4b:s2+s3], $0x80, v3, vm0, $0xb8;
	[tilespmem:$0x1F000] =	vst v63  }
0x32a: {  	s22 =	simm.s32 $0xF000  }
0x32b: {  	[tilespmem:s22], [sflag:$0x3] =	stream.indirect_vreg.gather [hbm4b:s5+s3], $0x80, v3, vm0, $0xb8;
	[tilespmem:$0x1F000] =	vst v63  }
0x32c: {  	s22 =	simm.s32 $0xF800  }
0x32d: {  	[tilespmem:s22], [sflag:$0x3] =	stream.indirect_vreg.gather [hbm4b:s6+s3], $0x80, v3, vm0, $0xb8;
	[tilespmem:$0x1F000] =	vst v63  }
0x32e: {  	v3 =	vld [tilespmem:$0x890];
	_ =	sdelay $0x4  }
0x32f: {  	v35 =	vshrl.u32 v3, $0x3  }
0x330: {  	v4 =	vmul.u32 $0x30, v35  }
0x331: {  	v3 =	vand.u32 $0x7, v3  }
0x332: {  	v3 =	vor.u32 v3, v4  }
0x333: {  	v4 =	vperm.xlane v3, v0;
	_ =	sdelay $0x1  }
0x334: {  	v4 =	vadd.s32 v1, v4;
	_ =	sdelay $0x3  }
0x335: {  	s22 =	simm.s32 $0x10000;
	v3 =	vperm.xlane v3, v2  }
0x336: {  	[tilespmem:s22], [sflag:$0x3] =	stream.indirect_vreg.gather [hbm4b:s2+s3], $0x80, v4, vm0, $0xb8;
	[tilespmem:$0x1F000] =	vst v63  }
0x337: {  	v3 =	vadd.s32 v1, v3;
	s22 =	simm.s32 $0x10800  }
0x338: {  	[tilespmem:s22], [sflag:$0x3] =	stream.indirect_vreg.gather [hbm4b:s5+s3], $0x80, v4, vm0, $0xb8;
	[tilespmem:$0x1F000] =	vst v63  }
0x339: {  	s22 =	simm.s32 $0x11000  }
0x33a: {  	[tilespmem:s22], [sflag:$0x3] =	stream.indirect_vreg.gather [hbm4b:s6+s3], $0x80, v4, vm0, $0xb8;
	[tilespmem:$0x1F000] =	vst v63  }
0x33b: {  	s22 =	simm.s32 $0x11800  }
0x33c: {  	[tilespmem:s22], [sflag:$0x3] =	stream.indirect_vreg.gather [hbm4b:s2+s3], $0x80, v3, vm0, $0xb8;
	[tilespmem:$0x1F000] =	vst v63  }
0x33d: {  	s22 =	simm.s32 $0x12000  }
0x33e: {  	[tilespmem:s22], [sflag:$0x3] =	stream.indirect_vreg.gather [hbm4b:s5+s3], $0x80, v3, vm0, $0xb8;
	[tilespmem:$0x1F000] =	vst v63  }
0x33f: {  	s22 =	simm.s32 $0x12800  }
0x340: {  	[tilespmem:s22], [sflag:$0x3] =	stream.indirect_vreg.gather [hbm4b:s6+s3], $0x80, v3, vm0, $0xb8;
	[tilespmem:$0x1F000] =	vst v63  }
0x341: {  	_ =	swait.ge [sflag:s11], $0x6000  }
0x342: {  	[sflag:s11] =	ssyncset.done $0x0  }
0x343: {  	s13 =	simm.s32 $0x1000;
	s22 =	rddreg [dreg:$0x13];
	[sflag:s11] =	ssyncadd.s32 $0xFFFFA000  }
0x344: {  	[hbm4b:s22+s3] =	stream.linear.scatter [tilespmem:s13], [sflag:$0x6], $0x6000, $0x38;
	[tilespmem:$0x1F000] =	vst v63  }
0x345: {  	_ =	swait.ge [sflag:s19], $0x6000  }
0x346: {  	[sflag:s19] =	ssyncset.done $0x0  }
0x347: {  	[sflag:s19] =	ssyncadd.s32 $0xFFFFA000  }
0x348: {  	v3 =	vld [tilespmem:$0x900];
	_ =	sdelay $0x4  }
0x349: {  	v36 =	vshrl.u32 v3, $0x3  }
0x34a: {  	v4 =	vmul.u32 $0x30, v36  }
0x34b: {  	v3 =	vand.u32 $0x7, v3  }
0x34c: {  	v3 =	vor.u32 v3, v4  }
0x34d: {  	v4 =	vperm.xlane v3, v0;
	_ =	sdelay $0x1  }
0x34e: {  	v4 =	vadd.s32 v1, v4;
	_ =	sdelay $0x3  }
0x34f: {  	s8 =	simm.s32 $0x13000;
	v3 =	vperm.xlane v3, v2  }
0x350: {  	[tilespmem:s8], [sflag:$0x4] =	stream.indirect_vreg.gather [hbm4b:s2+s3], $0x80, v4, vm0, $0xb8;
	[tilespmem:$0x1F000] =	vst v63  }
0x351: {  	v3 =	vadd.s32 v1, v3  }
0x352: {  	[tilespmem:s7], [sflag:$0x4] =	stream.indirect_vreg.gather [hbm4b:s5+s3], $0x80, v4, vm0, $0xb8;
	[tilespmem:$0x1F000] =	vst v63  }
0x353: {  	s22 =	simm.s32 $0x14000  }
0x354: {  	[tilespmem:s22], [sflag:$0x4] =	stream.indirect_vreg.gather [hbm4b:s6+s3], $0x80, v4, vm0, $0xb8;
	[tilespmem:$0x1F000] =	vst v63  }
0x355: {  	s22 =	simm.s32 $0x14800  }
0x356: {  	[tilespmem:s22], [sflag:$0x4] =	stream.indirect_vreg.gather [hbm4b:s2+s3], $0x80, v3, vm0, $0xb8;
	[tilespmem:$0x1F000] =	vst v63  }
0x357: {  	_ = 	snop  }
0x358: {  	[tilespmem:s9], [sflag:$0x4] =	stream.indirect_vreg.gather [hbm4b:s5+s3], $0x80, v3, vm0, $0xb8;
	[tilespmem:$0x1F000] =	vst v63  }
0x359: {  	_ = 	snop  }
0x35a: {  	[tilespmem:s28], [sflag:$0x4] =	stream.indirect_vreg.gather [hbm4b:s6+s3], $0x80, v3, vm0, $0xb8;
	[tilespmem:$0x1F000] =	vst v63  }
0x35b: {  	v3 =	vld [tilespmem:$0x910];
	_ =	sdelay $0x4  }
0x35c: {  	v37 =	vshrl.u32 v3, $0x3  }
0x35d: {  	v4 =	vmul.u32 $0x30, v37  }
0x35e: {  	v3 =	vand.u32 $0x7, v3  }
0x35f: {  	v3 =	vor.u32 v3, v4  }
0x360: {  	v4 =	vperm.xlane v3, v0;
	_ =	sdelay $0x1  }
0x361: {  	v4 =	vadd.s32 v1, v4;
	_ =	sdelay $0x3  }
0x362: {  	v3 =	vperm.xlane v3, v2  }
0x363: {  	[tilespmem:s29], [sflag:$0x4] =	stream.indirect_vreg.gather [hbm4b:s2+s3], $0x80, v4, vm0, $0xb8;
	[tilespmem:$0x1F000] =	vst v63  }
0x364: {  	s28 =	simm.s32 $0x16800;
	v3 =	vadd.s32 v1, v3  }
0x365: {  	[tilespmem:s28], [sflag:$0x4] =	stream.indirect_vreg.gather [hbm4b:s5+s3], $0x80, v4, vm0, $0xb8;
	[tilespmem:$0x1F000] =	vst v63  }
0x366: {  	_ = 	snop  }
0x367: {  	[tilespmem:s23], [sflag:$0x4] =	stream.indirect_vreg.gather [hbm4b:s6+s3], $0x80, v4, vm0, $0xb8;
	[tilespmem:$0x1F000] =	vst v63  }
0x368: {  	s29 =	simm.s32 $0x17800  }
0x369: {  	[tilespmem:s29], [sflag:$0x4] =	stream.indirect_vreg.gather [hbm4b:s2+s3], $0x80, v3, vm0, $0xb8;
	[tilespmem:$0x1F000] =	vst v63  }
0x36a: {  	_ = 	snop  }
0x36b: {  	[tilespmem:s26], [sflag:$0x4] =	stream.indirect_vreg.gather [hbm4b:s5+s3], $0x80, v3, vm0, $0xb8;
	[tilespmem:$0x1F000] =	vst v63  }
0x36c: {  	_ = 	snop  }
0x36d: {  	[tilespmem:s30], [sflag:$0x4] =	stream.indirect_vreg.gather [hbm4b:s6+s3], $0x80, v3, vm0, $0xb8;
	[tilespmem:$0x1F000] =	vst v63  }
0x36e: {  	_ =	swait.ge [sflag:s12], $0x6000  }
0x36f: {  	[sflag:s12] =	ssyncset.done $0x0  }
0x370: {  	s24 =	simm.s32 $0x7000;
	s22 =	rddreg [dreg:$0x14];
	[sflag:s12] =	ssyncadd.s32 $0xFFFFA000  }
0x371: {  	[hbm4b:s22+s3] =	stream.linear.scatter [tilespmem:s24], [sflag:$0x7], $0x6000, $0x38;
	[tilespmem:$0x1F000] =	vst v63  }
0x372: {  	_ =	swait.ge [sflag:s20], $0x6000  }
0x373: {  	[sflag:s20] =	ssyncset.done $0x0  }
0x374: {  	[sflag:s20] =	ssyncadd.s32 $0xFFFFA000  }
0x375: {  	v3 =	vld [tilespmem:$0x980];
	_ =	sdelay $0x4  }
0x376: {  	v38 =	vshrl.u32 v3, $0x3  }
0x377: {  	v4 =	vmul.u32 $0x30, v38  }
0x378: {  	v3 =	vand.u32 $0x7, v3  }
0x379: {  	v3 =	vor.u32 v3, v4  }
0x37a: {  	v4 =	vperm.xlane v3, v0;
	_ =	sdelay $0x1  }
0x37b: {  	v4 =	vadd.s32 v1, v4;
	_ =	sdelay $0x3  }
0x37c: {  	s1 =	simm.s32 $0x19000;
	v3 =	vperm.xlane v3, v2  }
0x37d: {  	[tilespmem:s1], [sflag:$0x5] =	stream.indirect_vreg.gather [hbm4b:s2+s3], $0x80, v4, vm0, $0xb8;
	[tilespmem:$0x1F000] =	vst v63  }
0x37e: {  	s22 =	simm.s32 $0x19800;
	v3 =	vadd.s32 v1, v3  }
0x37f: {  	[tilespmem:s22], [sflag:$0x5] =	stream.indirect_vreg.gather [hbm4b:s5+s3], $0x80, v4, vm0, $0xb8;
	[tilespmem:$0x1F000] =	vst v63  }
0x380: {  	s22 =	simm.s32 $0x1A000  }
0x381: {  	[tilespmem:s22], [sflag:$0x5] =	stream.indirect_vreg.gather [hbm4b:s6+s3], $0x80, v4, vm0, $0xb8;
	[tilespmem:$0x1F000] =	vst v63  }
0x382: {  	s22 =	simm.s32 $0x1A800  }
0x383: {  	[tilespmem:s22], [sflag:$0x5] =	stream.indirect_vreg.gather [hbm4b:s2+s3], $0x80, v3, vm0, $0xb8;
	[tilespmem:$0x1F000] =	vst v63  }
0x384: {  	s22 =	simm.s32 $0x1B000  }
0x385: {  	[tilespmem:s22], [sflag:$0x5] =	stream.indirect_vreg.gather [hbm4b:s5+s3], $0x80, v3, vm0, $0xb8;
	[tilespmem:$0x1F000] =	vst v63  }
0x386: {  	s22 =	simm.s32 $0x1B800  }
0x387: {  	[tilespmem:s22], [sflag:$0x5] =	stream.indirect_vreg.gather [hbm4b:s6+s3], $0x80, v3, vm0, $0xb8;
	[tilespmem:$0x1F000] =	vst v63  }
0x388: {  	v3 =	vld [tilespmem:$0x990];
	_ =	sdelay $0x4  }
0x389: {  	v39 =	vshrl.u32 v3, $0x3  }
0x38a: {  	v4 =	vmul.u32 $0x30, v39  }
0x38b: {  	v3 =	vand.u32 $0x7, v3  }
0x38c: {  	v3 =	vor.u32 v3, v4  }
0x38d: {  	v4 =	vperm.xlane v3, v0;
	_ =	sdelay $0x1  }
0x38e: {  	v4 =	vadd.s32 v1, v4;
	_ =	sdelay $0x3  }
0x38f: {  	s22 =	simm.s32 $0x1C000;
	v3 =	vperm.xlane v3, v2  }
0x390: {  	[tilespmem:s22], [sflag:$0x5] =	stream.indirect_vreg.gather [hbm4b:s2+s3], $0x80, v4, vm0, $0xb8;
	[tilespmem:$0x1F000] =	vst v63  }
0x391: {  	v3 =	vadd.s32 v1, v3;
	s22 =	simm.s32 $0x1C800  }
0x392: {  	[tilespmem:s22], [sflag:$0x5] =	stream.indirect_vreg.gather [hbm4b:s5+s3], $0x80, v4, vm0, $0xb8;
	[tilespmem:$0x1F000] =	vst v63  }
0x393: {  	s22 =	simm.s32 $0x1D000  }
0x394: {  	[tilespmem:s22], [sflag:$0x5] =	stream.indirect_vreg.gather [hbm4b:s6+s3], $0x80, v4, vm0, $0xb8;
	[tilespmem:$0x1F000] =	vst v63  }
0x395: {  	s22 =	simm.s32 $0x1D800  }
0x396: {  	[tilespmem:s22], [sflag:$0x5] =	stream.indirect_vreg.gather [hbm4b:s2+s3], $0x80, v3, vm0, $0xb8;
	[tilespmem:$0x1F000] =	vst v63  }
0x397: {  	s22 =	simm.s32 $0x1E000  }
0x398: {  	[tilespmem:s22], [sflag:$0x5] =	stream.indirect_vreg.gather [hbm4b:s5+s3], $0x80, v3, vm0, $0xb8;
	[tilespmem:$0x1F000] =	vst v63  }
0x399: {  	s22 =	simm.s32 $0x1E800  }
0x39a: {  	[tilespmem:s22], [sflag:$0x5] =	stream.indirect_vreg.gather [hbm4b:s6+s3], $0x80, v3, vm0, $0xb8;
	[tilespmem:$0x1F000] =	vst v63  }
0x39b: {  	_ =	swait.ge [sflag:s25], $0x6000  }
0x39c: {  	[sflag:s25] =	ssyncset.done $0x0  }
0x39d: {  	s22 =	rddreg [dreg:$0x15];
	[sflag:s25] =	ssyncadd.s32 $0xFFFFA000  }
0x39e: {  	[hbm4b:s22+s3] =	stream.linear.scatter [tilespmem:s31], [sflag:$0x8], $0x6000, $0x38;
	[tilespmem:$0x1F000] =	vst v63  }
0x39f: {  	_ =	swait.ge [sflag:s14], $0x6000  }
0x3a0: {  	[sflag:s14] =	ssyncset.done $0x0  }
0x3a1: {  	[sflag:s14] =	ssyncadd.s32 $0xFFFFA000  }
0x3a2: {  	v3 =	vld [tilespmem:$0xA00];
	_ =	sdelay $0x4  }
0x3a3: {  	v40 =	vshrl.u32 v3, $0x3  }
0x3a4: {  	v4 =	vmul.u32 $0x30, v40  }
0x3a5: {  	v3 =	vand.u32 $0x7, v3  }
0x3a6: {  	v3 =	vor.u32 v3, v4  }
0x3a7: {  	v4 =	vperm.xlane v3, v0;
	_ =	sdelay $0x1  }
0x3a8: {  	v4 =	vadd.s32 v1, v4;
	_ =	sdelay $0x3  }
0x3a9: {  	v3 =	vperm.xlane v3, v2  }
0x3aa: {  	[tilespmem:s13], [sflag:$0x1] =	stream.indirect_vreg.gather [hbm4b:s2+s3], $0x80, v4, vm0, $0xb8;
	[tilespmem:$0x1F000] =	vst v63  }
0x3ab: {  	s22 =	simm.s32 $0x1800;
	v3 =	vadd.s32 v1, v3  }
0x3ac: {  	[tilespmem:s22], [sflag:$0x1] =	stream.indirect_vreg.gather [hbm4b:s5+s3], $0x80, v4, vm0, $0xb8;
	[tilespmem:$0x1F000] =	vst v63  }
0x3ad: {  	s22 =	simm.s32 $0x2000  }
0x3ae: {  	[tilespmem:s22], [sflag:$0x1] =	stream.indirect_vreg.gather [hbm4b:s6+s3], $0x80, v4, vm0, $0xb8;
	[tilespmem:$0x1F000] =	vst v63  }
0x3af: {  	s22 =	simm.s32 $0x2800  }
0x3b0: {  	[tilespmem:s22], [sflag:$0x1] =	stream.indirect_vreg.gather [hbm4b:s2+s3], $0x80, v3, vm0, $0xb8;
	[tilespmem:$0x1F000] =	vst v63  }
0x3b1: {  	s22 =	simm.s32 $0x3000  }
0x3b2: {  	[tilespmem:s22], [sflag:$0x1] =	stream.indirect_vreg.gather [hbm4b:s5+s3], $0x80, v3, vm0, $0xb8;
	[tilespmem:$0x1F000] =	vst v63  }
0x3b3: {  	s22 =	simm.s32 $0x3800  }
0x3b4: {  	[tilespmem:s22], [sflag:$0x1] =	stream.indirect_vreg.gather [hbm4b:s6+s3], $0x80, v3, vm0, $0xb8;
	[tilespmem:$0x1F000] =	vst v63  }
0x3b5: {  	v3 =	vld [tilespmem:$0xA10];
	_ =	sdelay $0x4  }
0x3b6: {  	v41 =	vshrl.u32 v3, $0x3  }
0x3b7: {  	v4 =	vmul.u32 $0x30, v41  }
0x3b8: {  	v3 =	vand.u32 $0x7, v3  }
0x3b9: {  	v3 =	vor.u32 v3, v4  }
0x3ba: {  	v4 =	vperm.xlane v3, v0;
	_ =	sdelay $0x1  }
0x3bb: {  	v4 =	vadd.s32 v1, v4;
	_ =	sdelay $0x3  }
0x3bc: {  	s22 =	simm.s32 $0x4000;
	v3 =	vperm.xlane v3, v2  }
0x3bd: {  	[tilespmem:s22], [sflag:$0x1] =	stream.indirect_vreg.gather [hbm4b:s2+s3], $0x80, v4, vm0, $0xb8;
	[tilespmem:$0x1F000] =	vst v63  }
0x3be: {  	v3 =	vadd.s32 v1, v3;
	s22 =	simm.s32 $0x4800  }
0x3bf: {  	[tilespmem:s22], [sflag:$0x1] =	stream.indirect_vreg.gather [hbm4b:s5+s3], $0x80, v4, vm0, $0xb8;
	[tilespmem:$0x1F000] =	vst v63  }
0x3c0: {  	s22 =	simm.s32 $0x5000  }
0x3c1: {  	[tilespmem:s22], [sflag:$0x1] =	stream.indirect_vreg.gather [hbm4b:s6+s3], $0x80, v4, vm0, $0xb8;
	[tilespmem:$0x1F000] =	vst v63  }
0x3c2: {  	s22 =	simm.s32 $0x5800  }
0x3c3: {  	[tilespmem:s22], [sflag:$0x1] =	stream.indirect_vreg.gather [hbm4b:s2+s3], $0x80, v3, vm0, $0xb8;
	[tilespmem:$0x1F000] =	vst v63  }
0x3c4: {  	s22 =	simm.s32 $0x6000  }
0x3c5: {  	[tilespmem:s22], [sflag:$0x1] =	stream.indirect_vreg.gather [hbm4b:s5+s3], $0x80, v3, vm0, $0xb8;
	[tilespmem:$0x1F000] =	vst v63  }
0x3c6: {  	s22 =	simm.s32 $0x6800  }
0x3c7: {  	[tilespmem:s22], [sflag:$0x1] =	stream.indirect_vreg.gather [hbm4b:s6+s3], $0x80, v3, vm0, $0xb8;
	[tilespmem:$0x1F000] =	vst v63  }
0x3c8: {  	_ =	swait.ge [sflag:s15], $0x6000  }
0x3c9: {  	[sflag:s15] =	ssyncset.done $0x0  }
0x3ca: {  	s22 =	rddreg [dreg:$0x16];
	[sflag:s15] =	ssyncadd.s32 $0xFFFFA000  }
0x3cb: {  	[hbm4b:s22+s3] =	stream.linear.scatter [tilespmem:s8], [sflag:$0x9], $0x6000, $0x38;
	[tilespmem:$0x1F000] =	vst v63  }
0x3cc: {  	_ =	swait.ge [sflag:s16], $0x6000  }
0x3cd: {  	[sflag:s16] =	ssyncset.done $0x0  }
0x3ce: {  	[sflag:s16] =	ssyncadd.s32 $0xFFFFA000  }
0x3cf: {  	v3 =	vld [tilespmem:$0xA80];
	_ =	sdelay $0x4  }
0x3d0: {  	v42 =	vshrl.u32 v3, $0x3  }
0x3d1: {  	v4 =	vmul.u32 $0x30, v42  }
0x3d2: {  	v3 =	vand.u32 $0x7, v3  }
0x3d3: {  	v3 =	vor.u32 v3, v4  }
0x3d4: {  	v4 =	vperm.xlane v3, v0;
	_ =	sdelay $0x1  }
0x3d5: {  	v4 =	vadd.s32 v1, v4;
	_ =	sdelay $0x3  }
0x3d6: {  	v3 =	vperm.xlane v3, v2  }
0x3d7: {  	[tilespmem:s24], [sflag:$0x2] =	stream.indirect_vreg.gather [hbm4b:s2+s3], $0x80, v4, vm0, $0xb8;
	[tilespmem:$0x1F000] =	vst v63  }
0x3d8: {  	s22 =	simm.s32 $0x7800;
	v3 =	vadd.s32 v1, v3  }
0x3d9: {  	[tilespmem:s22], [sflag:$0x2] =	stream.indirect_vreg.gather [hbm4b:s5+s3], $0x80, v4, vm0, $0xb8;
	[tilespmem:$0x1F000] =	vst v63  }
0x3da: {  	s0 =	simm.s32 $0x8000  }
0x3db: {  	[tilespmem:s0], [sflag:$0x2] =	stream.indirect_vreg.gather [hbm4b:s6+s3], $0x80, v4, vm0, $0xb8;
	[tilespmem:$0x1F000] =	vst v63  }
0x3dc: {  	s4 =	simm.s32 $0x8800  }
0x3dd: {  	[tilespmem:s4], [sflag:$0x2] =	stream.indirect_vreg.gather [hbm4b:s2+s3], $0x80, v3, vm0, $0xb8;
	[tilespmem:$0x1F000] =	vst v63  }
0x3de: {  	s10 =	simm.s32 $0x9000  }
0x3df: {  	[tilespmem:s10], [sflag:$0x2] =	stream.indirect_vreg.gather [hbm4b:s5+s3], $0x80, v3, vm0, $0xb8;
	[tilespmem:$0x1F000] =	vst v63  }
0x3e0: {  	s10 =	simm.s32 $0x9800  }
0x3e1: {  	[tilespmem:s10], [sflag:$0x2] =	stream.indirect_vreg.gather [hbm4b:s6+s3], $0x80, v3, vm0, $0xb8;
	[tilespmem:$0x1F000] =	vst v63  }
0x3e2: {  	v3 =	vld [tilespmem:$0xA90];
	_ =	sdelay $0x4  }
0x3e3: {  	v43 =	vshrl.u32 v3, $0x3  }
0x3e4: {  	v4 =	vmul.u32 $0x30, v43  }
0x3e5: {  	v3 =	vand.u32 $0x7, v3  }
0x3e6: {  	v3 =	vor.u32 v3, v4  }
0x3e7: {  	v4 =	vperm.xlane v3, v0;
	_ =	sdelay $0x1  }
0x3e8: {  	v4 =	vadd.s32 v1, v4;
	_ =	sdelay $0x3  }
0x3e9: {  	s22 =	simm.s32 $0xA000;
	v3 =	vperm.xlane v3, v2  }
0x3ea: {  	[tilespmem:s22], [sflag:$0x2] =	stream.indirect_vreg.gather [hbm4b:s2+s3], $0x80, v4, vm0, $0xb8;
	[tilespmem:$0x1F000] =	vst v63  }
0x3eb: {  	s21 =	simm.s32 $0xA800;
	v3 =	vadd.s32 v1, v3  }
0x3ec: {  	[tilespmem:s21], [sflag:$0x2] =	stream.indirect_vreg.gather [hbm4b:s5+s3], $0x80, v4, vm0, $0xb8;
	[tilespmem:$0x1F000] =	vst v63  }
0x3ed: {  	s4 =	simm.s32 $0xB000  }
0x3ee: {  	[tilespmem:s4], [sflag:$0x2] =	stream.indirect_vreg.gather [hbm4b:s6+s3], $0x80, v4, vm0, $0xb8;
	[tilespmem:$0x1F000] =	vst v63  }
0x3ef: {  	s10 =	simm.s32 $0xB800  }
0x3f0: {  	[tilespmem:s10], [sflag:$0x2] =	stream.indirect_vreg.gather [hbm4b:s2+s3], $0x80, v3, vm0, $0xb8;
	[tilespmem:$0x1F000] =	vst v63  }
0x3f1: {  	s21 =	simm.s32 $0xC000  }
0x3f2: {  	[tilespmem:s21], [sflag:$0x2] =	stream.indirect_vreg.gather [hbm4b:s5+s3], $0x80, v3, vm0, $0xb8;
	[tilespmem:$0x1F000] =	vst v63  }
0x3f3: {  	s22 =	simm.s32 $0xC800  }
0x3f4: {  	[tilespmem:s22], [sflag:$0x2] =	stream.indirect_vreg.gather [hbm4b:s6+s3], $0x80, v3, vm0, $0xb8;
	[tilespmem:$0x1F000] =	vst v63  }
0x3f5: {  	_ =	swait.ge [sflag:s17], $0x6000  }
0x3f6: {  	[sflag:s17] =	ssyncset.done $0x0  }
0x3f7: {  	s4 =	rddreg [dreg:$0x17];
	[sflag:s17] =	ssyncadd.s32 $0xFFFFA000  }
0x3f8: {  	[hbm4b:s4+s3] =	stream.linear.scatter [tilespmem:s1], [sflag:$0xA], $0x6000, $0x38;
	[tilespmem:$0x1F000] =	vst v63  }
0x3f9: {  	_ =	swait.ge [sflag:s18], $0x6000  }
0x3fa: {  	[sflag:s18] =	ssyncset.done $0x0  }
0x3fb: {  	[sflag:s18] =	ssyncadd.s32 $0xFFFFA000  }
0x3fc: {  	v3 =	vld [tilespmem:$0xB00];
	_ =	sdelay $0x4  }
0x3fd: {  	v44 =	vshrl.u32 v3, $0x3  }
0x3fe: {  	v4 =	vmul.u32 $0x30, v44  }
0x3ff: {  	v3 =	vand.u32 $0x7, v3  }
0x400: {  	v3 =	vor.u32 v3, v4  }
0x401: {  	v4 =	vperm.xlane v3, v0;
	_ =	sdelay $0x1  }
0x402: {  	v4 =	vadd.s32 v1, v4;
	_ =	sdelay $0x3  }
0x403: {  	v3 =	vperm.xlane v3, v2  }
0x404: {  	[tilespmem:s31], [sflag:$0x3] =	stream.indirect_vreg.gather [hbm4b:s2+s3], $0x80, v4, vm0, $0xb8;
	[tilespmem:$0x1F000] =	vst v63  }
0x405: {  	s10 =	simm.s32 $0xD800;
	v3 =	vadd.s32 v1, v3  }
0x406: {  	[tilespmem:s10], [sflag:$0x3] =	stream.indirect_vreg.gather [hbm4b:s5+s3], $0x80, v4, vm0, $0xb8;
	[tilespmem:$0x1F000] =	vst v63  }
0x407: {  	s21 =	simm.s32 $0xE000  }
0x408: {  	[tilespmem:s21], [sflag:$0x3] =	stream.indirect_vreg.gather [hbm4b:s6+s3], $0x80, v4, vm0, $0xb8;
	[tilespmem:$0x1F000] =	vst v63  }
0x409: {  	s22 =	simm.s32 $0xE800  }
0x40a: {  	[tilespmem:s22], [sflag:$0x3] =	stream.indirect_vreg.gather [hbm4b:s2+s3], $0x80, v3, vm0, $0xb8;
	[tilespmem:$0x1F000] =	vst v63  }
0x40b: {  	s4 =	simm.s32 $0xF000  }
0x40c: {  	[tilespmem:s4], [sflag:$0x3] =	stream.indirect_vreg.gather [hbm4b:s5+s3], $0x80, v3, vm0, $0xb8;
	[tilespmem:$0x1F000] =	vst v63  }
0x40d: {  	s10 =	simm.s32 $0xF800  }
0x40e: {  	[tilespmem:s10], [sflag:$0x3] =	stream.indirect_vreg.gather [hbm4b:s6+s3], $0x80, v3, vm0, $0xb8;
	[tilespmem:$0x1F000] =	vst v63  }
0x40f: {  	v3 =	vld [tilespmem:$0xB10];
	_ =	sdelay $0x4  }
0x410: {  	v45 =	vshrl.u32 v3, $0x3  }
0x411: {  	v4 =	vmul.u32 $0x30, v45  }
0x412: {  	v3 =	vand.u32 $0x7, v3  }
0x413: {  	v3 =	vor.u32 v3, v4  }
0x414: {  	v4 =	vperm.xlane v3, v0;
	_ =	sdelay $0x1  }
0x415: {  	v4 =	vadd.s32 v1, v4;
	_ =	sdelay $0x3  }
0x416: {  	s21 =	simm.s32 $0x10000;
	v3 =	vperm.xlane v3, v2  }
0x417: {  	[tilespmem:s21], [sflag:$0x3] =	stream.indirect_vreg.gather [hbm4b:s2+s3], $0x80, v4, vm0, $0xb8;
	[tilespmem:$0x1F000] =	vst v63  }
0x418: {  	s22 =	simm.s32 $0x10800;
	v3 =	vadd.s32 v1, v3  }
0x419: {  	[tilespmem:s22], [sflag:$0x3] =	stream.indirect_vreg.gather [hbm4b:s5+s3], $0x80, v4, vm0, $0xb8;
	[tilespmem:$0x1F000] =	vst v63  }
0x41a: {  	s4 =	simm.s32 $0x11000  }
0x41b: {  	[tilespmem:s4], [sflag:$0x3] =	stream.indirect_vreg.gather [hbm4b:s6+s3], $0x80, v4, vm0, $0xb8;
	[tilespmem:$0x1F000] =	vst v63  }
0x41c: {  	s10 =	simm.s32 $0x11800  }
0x41d: {  	[tilespmem:s10], [sflag:$0x3] =	stream.indirect_vreg.gather [hbm4b:s2+s3], $0x80, v3, vm0, $0xb8;
	[tilespmem:$0x1F000] =	vst v63  }
0x41e: {  	s21 =	simm.s32 $0x12000  }
0x41f: {  	[tilespmem:s21], [sflag:$0x3] =	stream.indirect_vreg.gather [hbm4b:s5+s3], $0x80, v3, vm0, $0xb8;
	[tilespmem:$0x1F000] =	vst v63  }
0x420: {  	s22 =	simm.s32 $0x12800  }
0x421: {  	[tilespmem:s22], [sflag:$0x3] =	stream.indirect_vreg.gather [hbm4b:s6+s3], $0x80, v3, vm0, $0xb8;
	[tilespmem:$0x1F000] =	vst v63  }
0x422: {  	_ =	swait.ge [sflag:s11], $0x6000  }
0x423: {  	[sflag:s11] =	ssyncset.done $0x0  }
0x424: {  	s0 =	rddreg [dreg:$0x18];
	[sflag:s11] =	ssyncadd.s32 $0xFFFFA000  }
0x425: {  	[hbm4b:s0+s3] =	stream.linear.scatter [tilespmem:s13], [sflag:$0x6], $0x6000, $0x38;
	[tilespmem:$0x1F000] =	vst v63  }
0x426: {  	_ =	swait.ge [sflag:s19], $0x6000  }
0x427: {  	[sflag:s19] =	ssyncset.done $0x0  }
0x428: {  	[sflag:s19] =	ssyncadd.s32 $0xFFFFA000  }
0x429: {  	v3 =	vld [tilespmem:$0xB80];
	_ =	sdelay $0x4  }
0x42a: {  	v46 =	vshrl.u32 v3, $0x3  }
0x42b: {  	v4 =	vmul.u32 $0x30, v46  }
0x42c: {  	v3 =	vand.u32 $0x7, v3  }
0x42d: {  	v3 =	vor.u32 v3, v4  }
0x42e: {  	v4 =	vperm.xlane v3, v0;
	_ =	sdelay $0x1  }
0x42f: {  	v4 =	vadd.s32 v1, v4;
	_ =	sdelay $0x3  }
0x430: {  	v3 =	vperm.xlane v3, v2  }
0x431: {  	[tilespmem:s8], [sflag:$0x4] =	stream.indirect_vreg.gather [hbm4b:s2+s3], $0x80, v4, vm0, $0xb8;
	[tilespmem:$0x1F000] =	vst v63  }
0x432: {  	s4 =	simm.s32 $0x13800;
	v3 =	vadd.s32 v1, v3  }
0x433: {  	[tilespmem:s4], [sflag:$0x4] =	stream.indirect_vreg.gather [hbm4b:s5+s3], $0x80, v4, vm0, $0xb8;
	[tilespmem:$0x1F000] =	vst v63  }
0x434: {  	s7 =	simm.s32 $0x14000  }
0x435: {  	[tilespmem:s7], [sflag:$0x4] =	stream.indirect_vreg.gather [hbm4b:s6+s3], $0x80, v4, vm0, $0xb8;
	[tilespmem:$0x1F000] =	vst v63  }
0x436: {  	s10 =	simm.s32 $0x14800  }
0x437: {  	[tilespmem:s10], [sflag:$0x4] =	stream.indirect_vreg.gather [hbm4b:s2+s3], $0x80, v3, vm0, $0xb8;
	[tilespmem:$0x1F000] =	vst v63  }
0x438: {  	s9 =	simm.s32 $0x15000  }
0x439: {  	[tilespmem:s9], [sflag:$0x4] =	stream.indirect_vreg.gather [hbm4b:s5+s3], $0x80, v3, vm0, $0xb8;
	[tilespmem:$0x1F000] =	vst v63  }
0x43a: {  	s21 =	simm.s32 $0x15800  }
0x43b: {  	[tilespmem:s21], [sflag:$0x4] =	stream.indirect_vreg.gather [hbm4b:s6+s3], $0x80, v3, vm0, $0xb8;
	[tilespmem:$0x1F000] =	vst v63  }
0x43c: {  	v3 =	vld [tilespmem:$0xB90];
	_ =	sdelay $0x4  }
0x43d: {  	v47 =	vshrl.u32 v3, $0x3  }
0x43e: {  	v4 =	vmul.u32 $0x30, v47  }
0x43f: {  	v3 =	vand.u32 $0x7, v3  }
0x440: {  	v3 =	vor.u32 v3, v4  }
0x441: {  	v4 =	vperm.xlane v3, v0;
	_ =	sdelay $0x1  }
0x442: {  	v4 =	vadd.s32 v1, v4;
	_ =	sdelay $0x3  }
0x443: {  	s22 =	simm.s32 $0x16000;
	v3 =	vperm.xlane v3, v2  }
0x444: {  	[tilespmem:s22], [sflag:$0x4] =	stream.indirect_vreg.gather [hbm4b:s2+s3], $0x80, v4, vm0, $0xb8;
	[tilespmem:$0x1F000] =	vst v63  }
0x445: {  	s28 =	simm.s32 $0x16800;
	v3 =	vadd.s32 v1, v3  }
0x446: {  	[tilespmem:s28], [sflag:$0x4] =	stream.indirect_vreg.gather [hbm4b:s5+s3], $0x80, v4, vm0, $0xb8;
	[tilespmem:$0x1F000] =	vst v63  }
0x447: {  	s23 =	simm.s32 $0x17000  }
0x448: {  	[tilespmem:s23], [sflag:$0x4] =	stream.indirect_vreg.gather [hbm4b:s6+s3], $0x80, v4, vm0, $0xb8;
	[tilespmem:$0x1F000] =	vst v63  }
0x449: {  	s29 =	simm.s32 $0x17800  }
0x44a: {  	[tilespmem:s29], [sflag:$0x4] =	stream.indirect_vreg.gather [hbm4b:s2+s3], $0x80, v3, vm0, $0xb8;
	[tilespmem:$0x1F000] =	vst v63  }
0x44b: {  	s26 =	simm.s32 $0x18000  }
0x44c: {  	[tilespmem:s26], [sflag:$0x4] =	stream.indirect_vreg.gather [hbm4b:s5+s3], $0x80, v3, vm0, $0xb8;
	[tilespmem:$0x1F000] =	vst v63  }
0x44d: {  	s30 =	simm.s32 $0x18800  }
0x44e: {  	[tilespmem:s30], [sflag:$0x4] =	stream.indirect_vreg.gather [hbm4b:s6+s3], $0x80, v3, vm0, $0xb8;
	[tilespmem:$0x1F000] =	vst v63  }
0x44f: {  	_ =	swait.ge [sflag:s12], $0x6000  }
0x450: {  	[sflag:s12] =	ssyncset.done $0x0  }
0x451: {  	s30 =	rddreg [dreg:$0x19];
	[sflag:s12] =	ssyncadd.s32 $0xFFFFA000  }
0x452: {  	[hbm4b:s30+s3] =	stream.linear.scatter [tilespmem:s24], [sflag:$0x7], $0x6000, $0x38;
	[tilespmem:$0x1F000] =	vst v63  }
0x453: {  	_ =	swait.ge [sflag:s20], $0x6000  }
0x454: {  	[sflag:s20] =	ssyncset.done $0x0  }
0x455: {  	[sflag:s20] =	ssyncadd.s32 $0xFFFFA000  }
0x456: {  	v3 =	vld [tilespmem:$0xC00];
	_ =	sdelay $0x4  }
0x457: {  	v48 =	vshrl.u32 v3, $0x3  }
0x458: {  	v4 =	vmul.u32 $0x30, v48  }
0x459: {  	v3 =	vand.u32 $0x7, v3  }
0x45a: {  	v3 =	vor.u32 v3, v4  }
0x45b: {  	v4 =	vperm.xlane v3, v0;
	_ =	sdelay $0x1  }
0x45c: {  	v4 =	vadd.s32 v1, v4;
	_ =	sdelay $0x3  }
0x45d: {  	v3 =	vperm.xlane v3, v2  }
0x45e: {  	[tilespmem:s1], [sflag:$0x5] =	stream.indirect_vreg.gather [hbm4b:s2+s3], $0x80, v4, vm0, $0xb8;
	[tilespmem:$0x1F000] =	vst v63  }
0x45f: {  	s30 =	simm.s32 $0x19800;
	v3 =	vadd.s32 v1, v3  }
0x460: {  	[tilespmem:s30], [sflag:$0x5] =	stream.indirect_vreg.gather [hbm4b:s5+s3], $0x80, v4, vm0, $0xb8;
	[tilespmem:$0x1F000] =	vst v63  }
0x461: {  	s22 =	simm.s32 $0x1A000  }
0x462: {  	[tilespmem:s22], [sflag:$0x5] =	stream.indirect_vreg.gather [hbm4b:s6+s3], $0x80, v4, vm0, $0xb8;
	[tilespmem:$0x1F000] =	vst v63  }
0x463: {  	s22 =	simm.s32 $0x1A800  }
0x464: {  	[tilespmem:s22], [sflag:$0x5] =	stream.indirect_vreg.gather [hbm4b:s2+s3], $0x80, v3, vm0, $0xb8;
	[tilespmem:$0x1F000] =	vst v63  }
0x465: {  	s22 =	simm.s32 $0x1B000  }
0x466: {  	[tilespmem:s22], [sflag:$0x5] =	stream.indirect_vreg.gather [hbm4b:s5+s3], $0x80, v3, vm0, $0xb8;
	[tilespmem:$0x1F000] =	vst v63  }
0x467: {  	s22 =	simm.s32 $0x1B800  }
0x468: {  	[tilespmem:s22], [sflag:$0x5] =	stream.indirect_vreg.gather [hbm4b:s6+s3], $0x80, v3, vm0, $0xb8;
	[tilespmem:$0x1F000] =	vst v63  }
0x469: {  	v3 =	vld [tilespmem:$0xC10];
	_ =	sdelay $0x4  }
0x46a: {  	v49 =	vshrl.u32 v3, $0x3  }
0x46b: {  	v4 =	vmul.u32 $0x30, v49  }
0x46c: {  	v3 =	vand.u32 $0x7, v3  }
0x46d: {  	v3 =	vor.u32 v3, v4  }
0x46e: {  	v4 =	vperm.xlane v3, v0;
	_ =	sdelay $0x1  }
0x46f: {  	v4 =	vadd.s32 v1, v4;
	_ =	sdelay $0x3  }
0x470: {  	s22 =	simm.s32 $0x1C000;
	v3 =	vperm.xlane v3, v2  }
0x471: {  	[tilespmem:s22], [sflag:$0x5] =	stream.indirect_vreg.gather [hbm4b:s2+s3], $0x80, v4, vm0, $0xb8;
	[tilespmem:$0x1F000] =	vst v63  }
0x472: {  	v3 =	vadd.s32 v1, v3;
	s22 =	simm.s32 $0x1C800  }
0x473: {  	[tilespmem:s22], [sflag:$0x5] =	stream.indirect_vreg.gather [hbm4b:s5+s3], $0x80, v4, vm0, $0xb8;
	[tilespmem:$0x1F000] =	vst v63  }
0x474: {  	s22 =	simm.s32 $0x1D000  }
0x475: {  	[tilespmem:s22], [sflag:$0x5] =	stream.indirect_vreg.gather [hbm4b:s6+s3], $0x80, v4, vm0, $0xb8;
	[tilespmem:$0x1F000] =	vst v63  }
0x476: {  	s22 =	simm.s32 $0x1D800  }
0x477: {  	[tilespmem:s22], [sflag:$0x5] =	stream.indirect_vreg.gather [hbm4b:s2+s3], $0x80, v3, vm0, $0xb8;
	[tilespmem:$0x1F000] =	vst v63  }
0x478: {  	s22 =	simm.s32 $0x1E000  }
0x479: {  	[tilespmem:s22], [sflag:$0x5] =	stream.indirect_vreg.gather [hbm4b:s5+s3], $0x80, v3, vm0, $0xb8;
	[tilespmem:$0x1F000] =	vst v63  }
0x47a: {  	s22 =	simm.s32 $0x1E800  }
0x47b: {  	[tilespmem:s22], [sflag:$0x5] =	stream.indirect_vreg.gather [hbm4b:s6+s3], $0x80, v3, vm0, $0xb8;
	[tilespmem:$0x1F000] =	vst v63  }
0x47c: {  	_ =	swait.ge [sflag:s25], $0x6000  }
0x47d: {  	[sflag:s25] =	ssyncset.done $0x0  }
0x47e: {  	s22 =	rddreg [dreg:$0x1a];
	[sflag:s25] =	ssyncadd.s32 $0xFFFFA000  }
0x47f: {  	[hbm4b:s22+s3] =	stream.linear.scatter [tilespmem:s31], [sflag:$0x8], $0x6000, $0x38;
	[tilespmem:$0x1F000] =	vst v63  }
0x480: {  	_ =	swait.ge [sflag:s14], $0x6000  }
0x481: {  	[sflag:s14] =	ssyncset.done $0x0  }
0x482: {  	[sflag:s14] =	ssyncadd.s32 $0xFFFFA000  }
0x483: {  	v3 =	vld [tilespmem:$0xC80];
	_ =	sdelay $0x4  }
0x484: {  	v50 =	vshrl.u32 v3, $0x3  }
0x485: {  	v4 =	vmul.u32 $0x30, v50  }
0x486: {  	v3 =	vand.u32 $0x7, v3  }
0x487: {  	v3 =	vor.u32 v3, v4  }
0x488: {  	v4 =	vperm.xlane v3, v0;
	_ =	sdelay $0x1  }
0x489: {  	v4 =	vadd.s32 v1, v4;
	_ =	sdelay $0x3  }
0x48a: {  	v3 =	vperm.xlane v3, v2  }
0x48b: {  	[tilespmem:s13], [sflag:$0x1] =	stream.indirect_vreg.gather [hbm4b:s2+s3], $0x80, v4, vm0, $0xb8;
	[tilespmem:$0x1F000] =	vst v63  }
0x48c: {  	s22 =	simm.s32 $0x1800;
	v3 =	vadd.s32 v1, v3  }
0x48d: {  	[tilespmem:s22], [sflag:$0x1] =	stream.indirect_vreg.gather [hbm4b:s5+s3], $0x80, v4, vm0, $0xb8;
	[tilespmem:$0x1F000] =	vst v63  }
0x48e: {  	s22 =	simm.s32 $0x2000  }
0x48f: {  	[tilespmem:s22], [sflag:$0x1] =	stream.indirect_vreg.gather [hbm4b:s6+s3], $0x80, v4, vm0, $0xb8;
	[tilespmem:$0x1F000] =	vst v63  }
0x490: {  	s22 =	simm.s32 $0x2800  }
0x491: {  	[tilespmem:s22], [sflag:$0x1] =	stream.indirect_vreg.gather [hbm4b:s2+s3], $0x80, v3, vm0, $0xb8;
	[tilespmem:$0x1F000] =	vst v63  }
0x492: {  	s22 =	simm.s32 $0x3000  }
0x493: {  	[tilespmem:s22], [sflag:$0x1] =	stream.indirect_vreg.gather [hbm4b:s5+s3], $0x80, v3, vm0, $0xb8;
	[tilespmem:$0x1F000] =	vst v63  }
0x494: {  	s22 =	simm.s32 $0x3800  }
0x495: {  	[tilespmem:s22], [sflag:$0x1] =	stream.indirect_vreg.gather [hbm4b:s6+s3], $0x80, v3, vm0, $0xb8;
	[tilespmem:$0x1F000] =	vst v63  }
0x496: {  	v3 =	vld [tilespmem:$0xC90];
	_ =	sdelay $0x4  }
0x497: {  	v51 =	vshrl.u32 v3, $0x3  }
0x498: {  	v4 =	vmul.u32 $0x30, v51  }
0x499: {  	v3 =	vand.u32 $0x7, v3  }
0x49a: {  	v3 =	vor.u32 v3, v4  }
0x49b: {  	v4 =	vperm.xlane v3, v0;
	_ =	sdelay $0x1  }
0x49c: {  	v4 =	vadd.s32 v1, v4;
	_ =	sdelay $0x3  }
0x49d: {  	s22 =	simm.s32 $0x4000;
	v3 =	vperm.xlane v3, v2  }
0x49e: {  	[tilespmem:s22], [sflag:$0x1] =	stream.indirect_vreg.gather [hbm4b:s2+s3], $0x80, v4, vm0, $0xb8;
	[tilespmem:$0x1F000] =	vst v63  }
0x49f: {  	v3 =	vadd.s32 v1, v3;
	s22 =	simm.s32 $0x4800  }
0x4a0: {  	[tilespmem:s22], [sflag:$0x1] =	stream.indirect_vreg.gather [hbm4b:s5+s3], $0x80, v4, vm0, $0xb8;
	[tilespmem:$0x1F000] =	vst v63  }
0x4a1: {  	s22 =	simm.s32 $0x5000  }
0x4a2: {  	[tilespmem:s22], [sflag:$0x1] =	stream.indirect_vreg.gather [hbm4b:s6+s3], $0x80, v4, vm0, $0xb8;
	[tilespmem:$0x1F000] =	vst v63  }
0x4a3: {  	s22 =	simm.s32 $0x5800  }
0x4a4: {  	[tilespmem:s22], [sflag:$0x1] =	stream.indirect_vreg.gather [hbm4b:s2+s3], $0x80, v3, vm0, $0xb8;
	[tilespmem:$0x1F000] =	vst v63  }
0x4a5: {  	s22 =	simm.s32 $0x6000  }
0x4a6: {  	[tilespmem:s22], [sflag:$0x1] =	stream.indirect_vreg.gather [hbm4b:s5+s3], $0x80, v3, vm0, $0xb8;
	[tilespmem:$0x1F000] =	vst v63  }
0x4a7: {  	s22 =	simm.s32 $0x6800  }
0x4a8: {  	[tilespmem:s22], [sflag:$0x1] =	stream.indirect_vreg.gather [hbm4b:s6+s3], $0x80, v3, vm0, $0xb8;
	[tilespmem:$0x1F000] =	vst v63  }
0x4a9: {  	_ =	swait.ge [sflag:s15], $0x6000  }
0x4aa: {  	[sflag:s15] =	ssyncset.done $0x0  }
0x4ab: {  	s22 =	rddreg [dreg:$0x1b];
	[sflag:s15] =	ssyncadd.s32 $0xFFFFA000  }
0x4ac: {  	[hbm4b:s22+s3] =	stream.linear.scatter [tilespmem:s8], [sflag:$0x9], $0x6000, $0x38;
	[tilespmem:$0x1F000] =	vst v63  }
0x4ad: {  	_ =	swait.ge [sflag:s16], $0x6000  }
0x4ae: {  	[sflag:s16] =	ssyncset.done $0x0  }
0x4af: {  	[sflag:s16] =	ssyncadd.s32 $0xFFFFA000  }
0x4b0: {  	v3 =	vld [tilespmem:$0xD00];
	_ =	sdelay $0x4  }
0x4b1: {  	v52 =	vshrl.u32 v3, $0x3  }
0x4b2: {  	v4 =	vmul.u32 $0x30, v52  }
0x4b3: {  	v3 =	vand.u32 $0x7, v3  }
0x4b4: {  	v3 =	vor.u32 v3, v4  }
0x4b5: {  	v4 =	vperm.xlane v3, v0;
	_ =	sdelay $0x1  }
0x4b6: {  	v4 =	vadd.s32 v1, v4;
	_ =	sdelay $0x3  }
0x4b7: {  	v3 =	vperm.xlane v3, v2  }
0x4b8: {  	[tilespmem:s24], [sflag:$0x2] =	stream.indirect_vreg.gather [hbm4b:s2+s3], $0x80, v4, vm0, $0xb8;
	[tilespmem:$0x1F000] =	vst v63  }
0x4b9: {  	s22 =	simm.s32 $0x7800;
	v3 =	vadd.s32 v1, v3  }
0x4ba: {  	[tilespmem:s22], [sflag:$0x2] =	stream.indirect_vreg.gather [hbm4b:s5+s3], $0x80, v4, vm0, $0xb8;
	[tilespmem:$0x1F000] =	vst v63  }
0x4bb: {  	s22 =	simm.s32 $0x8000  }
0x4bc: {  	[tilespmem:s22], [sflag:$0x2] =	stream.indirect_vreg.gather [hbm4b:s6+s3], $0x80, v4, vm0, $0xb8;
	[tilespmem:$0x1F000] =	vst v63  }
0x4bd: {  	s22 =	simm.s32 $0x8800  }
0x4be: {  	[tilespmem:s22], [sflag:$0x2] =	stream.indirect_vreg.gather [hbm4b:s2+s3], $0x80, v3, vm0, $0xb8;
	[tilespmem:$0x1F000] =	vst v63  }
0x4bf: {  	s22 =	simm.s32 $0x9000  }
0x4c0: {  	[tilespmem:s22], [sflag:$0x2] =	stream.indirect_vreg.gather [hbm4b:s5+s3], $0x80, v3, vm0, $0xb8;
	[tilespmem:$0x1F000] =	vst v63  }
0x4c1: {  	s22 =	simm.s32 $0x9800  }
0x4c2: {  	[tilespmem:s22], [sflag:$0x2] =	stream.indirect_vreg.gather [hbm4b:s6+s3], $0x80, v3, vm0, $0xb8;
	[tilespmem:$0x1F000] =	vst v63  }
0x4c3: {  	v3 =	vld [tilespmem:$0xD10];
	_ =	sdelay $0x4  }
0x4c4: {  	v53 =	vshrl.u32 v3, $0x3  }
0x4c5: {  	v4 =	vmul.u32 $0x30, v53  }
0x4c6: {  	v3 =	vand.u32 $0x7, v3  }
0x4c7: {  	v3 =	vor.u32 v3, v4  }
0x4c8: {  	v4 =	vperm.xlane v3, v0;
	_ =	sdelay $0x1  }
0x4c9: {  	v4 =	vadd.s32 v1, v4;
	_ =	sdelay $0x3  }
0x4ca: {  	s22 =	simm.s32 $0xA000;
	v3 =	vperm.xlane v3, v2  }
0x4cb: {  	[tilespmem:s22], [sflag:$0x2] =	stream.indirect_vreg.gather [hbm4b:s2+s3], $0x80, v4, vm0, $0xb8;
	[tilespmem:$0x1F000] =	vst v63  }
0x4cc: {  	v3 =	vadd.s32 v1, v3;
	s22 =	simm.s32 $0xA800  }
0x4cd: {  	[tilespmem:s22], [sflag:$0x2] =	stream.indirect_vreg.gather [hbm4b:s5+s3], $0x80, v4, vm0, $0xb8;
	[tilespmem:$0x1F000] =	vst v63  }
0x4ce: {  	s22 =	simm.s32 $0xB000  }
0x4cf: {  	[tilespmem:s22], [sflag:$0x2] =	stream.indirect_vreg.gather [hbm4b:s6+s3], $0x80, v4, vm0, $0xb8;
	[tilespmem:$0x1F000] =	vst v63  }
0x4d0: {  	s22 =	simm.s32 $0xB800  }
0x4d1: {  	[tilespmem:s22], [sflag:$0x2] =	stream.indirect_vreg.gather [hbm4b:s2+s3], $0x80, v3, vm0, $0xb8;
	[tilespmem:$0x1F000] =	vst v63  }
0x4d2: {  	s22 =	simm.s32 $0xC000  }
0x4d3: {  	[tilespmem:s22], [sflag:$0x2] =	stream.indirect_vreg.gather [hbm4b:s5+s3], $0x80, v3, vm0, $0xb8;
	[tilespmem:$0x1F000] =	vst v63  }
0x4d4: {  	s22 =	simm.s32 $0xC800  }
0x4d5: {  	[tilespmem:s22], [sflag:$0x2] =	stream.indirect_vreg.gather [hbm4b:s6+s3], $0x80, v3, vm0, $0xb8;
	[tilespmem:$0x1F000] =	vst v63  }
0x4d6: {  	_ =	swait.ge [sflag:s17], $0x6000  }
0x4d7: {  	[sflag:s17] =	ssyncset.done $0x0  }
0x4d8: {  	s22 =	rddreg [dreg:$0x1c];
	[sflag:s17] =	ssyncadd.s32 $0xFFFFA000  }
0x4d9: {  	[hbm4b:s22+s3] =	stream.linear.scatter [tilespmem:s1], [sflag:$0xA], $0x6000, $0x38;
	[tilespmem:$0x1F000] =	vst v63  }
0x4da: {  	_ =	swait.ge [sflag:s18], $0x6000  }
0x4db: {  	[sflag:s18] =	ssyncset.done $0x0  }
0x4dc: {  	[sflag:s18] =	ssyncadd.s32 $0xFFFFA000  }
0x4dd: {  	v3 =	vld [tilespmem:$0xD80];
	_ =	sdelay $0x4  }
0x4de: {  	v54 =	vshrl.u32 v3, $0x3  }
0x4df: {  	v4 =	vmul.u32 $0x30, v54  }
0x4e0: {  	v3 =	vand.u32 $0x7, v3  }
0x4e1: {  	v3 =	vor.u32 v3, v4  }
0x4e2: {  	v4 =	vperm.xlane v3, v0;
	_ =	sdelay $0x1  }
0x4e3: {  	v4 =	vadd.s32 v1, v4;
	_ =	sdelay $0x3  }
0x4e4: {  	v3 =	vperm.xlane v3, v2  }
0x4e5: {  	[tilespmem:s31], [sflag:$0x3] =	stream.indirect_vreg.gather [hbm4b:s2+s3], $0x80, v4, vm0, $0xb8;
	[tilespmem:$0x1F000] =	vst v63  }
0x4e6: {  	s22 =	simm.s32 $0xD800;
	v3 =	vadd.s32 v1, v3  }
0x4e7: {  	[tilespmem:s22], [sflag:$0x3] =	stream.indirect_vreg.gather [hbm4b:s5+s3], $0x80, v4, vm0, $0xb8;
	[tilespmem:$0x1F000] =	vst v63  }
0x4e8: {  	s22 =	simm.s32 $0xE000  }
0x4e9: {  	[tilespmem:s22], [sflag:$0x3] =	stream.indirect_vreg.gather [hbm4b:s6+s3], $0x80, v4, vm0, $0xb8;
	[tilespmem:$0x1F000] =	vst v63  }
0x4ea: {  	s22 =	simm.s32 $0xE800  }
0x4eb: {  	[tilespmem:s22], [sflag:$0x3] =	stream.indirect_vreg.gather [hbm4b:s2+s3], $0x80, v3, vm0, $0xb8;
	[tilespmem:$0x1F000] =	vst v63  }
0x4ec: {  	s22 =	simm.s32 $0xF000  }
0x4ed: {  	[tilespmem:s22], [sflag:$0x3] =	stream.indirect_vreg.gather [hbm4b:s5+s3], $0x80, v3, vm0, $0xb8;
	[tilespmem:$0x1F000] =	vst v63  }
0x4ee: {  	s22 =	simm.s32 $0xF800  }
0x4ef: {  	[tilespmem:s22], [sflag:$0x3] =	stream.indirect_vreg.gather [hbm4b:s6+s3], $0x80, v3, vm0, $0xb8;
	[tilespmem:$0x1F000] =	vst v63  }
0x4f0: {  	v3 =	vld [tilespmem:$0xD90];
	_ =	sdelay $0x4  }
0x4f1: {  	v55 =	vshrl.u32 v3, $0x3  }
0x4f2: {  	v4 =	vmul.u32 $0x30, v55  }
0x4f3: {  	v3 =	vand.u32 $0x7, v3  }
0x4f4: {  	v3 =	vor.u32 v3, v4  }
0x4f5: {  	v4 =	vperm.xlane v3, v0;
	_ =	sdelay $0x1  }
0x4f6: {  	v4 =	vadd.s32 v1, v4;
	_ =	sdelay $0x3  }
0x4f7: {  	s22 =	simm.s32 $0x10000;
	v3 =	vperm.xlane v3, v2  }
0x4f8: {  	[tilespmem:s22], [sflag:$0x3] =	stream.indirect_vreg.gather [hbm4b:s2+s3], $0x80, v4, vm0, $0xb8;
	[tilespmem:$0x1F000] =	vst v63  }
0x4f9: {  	v3 =	vadd.s32 v1, v3;
	s22 =	simm.s32 $0x10800  }
0x4fa: {  	[tilespmem:s22], [sflag:$0x3] =	stream.indirect_vreg.gather [hbm4b:s5+s3], $0x80, v4, vm0, $0xb8;
	[tilespmem:$0x1F000] =	vst v63  }
0x4fb: {  	s22 =	simm.s32 $0x11000  }
0x4fc: {  	[tilespmem:s22], [sflag:$0x3] =	stream.indirect_vreg.gather [hbm4b:s6+s3], $0x80, v4, vm0, $0xb8;
	[tilespmem:$0x1F000] =	vst v63  }
0x4fd: {  	s22 =	simm.s32 $0x11800  }
0x4fe: {  	[tilespmem:s22], [sflag:$0x3] =	stream.indirect_vreg.gather [hbm4b:s2+s3], $0x80, v3, vm0, $0xb8;
	[tilespmem:$0x1F000] =	vst v63  }
0x4ff: {  	s22 =	simm.s32 $0x12000  }
0x500: {  	[tilespmem:s22], [sflag:$0x3] =	stream.indirect_vreg.gather [hbm4b:s5+s3], $0x80, v3, vm0, $0xb8;
	[tilespmem:$0x1F000] =	vst v63  }
0x501: {  	s22 =	simm.s32 $0x12800  }
0x502: {  	[tilespmem:s22], [sflag:$0x3] =	stream.indirect_vreg.gather [hbm4b:s6+s3], $0x80, v3, vm0, $0xb8;
	[tilespmem:$0x1F000] =	vst v63  }
0x503: {  	_ =	swait.ge [sflag:s11], $0x6000  }
0x504: {  	[sflag:s11] =	ssyncset.done $0x0  }
0x505: {  	s22 =	rddreg [dreg:$0x1d];
	[sflag:s11] =	ssyncadd.s32 $0xFFFFA000  }
0x506: {  	[hbm4b:s22+s3] =	stream.linear.scatter [tilespmem:s13], [sflag:$0x6], $0x6000, $0x38;
	[tilespmem:$0x1F000] =	vst v63  }
0x507: {  	_ =	swait.ge [sflag:s19], $0x6000  }
0x508: {  	[sflag:s19] =	ssyncset.done $0x0  }
0x509: {  	[sflag:s19] =	ssyncadd.s32 $0xFFFFA000  }
0x50a: {  	v3 =	vld [tilespmem:$0xE00];
	_ =	sdelay $0x4  }
0x50b: {  	v56 =	vshrl.u32 v3, $0x3  }
0x50c: {  	v4 =	vmul.u32 $0x30, v56  }
0x50d: {  	v3 =	vand.u32 $0x7, v3  }
0x50e: {  	v3 =	vor.u32 v3, v4  }
0x50f: {  	v4 =	vperm.xlane v3, v0;
	_ =	sdelay $0x1  }
0x510: {  	v4 =	vadd.s32 v1, v4;
	_ =	sdelay $0x3  }
0x511: {  	v3 =	vperm.xlane v3, v2  }
0x512: {  	[tilespmem:s8], [sflag:$0x4] =	stream.indirect_vreg.gather [hbm4b:s2+s3], $0x80, v4, vm0, $0xb8;
	[tilespmem:$0x1F000] =	vst v63  }
0x513: {  	s22 =	simm.s32 $0x13800;
	v3 =	vadd.s32 v1, v3  }
0x514: {  	[tilespmem:s22], [sflag:$0x4] =	stream.indirect_vreg.gather [hbm4b:s5+s3], $0x80, v4, vm0, $0xb8;
	[tilespmem:$0x1F000] =	vst v63  }
0x515: {  	s0 =	simm.s32 $0x14000  }
0x516: {  	[tilespmem:s0], [sflag:$0x4] =	stream.indirect_vreg.gather [hbm4b:s6+s3], $0x80, v4, vm0, $0xb8;
	[tilespmem:$0x1F000] =	vst v63  }
0x517: {  	s7 =	simm.s32 $0x14800  }
0x518: {  	[tilespmem:s7], [sflag:$0x4] =	stream.indirect_vreg.gather [hbm4b:s2+s3], $0x80, v3, vm0, $0xb8;
	[tilespmem:$0x1F000] =	vst v63  }
0x519: {  	s4 =	simm.s32 $0x15000  }
0x51a: {  	[tilespmem:s4], [sflag:$0x4] =	stream.indirect_vreg.gather [hbm4b:s5+s3], $0x80, v3, vm0, $0xb8;
	[tilespmem:$0x1F000] =	vst v63  }
0x51b: {  	s10 =	simm.s32 $0x15800  }
0x51c: {  	[tilespmem:s10], [sflag:$0x4] =	stream.indirect_vreg.gather [hbm4b:s6+s3], $0x80, v3, vm0, $0xb8;
	[tilespmem:$0x1F000] =	vst v63  }
0x51d: {  	v3 =	vld [tilespmem:$0xE10];
	_ =	sdelay $0x4  }
0x51e: {  	v57 =	vshrl.u32 v3, $0x3  }
0x51f: {  	v4 =	vmul.u32 $0x30, v57  }
0x520: {  	v3 =	vand.u32 $0x7, v3  }
0x521: {  	v3 =	vor.u32 v3, v4  }
0x522: {  	v4 =	vperm.xlane v3, v0;
	_ =	sdelay $0x1  }
0x523: {  	v4 =	vadd.s32 v1, v4;
	_ =	sdelay $0x3  }
0x524: {  	s21 =	simm.s32 $0x16000;
	v3 =	vperm.xlane v3, v2  }
0x525: {  	[tilespmem:s21], [sflag:$0x4] =	stream.indirect_vreg.gather [hbm4b:s2+s3], $0x80, v4, vm0, $0xb8;
	[tilespmem:$0x1F000] =	vst v63  }
0x526: {  	s9 =	simm.s32 $0x16800;
	v3 =	vadd.s32 v1, v3  }
0x527: {  	[tilespmem:s9], [sflag:$0x4] =	stream.indirect_vreg.gather [hbm4b:s5+s3], $0x80, v4, vm0, $0xb8;
	[tilespmem:$0x1F000] =	vst v63  }
0x528: {  	s28 =	simm.s32 $0x17000  }
0x529: {  	[tilespmem:s28], [sflag:$0x4] =	stream.indirect_vreg.gather [hbm4b:s6+s3], $0x80, v4, vm0, $0xb8;
	[tilespmem:$0x1F000] =	vst v63  }
0x52a: {  	s23 =	simm.s32 $0x17800  }
0x52b: {  	[tilespmem:s23], [sflag:$0x4] =	stream.indirect_vreg.gather [hbm4b:s2+s3], $0x80, v3, vm0, $0xb8;
	[tilespmem:$0x1F000] =	vst v63  }
0x52c: {  	s29 =	simm.s32 $0x18000  }
0x52d: {  	[tilespmem:s29], [sflag:$0x4] =	stream.indirect_vreg.gather [hbm4b:s5+s3], $0x80, v3, vm0, $0xb8;
	[tilespmem:$0x1F000] =	vst v63  }
0x52e: {  	s26 =	simm.s32 $0x18800  }
0x52f: {  	[tilespmem:s26], [sflag:$0x4] =	stream.indirect_vreg.gather [hbm4b:s6+s3], $0x80, v3, vm0, $0xb8;
	[tilespmem:$0x1F000] =	vst v63  }
0x530: {  	_ =	swait.ge [sflag:s12], $0x6000  }
0x531: {  	[sflag:s12] =	ssyncset.done $0x0  }
0x532: {  	s26 =	rddreg [dreg:$0x1e];
	[sflag:s12] =	ssyncadd.s32 $0xFFFFA000  }
0x533: {  	[hbm4b:s26+s3] =	stream.linear.scatter [tilespmem:s24], [sflag:$0x7], $0x6000, $0x38;
	[tilespmem:$0x1F000] =	vst v63  }
0x534: {  	_ =	swait.ge [sflag:s20], $0x6000  }
0x535: {  	[sflag:s20] =	ssyncset.done $0x0  }
0x536: {  	[sflag:s20] =	ssyncadd.s32 $0xFFFFA000  }
0x537: {  	v3 =	vld [tilespmem:$0xE80];
	_ =	sdelay $0x4  }
0x538: {  	v58 =	vshrl.u32 v3, $0x3  }
0x539: {  	v4 =	vmul.u32 $0x30, v58  }
0x53a: {  	v3 =	vand.u32 $0x7, v3  }
0x53b: {  	v3 =	vor.u32 v3, v4  }
0x53c: {  	v4 =	vperm.xlane v3, v0;
	_ =	sdelay $0x1  }
0x53d: {  	v4 =	vadd.s32 v1, v4;
	_ =	sdelay $0x3  }
0x53e: {  	v3 =	vperm.xlane v3, v2  }
0x53f: {  	[tilespmem:s1], [sflag:$0x5] =	stream.indirect_vreg.gather [hbm4b:s2+s3], $0x80, v4, vm0, $0xb8;
	[tilespmem:$0x1F000] =	vst v63  }
0x540: {  	s30 =	simm.s32 $0x19800;
	v3 =	vadd.s32 v1, v3  }
0x541: {  	[tilespmem:s30], [sflag:$0x5] =	stream.indirect_vreg.gather [hbm4b:s5+s3], $0x80, v4, vm0, $0xb8;
	[tilespmem:$0x1F000] =	vst v63  }
0x542: {  	s28 =	simm.s32 $0x1A000  }
0x543: {  	[tilespmem:s28], [sflag:$0x5] =	stream.indirect_vreg.gather [hbm4b:s6+s3], $0x80, v4, vm0, $0xb8;
	[tilespmem:$0x1F000] =	vst v63  }
0x544: {  	s29 =	simm.s32 $0x1A800  }
0x545: {  	[tilespmem:s29], [sflag:$0x5] =	stream.indirect_vreg.gather [hbm4b:s2+s3], $0x80, v3, vm0, $0xb8;
	[tilespmem:$0x1F000] =	vst v63  }
0x546: {  	s30 =	simm.s32 $0x1B000  }
0x547: {  	[tilespmem:s30], [sflag:$0x5] =	stream.indirect_vreg.gather [hbm4b:s5+s3], $0x80, v3, vm0, $0xb8;
	[tilespmem:$0x1F000] =	vst v63  }
0x548: {  	s7 =	simm.s32 $0x1B800  }
0x549: {  	[tilespmem:s7], [sflag:$0x5] =	stream.indirect_vreg.gather [hbm4b:s6+s3], $0x80, v3, vm0, $0xb8;
	[tilespmem:$0x1F000] =	vst v63  }
0x54a: {  	v3 =	vld [tilespmem:$0xE90];
	_ =	sdelay $0x4  }
0x54b: {  	v59 =	vshrl.u32 v3, $0x3  }
0x54c: {  	v4 =	vmul.u32 $0x30, v59  }
0x54d: {  	v3 =	vand.u32 $0x7, v3  }
0x54e: {  	v3 =	vor.u32 v3, v4  }
0x54f: {  	v4 =	vperm.xlane v3, v0;
	_ =	sdelay $0x1  }
0x550: {  	v4 =	vadd.s32 v1, v4;
	_ =	sdelay $0x3  }
0x551: {  	s9 =	simm.s32 $0x1C000;
	v3 =	vperm.xlane v3, v2  }
0x552: {  	[tilespmem:s9], [sflag:$0x5] =	stream.indirect_vreg.gather [hbm4b:s2+s3], $0x80, v4, vm0, $0xb8;
	[tilespmem:$0x1F000] =	vst v63  }
0x553: {  	s10 =	simm.s32 $0x1C800;
	v3 =	vadd.s32 v1, v3  }
0x554: {  	[tilespmem:s10], [sflag:$0x5] =	stream.indirect_vreg.gather [hbm4b:s5+s3], $0x80, v4, vm0, $0xb8;
	[tilespmem:$0x1F000] =	vst v63  }
0x555: {  	s21 =	simm.s32 $0x1D000  }
0x556: {  	[tilespmem:s21], [sflag:$0x5] =	stream.indirect_vreg.gather [hbm4b:s6+s3], $0x80, v4, vm0, $0xb8;
	[tilespmem:$0x1F000] =	vst v63  }
0x557: {  	s22 =	simm.s32 $0x1D800  }
0x558: {  	[tilespmem:s22], [sflag:$0x5] =	stream.indirect_vreg.gather [hbm4b:s2+s3], $0x80, v3, vm0, $0xb8;
	[tilespmem:$0x1F000] =	vst v63  }
0x559: {  	s23 =	simm.s32 $0x1E000  }
0x55a: {  	[tilespmem:s23], [sflag:$0x5] =	stream.indirect_vreg.gather [hbm4b:s5+s3], $0x80, v3, vm0, $0xb8;
	[tilespmem:$0x1F000] =	vst v63  }
0x55b: {  	s26 =	simm.s32 $0x1E800  }
0x55c: {  	[tilespmem:s26], [sflag:$0x5] =	stream.indirect_vreg.gather [hbm4b:s6+s3], $0x80, v3, vm0, $0xb8;
	[tilespmem:$0x1F000] =	vst v63  }
0x55d: {  	s0 =	sld [smem:$0x7F8];
	_ =	swait.ge [sflag:s25], $0x6000  }
0x55e: {  	[sflag:s25] =	ssyncset.done $0x0  }
0x55f: {  	s28 =	rddreg [dreg:$0x1f];
	[sflag:s25] =	ssyncadd.s32 $0xFFFFA000  }
0x560: {  	[hbm4b:s28+s3] =	stream.linear.scatter [tilespmem:s31], [sflag:$0x8], $0x6000, $0x38;
	[tilespmem:$0x1F000] =	vst v63  }
0x561: {  	_ =	swait.ge [sflag:s14], $0x6000  }
0x562: {  	[sflag:s14] =	ssyncset.done $0x0  }
0x563: {  	[sflag:s14] =	ssyncadd.s32 $0xFFFFA000  }
0x564: {  	v3 =	vld [tilespmem:$0xF00];
	_ =	sdelay $0x4  }
0x565: {  	v60 =	vshrl.u32 v3, $0x3  }
0x566: {  	v4 =	vmul.u32 $0x30, v60  }
0x567: {  	v3 =	vand.u32 $0x7, v3  }
0x568: {  	v3 =	vor.u32 v3, v4  }
0x569: {  	v4 =	vperm.xlane v3, v0;
	_ =	sdelay $0x1  }
0x56a: {  	v4 =	vadd.s32 v1, v4;
	_ =	sdelay $0x3  }
0x56b: {  	v3 =	vperm.xlane v3, v2  }
0x56c: {  	[tilespmem:s13], [sflag:$0x1] =	stream.indirect_vreg.gather [hbm4b:s2+s3], $0x80, v4, vm0, $0xb8;
	[tilespmem:$0x1F000] =	vst v63  }
0x56d: {  	s29 =	simm.s32 $0x1800;
	v3 =	vadd.s32 v1, v3  }
0x56e: {  	[tilespmem:s29], [sflag:$0x1] =	stream.indirect_vreg.gather [hbm4b:s5+s3], $0x80, v4, vm0, $0xb8;
	[tilespmem:$0x1F000] =	vst v63  }
0x56f: {  	s30 =	simm.s32 $0x2000  }
0x570: {  	[tilespmem:s30], [sflag:$0x1] =	stream.indirect_vreg.gather [hbm4b:s6+s3], $0x80, v4, vm0, $0xb8;
	[tilespmem:$0x1F000] =	vst v63  }
0x571: {  	s31 =	simm.s32 $0x2800  }
0x572: {  	[tilespmem:s31], [sflag:$0x1] =	stream.indirect_vreg.gather [hbm4b:s2+s3], $0x80, v3, vm0, $0xb8;
	[tilespmem:$0x1F000] =	vst v63  }
0x573: {  	s7 =	simm.s32 $0x3000  }
0x574: {  	[tilespmem:s7], [sflag:$0x1] =	stream.indirect_vreg.gather [hbm4b:s5+s3], $0x80, v3, vm0, $0xb8;
	[tilespmem:$0x1F000] =	vst v63  }
0x575: {  	s9 =	simm.s32 $0x3800  }
0x576: {  	[tilespmem:s9], [sflag:$0x1] =	stream.indirect_vreg.gather [hbm4b:s6+s3], $0x80, v3, vm0, $0xb8;
	[tilespmem:$0x1F000] =	vst v63  }
0x577: {  	v3 =	vld [tilespmem:$0xF10];
	_ =	sdelay $0x4  }
0x578: {  	v61 =	vshrl.u32 v3, $0x3  }
0x579: {  	v4 =	vmul.u32 $0x30, v61  }
0x57a: {  	v3 =	vand.u32 $0x7, v3  }
0x57b: {  	v3 =	vor.u32 v3, v4  }
0x57c: {  	v4 =	vperm.xlane v3, v0;
	_ =	sdelay $0x1  }
0x57d: {  	v4 =	vadd.s32 v1, v4;
	_ =	sdelay $0x3  }
0x57e: {  	s10 =	simm.s32 $0x4000;
	v3 =	vperm.xlane v3, v2  }
0x57f: {  	[tilespmem:s10], [sflag:$0x1] =	stream.indirect_vreg.gather [hbm4b:s2+s3], $0x80, v4, vm0, $0xb8;
	[tilespmem:$0x1F000] =	vst v63  }
0x580: {  	s21 =	simm.s32 $0x4800;
	v3 =	vadd.s32 v1, v3  }
0x581: {  	[tilespmem:s21], [sflag:$0x1] =	stream.indirect_vreg.gather [hbm4b:s5+s3], $0x80, v4, vm0, $0xb8;
	[tilespmem:$0x1F000] =	vst v63  }
0x582: {  	s22 =	simm.s32 $0x5000  }
0x583: {  	[tilespmem:s22], [sflag:$0x1] =	stream.indirect_vreg.gather [hbm4b:s6+s3], $0x80, v4, vm0, $0xb8;
	[tilespmem:$0x1F000] =	vst v63  }
0x584: {  	s23 =	simm.s32 $0x5800  }
0x585: {  	[tilespmem:s23], [sflag:$0x1] =	stream.indirect_vreg.gather [hbm4b:s2+s3], $0x80, v3, vm0, $0xb8;
	[tilespmem:$0x1F000] =	vst v63  }
0x586: {  	s26 =	simm.s32 $0x6000  }
0x587: {  	[tilespmem:s26], [sflag:$0x1] =	stream.indirect_vreg.gather [hbm4b:s5+s3], $0x80, v3, vm0, $0xb8;
	[tilespmem:$0x1F000] =	vst v63  }
0x588: {  	s28 =	simm.s32 $0x6800  }
0x589: {  	[tilespmem:s28], [sflag:$0x1] =	stream.indirect_vreg.gather [hbm4b:s6+s3], $0x80, v3, vm0, $0xb8;
	[tilespmem:$0x1F000] =	vst v63  }
0x58a: {  	_ =	swait.ge [sflag:s15], $0x6000  }
0x58b: {  	s29 =	sld [smem:$0x7FA]  }
0x58c: {  	[sflag:s15] =	ssyncset.done $0x0  }
0x58d: {  	[sflag:s15] =	ssyncadd.s32 $0xFFFFA000  }
0x58e: {  	[hbm4b:s29+s3] =	stream.linear.scatter [tilespmem:s8], [sflag:$0x9], $0x6000, $0x38;
	[tilespmem:$0x1F000] =	vst v63  }
0x58f: {  	_ =	swait.ge [sflag:s16], $0x6000  }
0x590: {  	[sflag:s16] =	ssyncset.done $0x0  }
0x591: {  	[sflag:s16] =	ssyncadd.s32 $0xFFFFA000  }
0x592: {  	v3 =	vld [tilespmem:$0xF80];
	_ =	sdelay $0x4  }
0x593: {  	v62 =	vshrl.u32 v3, $0x3  }
0x594: {  	v4 =	vmul.u32 $0x30, v62  }
0x595: {  	v3 =	vand.u32 $0x7, v3  }
0x596: {  	v3 =	vor.u32 v3, v4  }
0x597: {  	v4 =	vperm.xlane v3, v0;
	_ =	sdelay $0x1  }
0x598: {  	v4 =	vadd.s32 v1, v4;
	_ =	sdelay $0x3  }
0x599: {  	v3 =	vperm.xlane v3, v2  }
0x59a: {  	[tilespmem:s24], [sflag:$0x2] =	stream.indirect_vreg.gather [hbm4b:s2+s3], $0x80, v4, vm0, $0xb8;
	[tilespmem:$0x1F000] =	vst v63  }
0x59b: {  	s30 =	simm.s32 $0x7800;
	v3 =	vadd.s32 v1, v3  }
0x59c: {  	[tilespmem:s30], [sflag:$0x2] =	stream.indirect_vreg.gather [hbm4b:s5+s3], $0x80, v4, vm0, $0xb8;
	[tilespmem:$0x1F000] =	vst v63  }
0x59d: {  	s31 =	simm.s32 $0x8000  }
0x59e: {  	[tilespmem:s31], [sflag:$0x2] =	stream.indirect_vreg.gather [hbm4b:s6+s3], $0x80, v4, vm0, $0xb8;
	[tilespmem:$0x1F000] =	vst v63  }
0x59f: {  	s7 =	simm.s32 $0x8800  }
0x5a0: {  	[tilespmem:s7], [sflag:$0x2] =	stream.indirect_vreg.gather [hbm4b:s2+s3], $0x80, v3, vm0, $0xb8;
	[tilespmem:$0x1F000] =	vst v63  }
0x5a1: {  	s8 =	simm.s32 $0x9000  }
0x5a2: {  	[tilespmem:s8], [sflag:$0x2] =	stream.indirect_vreg.gather [hbm4b:s5+s3], $0x80, v3, vm0, $0xb8;
	[tilespmem:$0x1F000] =	vst v63  }
0x5a3: {  	s9 =	simm.s32 $0x9800  }
0x5a4: {  	[tilespmem:s9], [sflag:$0x2] =	stream.indirect_vreg.gather [hbm4b:s6+s3], $0x80, v3, vm0, $0xb8;
	[tilespmem:$0x1F000] =	vst v63  }
0x5a5: {  	v3 =	vld [tilespmem:$0xF90];
	_ =	sdelay $0x4  }
0x5a6: {  	v63 =	vshrl.u32 v3, $0x3  }
0x5a7: {  	v4 =	vmul.u32 $0x30, v63  }
0x5a8: {  	v3 =	vand.u32 $0x7, v3  }
0x5a9: {  	v3 =	vor.u32 v3, v4  }
0x5aa: {  	v4 =	vperm.xlane v3, v0;
	_ =	sdelay $0x1  }
0x5ab: {  	v4 =	vadd.s32 v1, v4;
	_ =	sdelay $0x3  }
0x5ac: {  	s10 =	simm.s32 $0xA000;
	v3 =	vperm.xlane v3, v2  }
0x5ad: {  	[tilespmem:s10], [sflag:$0x2] =	stream.indirect_vreg.gather [hbm4b:s2+s3], $0x80, v4, vm0, $0xb8;
	[tilespmem:$0x1F000] =	vst v63  }
0x5ae: {  	s21 =	simm.s32 $0xA800;
	v3 =	vadd.s32 v1, v3  }
0x5af: {  	[tilespmem:s21], [sflag:$0x2] =	stream.indirect_vreg.gather [hbm4b:s5+s3], $0x80, v4, vm0, $0xb8;
	[tilespmem:$0x1F000] =	vst v63  }
0x5b0: {  	s22 =	simm.s32 $0xB000  }
0x5b1: {  	[tilespmem:s22], [sflag:$0x2] =	stream.indirect_vreg.gather [hbm4b:s6+s3], $0x80, v4, vm0, $0xb8;
	[tilespmem:$0x1F000] =	vst v63  }
0x5b2: {  	s23 =	simm.s32 $0xB800  }
0x5b3: {  	[tilespmem:s23], [sflag:$0x2] =	stream.indirect_vreg.gather [hbm4b:s2+s3], $0x80, v3, vm0, $0xb8;
	[tilespmem:$0x1F000] =	vst v63  }
0x5b4: {  	s26 =	simm.s32 $0xC000  }
0x5b5: {  	[tilespmem:s26], [sflag:$0x2] =	stream.indirect_vreg.gather [hbm4b:s5+s3], $0x80, v3, vm0, $0xb8;
	[tilespmem:$0x1F000] =	vst v63  }
0x5b6: {  	s28 =	simm.s32 $0xC800  }
0x5b7: {  	[tilespmem:s28], [sflag:$0x2] =	stream.indirect_vreg.gather [hbm4b:s6+s3], $0x80, v3, vm0, $0xb8;
	[tilespmem:$0x1F000] =	vst v63  }
0x5b8: {  	_ =	swait.ge [sflag:s17], $0x6000  }
0x5b9: {  	s29 =	sld [smem:$0x7FB]  }
0x5ba: {  	[sflag:s17] =	ssyncset.done $0x0  }
0x5bb: {  	[sflag:s17] =	ssyncadd.s32 $0xFFFFA000  }
0x5bc: {  	[hbm4b:s29+s3] =	stream.linear.scatter [tilespmem:s1], [sflag:$0xA], $0x6000, $0x38;
	[tilespmem:$0x1F000] =	vst v63  }
0x5bd: {  	_ =	swait.ge [sflag:s11], $0x6000  }
0x5be: {  	s30 =	sld [smem:$0x7FC]  }
0x5bf: {  	[sflag:s11] =	ssyncset.done $0x0  }
0x5c0: {  	[sflag:s11] =	ssyncadd.s32 $0xFFFFA000  }
0x5c1: {  	[hbm4b:s30+s3] =	stream.linear.scatter [tilespmem:s13], [sflag:$0x6], $0x6000, $0x38;
	[tilespmem:$0x1F000] =	vst v63  }
0x5c2: {  	_ =	swait.ge [sflag:s12], $0x6000  }
0x5c3: {  	s31 =	sld [smem:$0x7FD]  }
0x5c4: {  	[sflag:s12] =	ssyncset.done $0x0  }
0x5c5: {  	[sflag:s12] =	ssyncadd.s32 $0xFFFFA000  }
0x5c6: {  	[hbm4b:s31+s3] =	stream.linear.scatter [tilespmem:s24], [sflag:$0x7], $0x6000, $0x38;
	[tilespmem:$0x1F000] =	vst v63  }
0x5c7: {  	_ =	swait.ge [sflag:s18], $0x6000  }
0x5c8: {  	[sflag:s18] =	ssyncset.done $0x0  }
0x5c9: {  	[sflag:s18] =	ssyncadd.s32 $0xFFFFA000  }
0x5ca: {  	_ =	swait.ge [sflag:s19], $0x6000  }
0x5cb: {  	[sflag:s19] =	ssyncset.done $0x0  }
0x5cc: {  	[sflag:s19] =	ssyncadd.s32 $0xFFFFA000  }
0x5cd: {  	_ =	swait.ge [sflag:s20], $0x6000  }
0x5ce: {  	[sflag:s20] =	ssyncset.done $0x0  }
0x5cf: {  	[sflag:s20] =	ssyncadd.s32 $0xFFFFA000  }
0x5d0: {  	p0 =	sne.s32 s0, $0x1;
	_ =	swait.ge [sflag:s14], $0x6000  }
.Ltmp0:
0x5d1: {  	[sflag:s14] =	ssyncset.done $0x0;
	(pc) =	sbr.rel @p0 .LBB2_1-.Ltmp0, $4  }
0x5d2: {  	[sflag:s14] =	ssyncadd.s32 $0xFFFFA000  }
0x5d3: {  	_ =	swait.ge [sflag:s16], $0x6000  }
0x5d4: {  	[sflag:s16] =	ssyncset.done $0x0  }
0x5d5: {  	s0 =	sadd.s32 $0xFFFFFFFF, s0;
	[sflag:s16] =	ssyncadd.s32 $0xFFFFA000  }
0x5d6: {  	_ =	sfence.sel $0x180000  }
0x5d7: {  	[bflag:$0x0] =	sbarrier.arrive $0xFFFF  }
0x5d8: {  	_ =	strace $0x90000047  }
0x5d9: {  	s0 =	stileid.u32;
	[bflag:$0x2] =	sbarrier.arrive $0xFFFF  }
0x5da: {  	p0 =	sne.s32 s0, $0x0;
	s0 =	rddreg [dreg:$0x3]  }
0x5db: {  	s0 =	sadd.s32 @!p0 $0x100000, s0  }
0x5dc: {  	[sflag:s0] =	ssyncadd.tile.s32 @!p0 $0x1;
	_ =	shalt  }
.Lfunc_end2:
_tile_overlayer_lowered:
.L_overlay_start_2:
0x5dd: {  	(tag) =	ssettag $0x2  }
0x5de: {  	s0 =	rddreg [dreg:$0x0];
	s2 =	stileid.u32  }
0x5df: {  	s1 =	rddreg [dreg:$0x1];
	p0 =	sne.s32 s2, $0x0  }
0x5e0: {  	s3 =	rddreg [dreg:$0x2];
	[bflag:$0x3] =	sbarrier.arrive $0xFFFF;
	s2 =	simm.s32 @!p0 $0x1C0B  }
0x5e1: {  	[timem:s3], [sflag:s2] =	dma.local @!p0 [hbm:s0], s1  }
0x5e2: {  	s0 =	simm.s32 @!p0 $0xB  }
0x5e3: {  	_ =	swait.ge @!p0 [sflag:s0], s1  }
0x5e4: {  	s1 =	ssub.s32 @!p0 $0x0, s1;
	[sflag:s0] =	ssyncset.done @!p0 $0x0  }
0x5e5: {  	[sflag:s0] =	ssyncadd.s32 @!p0 s1  }
0x5e6: {  	[bflag:$0x3] =	sbarrier.arrive $0xFFFF  }
0x5e7: {  	_ =	shalt  }

</sc_bundles>
